<compile_context>
chip_gen: v7x
topology: tpu7x:2x2x1
jax: 0.10.2.dev20260603
libtpu: 0.0.44.dev20260713+nightly
codegen_flags: <defaults>
</compile_context>

<pallas_src>
import functools

import jax
import jax.numpy as jnp
from jax import lax
from jax.experimental import pallas as pl
from jax.experimental.pallas import tpu as pltpu
from jax.experimental.pallas import tpu_sc as plsc

E = 71680
NN = 4480
AD = 32
BD = 16
NC = 2
NS = 16
NW = NC * NS
EPW = E // NW
CH = 112
NCH = EPW // CH
RPT = NN // NS
BE = 2048
K_AUG = BD * AD + AD


def _sc_mesh():
    return plsc.VectorSubcoreMesh(core_axis_name="c", subcore_axis_name="s")


_SC_PARAMS = pltpu.CompilerParams(use_tc_tiling_on_sc=False)


def _gather(atom_feat, dst_idx):

    @functools.partial(
        pl.kernel,
        out_type=jax.ShapeDtypeStruct((E, AD), jnp.float32),
        mesh=_sc_mesh(),
        scratch_types=[
            pltpu.VMEM((NCH, CH), jnp.int32),
            pltpu.VMEM((EPW, AD), jnp.float32),
            pltpu.SemaphoreType.DMA,
        ],
        compiler_params=_SC_PARAMS,
    )
    def gather_kernel(table_hbm, idx_hbm, out_hbm, idx_v, rows_v, sem):
        c = lax.axis_index("c")
        s = lax.axis_index("s")
        wid = s * NC + c
        pltpu.sync_copy(idx_hbm.at[wid], idx_v)
        copies = []
        for j in range(NCH):
            copies.append(
                pltpu.async_copy(
                    table_hbm.at[idx_v.at[j]],
                    rows_v.at[pl.ds(j * CH, CH)],
                    sem,
                )
            )
        for cp in copies:
            cp.wait()
        pltpu.sync_copy(rows_v, out_hbm.at[pl.ds(wid * EPW, EPW)])

    return gather_kernel(atom_feat, dst_idx)


def _dense_body(b_ref, n_ref, w_ref, o_ref):
    nb_t = n_ref[...].T
    b_t = b_ref[...].T
    w = w_ref[...]
    outs = []
    for q in range(4):
        nb_q = nb_t[AD * q:AD * (q + 1), :]
        b_q = b_t[BD * q:BD * (q + 1), :]
        parts = [b_q[k:k + 1, :] * nb_q for k in range(BD)]
        parts.append(nb_q)
        z_q = jnp.concatenate(parts, axis=0)
        outs.append(jnp.dot(w, z_q, preferred_element_type=jnp.float32))
    o_ref[...] = jnp.concatenate(outs, axis=0).T


def _dense(bond64, nb128, w2_aug_t):
    return pl.pallas_call(
        _dense_body,
        grid=(E // BE,),
        in_specs=[
            pl.BlockSpec((BE // 4, 64), lambda i: (i, 0)),
            pl.BlockSpec((BE // 4, 128), lambda i: (i, 0)),
            pl.BlockSpec((AD, K_AUG), lambda i: (0, 0)),
        ],
        out_specs=pl.BlockSpec((BE // 4, 128), lambda i: (i, 0)),
        out_shape=jax.ShapeDtypeStruct((E // 4, 128), jnp.float32),
    )(bond64, nb128, w2_aug_t)


def _scatter(msg, src_idx, zeros):

    @functools.partial(
        pl.kernel,
        out_type=jax.ShapeDtypeStruct((NC, NN, AD), jnp.float32),
        mesh=_sc_mesh(),
        scratch_types=[
            pltpu.VMEM((NCH, CH), jnp.int32),
            pltpu.VMEM((EPW, AD), jnp.float32),
            pltpu.VMEM_SHARED((NN, AD), jnp.float32),
            pltpu.SemaphoreType.DMA,
        ],
        compiler_params=_SC_PARAMS,
    )
    def scatter_kernel(msg_hbm, idx_hbm, zero_hbm, out_hbm, idx_v, msg_v, acc, sem):
        c = lax.axis_index("c")
        s = lax.axis_index("s")
        wid = s * NC + c
        pltpu.sync_copy(
            zero_hbm.at[pl.ds(s * RPT, RPT)], acc.at[pl.ds(s * RPT, RPT)]
        )
        pltpu.sync_copy(idx_hbm.at[wid], idx_v)
        pltpu.sync_copy(msg_hbm.at[pl.ds(wid * EPW, EPW)], msg_v)
        plsc.subcore_barrier()
        for j in range(NCH):
            pltpu.sync_copy(
                msg_v.at[pl.ds(j * CH, CH)], acc.at[idx_v.at[j]], add=True
            )
        plsc.subcore_barrier()
        pltpu.sync_copy(
            acc.at[pl.ds(s * RPT, RPT)], out_hbm.at[c, pl.ds(s * RPT, RPT)]
        )

    return scatter_kernel(msg, src_idx, zeros)


def _combine_body(p_ref, o_ref):
    o_ref[...] = p_ref[0] + p_ref[1]


def _combine(partials):
    out128 = pl.pallas_call(
        _combine_body,
        out_shape=jax.ShapeDtypeStruct((NN * AD // 128, 128), jnp.float32),
    )(partials.reshape(NC, NN * AD // 128, 128))
    return out128.reshape(NN, AD)


def kernel(atom_feat, bond_feat, pair_idx, kernel, bias):
    w2 = kernel.reshape(BD, AD, AD).transpose(0, 2, 1).reshape(BD * AD, AD)
    w2_aug = jnp.concatenate([w2, bias.reshape(AD, AD).T], axis=0)
    idx = pair_idx.astype(jnp.int32)
    src = idx[:, 0].reshape(NW, NCH, CH)
    dst = idx[:, 1].reshape(NW, NCH, CH)

    neighbor = _gather(atom_feat, dst)
    msg128 = _dense(
        bond_feat.reshape(E // 4, 4 * BD),
        neighbor.reshape(E // 4, 4 * AD),
        w2_aug.T,
    )
    partials = _scatter(
        msg128.reshape(E, AD), src, jnp.zeros((NN, AD), jnp.float32)
    )
    return _combine(partials)

# --- scband reference (transcript-rebuilt; emitter-appended) ---
"""Pipeline reference for scband-edge-network-24747601560132 (READ-ONLY COPY).

The authoritative reference and input builder live on the scoring server;
editing this copy changes nothing except your own understanding.
"""

import jax, jax.numpy as jnp
import numpy as np

BATCH_SIZE = 64
MAX_ATOMS = 70
NUM_NODES = BATCH_SIZE * MAX_ATOMS  # 4480
NUM_EDGES = 71680
ATOM_DIM = 32
BOND_DIM = 16


def setup_inputs(seed: int = 0) -> dict:
    key = jax.random.key(seed)
    k1, k2, k3, k4, k5 = jax.random.split(key, 5)
    atom_feat = jax.random.normal(k1, (NUM_NODES, ATOM_DIM), dtype=jnp.float32)
    bond_feat = jax.random.normal(k2, (NUM_EDGES, BOND_DIM), dtype=jnp.float32)
    pair_idx = jax.random.randint(k3, (NUM_EDGES, 2), 0, NUM_NODES, dtype=jnp.int64)
    # glorot_uniform for kernel (bond_dim, atom_dim**2)
    fan_in, fan_out = BOND_DIM, ATOM_DIM ** 2
    limit = np.sqrt(6.0 / (fan_in + fan_out))
    kernel = jax.random.uniform(k4, (BOND_DIM, ATOM_DIM ** 2), minval=-limit, maxval=limit, dtype=jnp.float32)
    bias = jnp.zeros((ATOM_DIM ** 2,), dtype=jnp.float32)
    return {"atom_feat": atom_feat, "bond_feat": bond_feat, "pair_idx": pair_idx, "kernel": kernel, "bias": bias}


def reference(atom_feat, bond_feat, pair_idx, kernel, bias):
    bond_transformed = jnp.matmul(bond_feat, kernel) + bias
    bond_transformed = jnp.reshape(bond_transformed, (-1, ATOM_DIM, ATOM_DIM))
    neighbor_feat = jnp.take(atom_feat, pair_idx[:, 1].astype(jnp.int32), axis=0)
    messages = jnp.squeeze(jnp.matmul(bond_transformed, jnp.expand_dims(neighbor_feat, -1)), -1)
    aggregated = jax.ops.segment_sum(messages, pair_idx[:, 0].astype(jnp.int32), num_segments=NUM_NODES)
    return aggregated

if __name__ == "__main__":
    import jax
    _d = setup_inputs()
    print(jax.jit(kernel)(*tuple(_d.values())))

</pallas_src>

<mosaic_0001>
#map = affine_map<(d0, d1) -> (0, 0)>
#map1 = affine_map<(d0, d1) -> (0, 0, 0)>
module attributes {stable_mosaic.version = 14 : i64} {
  func.func @scatter_kernel(%arg0: i32, %arg1: i32, %arg2: memref<71680x32xf32, #tpu.memory_space<hbm>>, %arg3: memref<32x20x112xi32, #tpu.memory_space<hbm>>, %arg4: memref<4480x32xf32, #tpu.memory_space<hbm>>, %arg5: memref<2x4480x32xf32, #tpu.memory_space<hbm>>, %arg6: memref<20x112xi32, #tpu.memory_space<vmem>>, %arg7: memref<2240x32xf32, #tpu.memory_space<vmem>>, %arg8: memref<4480x32xf32, #tpu.memory_space<vmem_shared>>, %arg9: memref<!tpu.dma_semaphore, #tpu.memory_space<semaphore_mem>>) attributes {dimension_semantics = [#tpu.dimension_semantics<core_parallel>, #tpu.dimension_semantics<subcore_parallel>], iteration_bounds = array<i64: 2, 16>, scalar_prefetch = 0 : i64, scratch_operands = 4 : i64, tpu.core_type = #tpu.core_type<sc_vector_subcore>, window_params = [{transform_indices = #map}, {transform_indices = #map1}, {transform_indices = #map}, {transform_indices = #map1}]} {
    %mul3A = arith.constant 2 : i32
    %mul3A_0 = arith.muli %arg1, %mul3A : i32
    %add3A = arith.addi %mul3A_0, %arg0 : i32
    %mul3A_1 = arith.constant 280 : i32
    %mul3A_2 = arith.muli %arg1, %mul3A_1 : i32
    %mul3A_3 = arith.constant 280 : i32
    %mul3A_4 = arith.muli %arg1, %mul3A_3 : i32
    "tpu.region"() ({
      %run_scoped3A_31 = tpu.sem_alloc : memref<!tpu.dma_semaphore, #tpu.memory_space<semaphore_mem>>
      %dma_start3A = arith.constant 0 : i32
      %dma_start3A_32 = tpu.memref_slice %arg8[%mul3A_4, %dma_start3A] : memref<4480x32xf32, #tpu.memory_space<vmem_shared>> -> memref<280x32xf32, #tpu.memory_space<vmem_shared>>
      %dma_start3A_33 = arith.constant 0 : i32
      %dma_start3A_34 = tpu.memref_slice %arg4[%mul3A_2, %dma_start3A_33] : memref<4480x32xf32, #tpu.memory_space<hbm>> -> memref<280x32xf32, #tpu.memory_space<hbm>>
      tpu.enqueue_dma source(%dma_start3A_34 : memref<280x32xf32, #tpu.memory_space<hbm>>) target(%dma_start3A_32 : memref<280x32xf32, #tpu.memory_space<vmem_shared>>) target_semaphore(%run_scoped3A_31 : memref<!tpu.dma_semaphore, #tpu.memory_space<semaphore_mem>>)
      %dma_wait3A = arith.constant 0 : i32
      %dma_wait3A_35 = tpu.memref_slice %arg8[%mul3A_4, %dma_wait3A] : memref<4480x32xf32, #tpu.memory_space<vmem_shared>> -> memref<280x32xf32, #tpu.memory_space<vmem_shared>>
      %dma_wait3A_36 = arith.constant 0 : i32
      %dma_wait3A_37 = tpu.memref_slice %arg4[%mul3A_2, %dma_wait3A_36] : memref<4480x32xf32, #tpu.memory_space<hbm>> -> memref<280x32xf32, #tpu.memory_space<hbm>>
      tpu.wait_dma2 semaphore(%run_scoped3A_31 : memref<!tpu.dma_semaphore, #tpu.memory_space<semaphore_mem>>) src(%dma_wait3A_37 : memref<280x32xf32, #tpu.memory_space<hbm>>) dst(%dma_wait3A_35 : memref<280x32xf32, #tpu.memory_space<vmem_shared>>)
      tpu.yield
    }) : () -> ()
    "tpu.region"() ({
      %run_scoped3A_31 = tpu.sem_alloc : memref<!tpu.dma_semaphore, #tpu.memory_space<semaphore_mem>>
      %dma_start3A = arith.constant 0 : i32
      %dma_start3A_32 = arith.constant 0 : i32
      %dma_start3A_33 = tpu.memref_slice %arg3[%add3A, %dma_start3A, %dma_start3A_32] : memref<32x20x112xi32, #tpu.memory_space<hbm>> -> memref<1x20x112xi32, #tpu.memory_space<hbm>>
      %dma_start3A_34 = tpu.memref_squeeze %dma_start3A_33 : memref<1x20x112xi32, #tpu.memory_space<hbm>> -> memref<20x112xi32, #tpu.memory_space<hbm>>
      %dma_start3A_35 = arith.constant 0 : i32
      %dma_start3A_36 = arith.constant 0 : i32
      %dma_start3A_37 = tpu.memref_slice %arg3[%add3A, %dma_start3A_35, %dma_start3A_36] : memref<32x20x112xi32, #tpu.memory_space<hbm>> -> memref<1x20x112xi32, #tpu.memory_space<hbm>>
      %dma_start3A_38 = tpu.memref_squeeze %dma_start3A_37 : memref<1x20x112xi32, #tpu.memory_space<hbm>> -> memref<20x112xi32, #tpu.memory_space<hbm>>
      tpu.enqueue_dma source(%dma_start3A_38 : memref<20x112xi32, #tpu.memory_space<hbm>>) target(%arg6 : memref<20x112xi32, #tpu.memory_space<vmem>>) target_semaphore(%run_scoped3A_31 : memref<!tpu.dma_semaphore, #tpu.memory_space<semaphore_mem>>)
      %dma_wait3A = arith.constant 0 : i32
      %dma_wait3A_39 = arith.constant 0 : i32
      %dma_wait3A_40 = tpu.memref_slice %arg3[%add3A, %dma_wait3A, %dma_wait3A_39] : memref<32x20x112xi32, #tpu.memory_space<hbm>> -> memref<1x20x112xi32, #tpu.memory_space<hbm>>
      %dma_wait3A_41 = tpu.memref_squeeze %dma_wait3A_40 : memref<1x20x112xi32, #tpu.memory_space<hbm>> -> memref<20x112xi32, #tpu.memory_space<hbm>>
      %dma_wait3A_42 = arith.constant 0 : i32
      %dma_wait3A_43 = arith.constant 0 : i32
      %dma_wait3A_44 = tpu.memref_slice %arg3[%add3A, %dma_wait3A_42, %dma_wait3A_43] : memref<32x20x112xi32, #tpu.memory_space<hbm>> -> memref<1x20x112xi32, #tpu.memory_space<hbm>>
      %dma_wait3A_45 = tpu.memref_squeeze %dma_wait3A_44 : memref<1x20x112xi32, #tpu.memory_space<hbm>> -> memref<20x112xi32, #tpu.memory_space<hbm>>
      tpu.wait_dma2 semaphore(%run_scoped3A_31 : memref<!tpu.dma_semaphore, #tpu.memory_space<semaphore_mem>>) src(%dma_wait3A_45 : memref<20x112xi32, #tpu.memory_space<hbm>>) dst(%arg6 : memref<20x112xi32, #tpu.memory_space<vmem>>)
      tpu.yield
    }) : () -> ()
    %mul3A_5 = arith.constant 2240 : i32
    %mul3A_6 = arith.muli %add3A, %mul3A_5 : i32
    "tpu.region"() ({
      %run_scoped3A_31 = tpu.sem_alloc : memref<!tpu.dma_semaphore, #tpu.memory_space<semaphore_mem>>
      %dma_start3A = arith.constant 0 : i32
      %dma_start3A_32 = tpu.memref_slice %arg2[%mul3A_6, %dma_start3A] : memref<71680x32xf32, #tpu.memory_space<hbm>> -> memref<2240x32xf32, #tpu.memory_space<hbm>>
      %dma_start3A_33 = arith.constant 0 : i32
      %dma_start3A_34 = tpu.memref_slice %arg2[%mul3A_6, %dma_start3A_33] : memref<71680x32xf32, #tpu.memory_space<hbm>> -> memref<2240x32xf32, #tpu.memory_space<hbm>>
      tpu.enqueue_dma source(%dma_start3A_34 : memref<2240x32xf32, #tpu.memory_space<hbm>>) target(%arg7 : memref<2240x32xf32, #tpu.memory_space<vmem>>) target_semaphore(%run_scoped3A_31 : memref<!tpu.dma_semaphore, #tpu.memory_space<semaphore_mem>>)
      %dma_wait3A = arith.constant 0 : i32
      %dma_wait3A_35 = tpu.memref_slice %arg2[%mul3A_6, %dma_wait3A] : memref<71680x32xf32, #tpu.memory_space<hbm>> -> memref<2240x32xf32, #tpu.memory_space<hbm>>
      %dma_wait3A_36 = arith.constant 0 : i32
      %dma_wait3A_37 = tpu.memref_slice %arg2[%mul3A_6, %dma_wait3A_36] : memref<71680x32xf32, #tpu.memory_space<hbm>> -> memref<2240x32xf32, #tpu.memory_space<hbm>>
      tpu.wait_dma2 semaphore(%run_scoped3A_31 : memref<!tpu.dma_semaphore, #tpu.memory_space<semaphore_mem>>) src(%dma_wait3A_37 : memref<2240x32xf32, #tpu.memory_space<hbm>>) dst(%arg7 : memref<2240x32xf32, #tpu.memory_space<vmem>>)
      tpu.yield
    }) : () -> ()
    %barrier3A = arith.constant 0 : index
    tpu.barrier barrier_id(%barrier3A)
    %run_scoped3A = arith.constant 0 : i32
    "tpu.region"() ({
      %run_scoped3A_31 = tpu.sem_alloc : memref<!tpu.dma_semaphore, #tpu.memory_space<semaphore_mem>>
      %dma_start3A = arith.constant 0 : i32
      %dma_start3A_32 = arith.constant 0 : i32
      %dma_start3A_33 = tpu.memref_slice %arg7[%dma_start3A, %dma_start3A_32] : memref<2240x32xf32, #tpu.memory_space<vmem>> -> memref<112x32xf32, #tpu.memory_space<vmem>>
      %dma_start3A_34 = arith.constant 0 : i32
      %dma_start3A_35 = tpu.memref_slice %arg6[%run_scoped3A, %dma_start3A_34] : memref<20x112xi32, #tpu.memory_space<vmem>> -> memref<1x112xi32, #tpu.memory_space<vmem>>
      %dma_start3A_36 = tpu.memref_squeeze %dma_start3A_35 : memref<1x112xi32, #tpu.memory_space<vmem>> -> memref<112xi32, #tpu.memory_space<vmem>>
      %dma_start3A_37 = arith.constant 0 : i32
      %dma_start3A_38 = arith.constant 0 : i32
      %dma_start3A_39 = tpu.memref_slice %arg8[%dma_start3A_37, %dma_start3A_38] : memref<4480x32xf32, #tpu.memory_space<vmem_shared>> -> memref<4480x32xf32, #tpu.memory_space<vmem_shared>>
      tpu.enqueue_indirect_dma source(%dma_start3A_33 : memref<112x32xf32, #tpu.memory_space<vmem>>) target(%dma_start3A_39 : memref<4480x32xf32, #tpu.memory_space<vmem_shared>>) offsets(%dma_start3A_36 : memref<112xi32, #tpu.memory_space<vmem>>) semaphore(%run_scoped3A_31 : memref<!tpu.dma_semaphore, #tpu.memory_space<semaphore_mem>>) {add = true}
      %dma_wait3A = arith.constant 0 : i32
      %dma_wait3A_40 = arith.constant 0 : i32
      %dma_wait3A_41 = tpu.memref_slice %arg7[%dma_wait3A, %dma_wait3A_40] : memref<2240x32xf32, #tpu.memory_space<vmem>> -> memref<112x32xf32, #tpu.memory_space<vmem>>
      %dma_wait3A_42 = arith.constant 0 : i32
      %dma_wait3A_43 = tpu.memref_slice %arg6[%run_scoped3A, %dma_wait3A_42] : memref<20x112xi32, #tpu.memory_space<vmem>> -> memref<1x112xi32, #tpu.memory_space<vmem>>
      %dma_wait3A_44 = tpu.memref_squeeze %dma_wait3A_43 : memref<1x112xi32, #tpu.memory_space<vmem>> -> memref<112xi32, #tpu.memory_space<vmem>>
      %dma_wait3A_45 = arith.constant 0 : i32
      %dma_wait3A_46 = arith.constant 0 : i32
      %dma_wait3A_47 = tpu.memref_slice %arg8[%dma_wait3A_45, %dma_wait3A_46] : memref<4480x32xf32, #tpu.memory_space<vmem_shared>> -> memref<4480x32xf32, #tpu.memory_space<vmem_shared>>
      tpu.wait_indirect_dma semaphore(%run_scoped3A_31 : memref<!tpu.dma_semaphore, #tpu.memory_space<semaphore_mem>>) src(%dma_wait3A_41 : memref<112x32xf32, #tpu.memory_space<vmem>>) dst(%dma_wait3A_47 : memref<4480x32xf32, #tpu.memory_space<vmem_shared>>)
      tpu.yield
    }) : () -> ()
    %run_scoped3A_7 = arith.constant 1 : i32
    "tpu.region"() ({
      %run_scoped3A_31 = tpu.sem_alloc : memref<!tpu.dma_semaphore, #tpu.memory_space<semaphore_mem>>
      %dma_start3A = arith.constant 112 : i32
      %dma_start3A_32 = arith.constant 0 : i32
      %dma_start3A_33 = tpu.memref_slice %arg7[%dma_start3A, %dma_start3A_32] : memref<2240x32xf32, #tpu.memory_space<vmem>> -> memref<112x32xf32, #tpu.memory_space<vmem>>
      %dma_start3A_34 = arith.constant 0 : i32
      %dma_start3A_35 = tpu.memref_slice %arg6[%run_scoped3A_7, %dma_start3A_34] : memref<20x112xi32, #tpu.memory_space<vmem>> -> memref<1x112xi32, #tpu.memory_space<vmem>>
      %dma_start3A_36 = tpu.memref_squeeze %dma_start3A_35 : memref<1x112xi32, #tpu.memory_space<vmem>> -> memref<112xi32, #tpu.memory_space<vmem>>
      %dma_start3A_37 = arith.constant 0 : i32
      %dma_start3A_38 = arith.constant 0 : i32
      %dma_start3A_39 = tpu.memref_slice %arg8[%dma_start3A_37, %dma_start3A_38] : memref<4480x32xf32, #tpu.memory_space<vmem_shared>> -> memref<4480x32xf32, #tpu.memory_space<vmem_shared>>
      tpu.enqueue_indirect_dma source(%dma_start3A_33 : memref<112x32xf32, #tpu.memory_space<vmem>>) target(%dma_start3A_39 : memref<4480x32xf32, #tpu.memory_space<vmem_shared>>) offsets(%dma_start3A_36 : memref<112xi32, #tpu.memory_space<vmem>>) semaphore(%run_scoped3A_31 : memref<!tpu.dma_semaphore, #tpu.memory_space<semaphore_mem>>) {add = true}
      %dma_wait3A = arith.constant 112 : i32
      %dma_wait3A_40 = arith.constant 0 : i32
      %dma_wait3A_41 = tpu.memref_slice %arg7[%dma_wait3A, %dma_wait3A_40] : memref<2240x32xf32, #tpu.memory_space<vmem>> -> memref<112x32xf32, #tpu.memory_space<vmem>>
      %dma_wait3A_42 = arith.constant 0 : i32
      %dma_wait3A_43 = tpu.memref_slice %arg6[%run_scoped3A_7, %dma_wait3A_42] : memref<20x112xi32, #tpu.memory_space<vmem>> -> memref<1x112xi32, #tpu.memory_space<vmem>>
      %dma_wait3A_44 = tpu.memref_squeeze %dma_wait3A_43 : memref<1x112xi32, #tpu.memory_space<vmem>> -> memref<112xi32, #tpu.memory_space<vmem>>
      %dma_wait3A_45 = arith.constant 0 : i32
      %dma_wait3A_46 = arith.constant 0 : i32
      %dma_wait3A_47 = tpu.memref_slice %arg8[%dma_wait3A_45, %dma_wait3A_46] : memref<4480x32xf32, #tpu.memory_space<vmem_shared>> -> memref<4480x32xf32, #tpu.memory_space<vmem_shared>>
      tpu.wait_indirect_dma semaphore(%run_scoped3A_31 : memref<!tpu.dma_semaphore, #tpu.memory_space<semaphore_mem>>) src(%dma_wait3A_41 : memref<112x32xf32, #tpu.memory_space<vmem>>) dst(%dma_wait3A_47 : memref<4480x32xf32, #tpu.memory_space<vmem_shared>>)
      tpu.yield
    }) : () -> ()
    %run_scoped3A_8 = arith.constant 2 : i32
    "tpu.region"() ({
      %run_scoped3A_31 = tpu.sem_alloc : memref<!tpu.dma_semaphore, #tpu.memory_space<semaphore_mem>>
      %dma_start3A = arith.constant 224 : i32
      %dma_start3A_32 = arith.constant 0 : i32
      %dma_start3A_33 = tpu.memref_slice %arg7[%dma_start3A, %dma_start3A_32] : memref<2240x32xf32, #tpu.memory_space<vmem>> -> memref<112x32xf32, #tpu.memory_space<vmem>>
      %dma_start3A_34 = arith.constant 0 : i32
      %dma_start3A_35 = tpu.memref_slice %arg6[%run_scoped3A_8, %dma_start3A_34] : memref<20x112xi32, #tpu.memory_space<vmem>> -> memref<1x112xi32, #tpu.memory_space<vmem>>
      %dma_start3A_36 = tpu.memref_squeeze %dma_start3A_35 : memref<1x112xi32, #tpu.memory_space<vmem>> -> memref<112xi32, #tpu.memory_space<vmem>>
      %dma_start3A_37 = arith.constant 0 : i32
      %dma_start3A_38 = arith.constant 0 : i32
      %dma_start3A_39 = tpu.memref_slice %arg8[%dma_start3A_37, %dma_start3A_38] : memref<4480x32xf32, #tpu.memory_space<vmem_shared>> -> memref<4480x32xf32, #tpu.memory_space<vmem_shared>>
      tpu.enqueue_indirect_dma source(%dma_start3A_33 : memref<112x32xf32, #tpu.memory_space<vmem>>) target(%dma_start3A_39 : memref<4480x32xf32, #tpu.memory_space<vmem_shared>>) offsets(%dma_start3A_36 : memref<112xi32, #tpu.memory_space<vmem>>) semaphore(%run_scoped3A_31 : memref<!tpu.dma_semaphore, #tpu.memory_space<semaphore_mem>>) {add = true}
      %dma_wait3A = arith.constant 224 : i32
      %dma_wait3A_40 = arith.constant 0 : i32
      %dma_wait3A_41 = tpu.memref_slice %arg7[%dma_wait3A, %dma_wait3A_40] : memref<2240x32xf32, #tpu.memory_space<vmem>> -> memref<112x32xf32, #tpu.memory_space<vmem>>
      %dma_wait3A_42 = arith.constant 0 : i32
      %dma_wait3A_43 = tpu.memref_slice %arg6[%run_scoped3A_8, %dma_wait3A_42] : memref<20x112xi32, #tpu.memory_space<vmem>> -> memref<1x112xi32, #tpu.memory_space<vmem>>
      %dma_wait3A_44 = tpu.memref_squeeze %dma_wait3A_43 : memref<1x112xi32, #tpu.memory_space<vmem>> -> memref<112xi32, #tpu.memory_space<vmem>>
      %dma_wait3A_45 = arith.constant 0 : i32
      %dma_wait3A_46 = arith.constant 0 : i32
      %dma_wait3A_47 = tpu.memref_slice %arg8[%dma_wait3A_45, %dma_wait3A_46] : memref<4480x32xf32, #tpu.memory_space<vmem_shared>> -> memref<4480x32xf32, #tpu.memory_space<vmem_shared>>
      tpu.wait_indirect_dma semaphore(%run_scoped3A_31 : memref<!tpu.dma_semaphore, #tpu.memory_space<semaphore_mem>>) src(%dma_wait3A_41 : memref<112x32xf32, #tpu.memory_space<vmem>>) dst(%dma_wait3A_47 : memref<4480x32xf32, #tpu.memory_space<vmem_shared>>)
      tpu.yield
    }) : () -> ()
    %run_scoped3A_9 = arith.constant 3 : i32
    "tpu.region"() ({
      %run_scoped3A_31 = tpu.sem_alloc : memref<!tpu.dma_semaphore, #tpu.memory_space<semaphore_mem>>
      %dma_start3A = arith.constant 336 : i32
      %dma_start3A_32 = arith.constant 0 : i32
      %dma_start3A_33 = tpu.memref_slice %arg7[%dma_start3A, %dma_start3A_32] : memref<2240x32xf32, #tpu.memory_space<vmem>> -> memref<112x32xf32, #tpu.memory_space<vmem>>
      %dma_start3A_34 = arith.constant 0 : i32
      %dma_start3A_35 = tpu.memref_slice %arg6[%run_scoped3A_9, %dma_start3A_34] : memref<20x112xi32, #tpu.memory_space<vmem>> -> memref<1x112xi32, #tpu.memory_space<vmem>>
      %dma_start3A_36 = tpu.memref_squeeze %dma_start3A_35 : memref<1x112xi32, #tpu.memory_space<vmem>> -> memref<112xi32, #tpu.memory_space<vmem>>
      %dma_start3A_37 = arith.constant 0 : i32
      %dma_start3A_38 = arith.constant 0 : i32
      %dma_start3A_39 = tpu.memref_slice %arg8[%dma_start3A_37, %dma_start3A_38] : memref<4480x32xf32, #tpu.memory_space<vmem_shared>> -> memref<4480x32xf32, #tpu.memory_space<vmem_shared>>
      tpu.enqueue_indirect_dma source(%dma_start3A_33 : memref<112x32xf32, #tpu.memory_space<vmem>>) target(%dma_start3A_39 : memref<4480x32xf32, #tpu.memory_space<vmem_shared>>) offsets(%dma_start3A_36 : memref<112xi32, #tpu.memory_space<vmem>>) semaphore(%run_scoped3A_31 : memref<!tpu.dma_semaphore, #tpu.memory_space<semaphore_mem>>) {add = true}
      %dma_wait3A = arith.constant 336 : i32
      %dma_wait3A_40 = arith.constant 0 : i32
      %dma_wait3A_41 = tpu.memref_slice %arg7[%dma_wait3A, %dma_wait3A_40] : memref<2240x32xf32, #tpu.memory_space<vmem>> -> memref<112x32xf32, #tpu.memory_space<vmem>>
      %dma_wait3A_42 = arith.constant 0 : i32
      %dma_wait3A_43 = tpu.memref_slice %arg6[%run_scoped3A_9, %dma_wait3A_42] : memref<20x112xi32, #tpu.memory_space<vmem>> -> memref<1x112xi32, #tpu.memory_space<vmem>>
      %dma_wait3A_44 = tpu.memref_squeeze %dma_wait3A_43 : memref<1x112xi32, #tpu.memory_space<vmem>> -> memref<112xi32, #tpu.memory_space<vmem>>
      %dma_wait3A_45 = arith.constant 0 : i32
      %dma_wait3A_46 = arith.constant 0 : i32
      %dma_wait3A_47 = tpu.memref_slice %arg8[%dma_wait3A_45, %dma_wait3A_46] : memref<4480x32xf32, #tpu.memory_space<vmem_shared>> -> memref<4480x32xf32, #tpu.memory_space<vmem_shared>>
      tpu.wait_indirect_dma semaphore(%run_scoped3A_31 : memref<!tpu.dma_semaphore, #tpu.memory_space<semaphore_mem>>) src(%dma_wait3A_41 : memref<112x32xf32, #tpu.memory_space<vmem>>) dst(%dma_wait3A_47 : memref<4480x32xf32, #tpu.memory_space<vmem_shared>>)
      tpu.yield
    }) : () -> ()
    %run_scoped3A_10 = arith.constant 4 : i32
    "tpu.region"() ({
      %run_scoped3A_31 = tpu.sem_alloc : memref<!tpu.dma_semaphore, #tpu.memory_space<semaphore_mem>>
      %dma_start3A = arith.constant 448 : i32
      %dma_start3A_32 = arith.constant 0 : i32
      %dma_start3A_33 = tpu.memref_slice %arg7[%dma_start3A, %dma_start3A_32] : memref<2240x32xf32, #tpu.memory_space<vmem>> -> memref<112x32xf32, #tpu.memory_space<vmem>>
      %dma_start3A_34 = arith.constant 0 : i32
      %dma_start3A_35 = tpu.memref_slice %arg6[%run_scoped3A_10, %dma_start3A_34] : memref<20x112xi32, #tpu.memory_space<vmem>> -> memref<1x112xi32, #tpu.memory_space<vmem>>
      %dma_start3A_36 = tpu.memref_squeeze %dma_start3A_35 : memref<1x112xi32, #tpu.memory_space<vmem>> -> memref<112xi32, #tpu.memory_space<vmem>>
      %dma_start3A_37 = arith.constant 0 : i32
      %dma_start3A_38 = arith.constant 0 : i32
      %dma_start3A_39 = tpu.memref_slice %arg8[%dma_start3A_37, %dma_start3A_38] : memref<4480x32xf32, #tpu.memory_space<vmem_shared>> -> memref<4480x32xf32, #tpu.memory_space<vmem_shared>>
      tpu.enqueue_indirect_dma source(%dma_start3A_33 : memref<112x32xf32, #tpu.memory_space<vmem>>) target(%dma_start3A_39 : memref<4480x32xf32, #tpu.memory_space<vmem_shared>>) offsets(%dma_start3A_36 : memref<112xi32, #tpu.memory_space<vmem>>) semaphore(%run_scoped3A_31 : memref<!tpu.dma_semaphore, #tpu.memory_space<semaphore_mem>>) {add = true}
      %dma_wait3A = arith.constant 448 : i32
      %dma_wait3A_40 = arith.constant 0 : i32
      %dma_wait3A_41 = tpu.memref_slice %arg7[%dma_wait3A, %dma_wait3A_40] : memref<2240x32xf32, #tpu.memory_space<vmem>> -> memref<112x32xf32, #tpu.memory_space<vmem>>
      %dma_wait3A_42 = arith.constant 0 : i32
      %dma_wait3A_43 = tpu.memref_slice %arg6[%run_scoped3A_10, %dma_wait3A_42] : memref<20x112xi32, #tpu.memory_space<vmem>> -> memref<1x112xi32, #tpu.memory_space<vmem>>
      %dma_wait3A_44 = tpu.memref_squeeze %dma_wait3A_43 : memref<1x112xi32, #tpu.memory_space<vmem>> -> memref<112xi32, #tpu.memory_space<vmem>>
      %dma_wait3A_45 = arith.constant 0 : i32
      %dma_wait3A_46 = arith.constant 0 : i32
      %dma_wait3A_47 = tpu.memref_slice %arg8[%dma_wait3A_45, %dma_wait3A_46] : memref<4480x32xf32, #tpu.memory_space<vmem_shared>> -> memref<4480x32xf32, #tpu.memory_space<vmem_shared>>
      tpu.wait_indirect_dma semaphore(%run_scoped3A_31 : memref<!tpu.dma_semaphore, #tpu.memory_space<semaphore_mem>>) src(%dma_wait3A_41 : memref<112x32xf32, #tpu.memory_space<vmem>>) dst(%dma_wait3A_47 : memref<4480x32xf32, #tpu.memory_space<vmem_shared>>)
      tpu.yield
    }) : () -> ()
    %run_scoped3A_11 = arith.constant 5 : i32
    "tpu.region"() ({
      %run_scoped3A_31 = tpu.sem_alloc : memref<!tpu.dma_semaphore, #tpu.memory_space<semaphore_mem>>
      %dma_start3A = arith.constant 560 : i32
      %dma_start3A_32 = arith.constant 0 : i32
      %dma_start3A_33 = tpu.memref_slice %arg7[%dma_start3A, %dma_start3A_32] : memref<2240x32xf32, #tpu.memory_space<vmem>> -> memref<112x32xf32, #tpu.memory_space<vmem>>
      %dma_start3A_34 = arith.constant 0 : i32
      %dma_start3A_35 = tpu.memref_slice %arg6[%run_scoped3A_11, %dma_start3A_34] : memref<20x112xi32, #tpu.memory_space<vmem>> -> memref<1x112xi32, #tpu.memory_space<vmem>>
      %dma_start3A_36 = tpu.memref_squeeze %dma_start3A_35 : memref<1x112xi32, #tpu.memory_space<vmem>> -> memref<112xi32, #tpu.memory_space<vmem>>
      %dma_start3A_37 = arith.constant 0 : i32
      %dma_start3A_38 = arith.constant 0 : i32
      %dma_start3A_39 = tpu.memref_slice %arg8[%dma_start3A_37, %dma_start3A_38] : memref<4480x32xf32, #tpu.memory_space<vmem_shared>> -> memref<4480x32xf32, #tpu.memory_space<vmem_shared>>
      tpu.enqueue_indirect_dma source(%dma_start3A_33 : memref<112x32xf32, #tpu.memory_space<vmem>>) target(%dma_start3A_39 : memref<4480x32xf32, #tpu.memory_space<vmem_shared>>) offsets(%dma_start3A_36 : memref<112xi32, #tpu.memory_space<vmem>>) semaphore(%run_scoped3A_31 : memref<!tpu.dma_semaphore, #tpu.memory_space<semaphore_mem>>) {add = true}
      %dma_wait3A = arith.constant 560 : i32
      %dma_wait3A_40 = arith.constant 0 : i32
      %dma_wait3A_41 = tpu.memref_slice %arg7[%dma_wait3A, %dma_wait3A_40] : memref<2240x32xf32, #tpu.memory_space<vmem>> -> memref<112x32xf32, #tpu.memory_space<vmem>>
      %dma_wait3A_42 = arith.constant 0 : i32
      %dma_wait3A_43 = tpu.memref_slice %arg6[%run_scoped3A_11, %dma_wait3A_42] : memref<20x112xi32, #tpu.memory_space<vmem>> -> memref<1x112xi32, #tpu.memory_space<vmem>>
      %dma_wait3A_44 = tpu.memref_squeeze %dma_wait3A_43 : memref<1x112xi32, #tpu.memory_space<vmem>> -> memref<112xi32, #tpu.memory_space<vmem>>
      %dma_wait3A_45 = arith.constant 0 : i32
      %dma_wait3A_46 = arith.constant 0 : i32
      %dma_wait3A_47 = tpu.memref_slice %arg8[%dma_wait3A_45, %dma_wait3A_46] : memref<4480x32xf32, #tpu.memory_space<vmem_shared>> -> memref<4480x32xf32, #tpu.memory_space<vmem_shared>>
      tpu.wait_indirect_dma semaphore(%run_scoped3A_31 : memref<!tpu.dma_semaphore, #tpu.memory_space<semaphore_mem>>) src(%dma_wait3A_41 : memref<112x32xf32, #tpu.memory_space<vmem>>) dst(%dma_wait3A_47 : memref<4480x32xf32, #tpu.memory_space<vmem_shared>>)
      tpu.yield
    }) : () -> ()
    %run_scoped3A_12 = arith.constant 6 : i32
    "tpu.region"() ({
      %run_scoped3A_31 = tpu.sem_alloc : memref<!tpu.dma_semaphore, #tpu.memory_space<semaphore_mem>>
      %dma_start3A = arith.constant 672 : i32
      %dma_start3A_32 = arith.constant 0 : i32
      %dma_start3A_33 = tpu.memref_slice %arg7[%dma_start3A, %dma_start3A_32] : memref<2240x32xf32, #tpu.memory_space<vmem>> -> memref<112x32xf32, #tpu.memory_space<vmem>>
      %dma_start3A_34 = arith.constant 0 : i32
      %dma_start3A_35 = tpu.memref_slice %arg6[%run_scoped3A_12, %dma_start3A_34] : memref<20x112xi32, #tpu.memory_space<vmem>> -> memref<1x112xi32, #tpu.memory_space<vmem>>
      %dma_start3A_36 = tpu.memref_squeeze %dma_start3A_35 : memref<1x112xi32, #tpu.memory_space<vmem>> -> memref<112xi32, #tpu.memory_space<vmem>>
      %dma_start3A_37 = arith.constant 0 : i32
      %dma_start3A_38 = arith.constant 0 : i32
      %dma_start3A_39 = tpu.memref_slice %arg8[%dma_start3A_37, %dma_start3A_38] : memref<4480x32xf32, #tpu.memory_space<vmem_shared>> -> memref<4480x32xf32, #tpu.memory_space<vmem_shared>>
      tpu.enqueue_indirect_dma source(%dma_start3A_33 : memref<112x32xf32, #tpu.memory_space<vmem>>) target(%dma_start3A_39 : memref<4480x32xf32, #tpu.memory_space<vmem_shared>>) offsets(%dma_start3A_36 : memref<112xi32, #tpu.memory_space<vmem>>) semaphore(%run_scoped3A_31 : memref<!tpu.dma_semaphore, #tpu.memory_space<semaphore_mem>>) {add = true}
      %dma_wait3A = arith.constant 672 : i32
      %dma_wait3A_40 = arith.constant 0 : i32
      %dma_wait3A_41 = tpu.memref_slice %arg7[%dma_wait3A, %dma_wait3A_40] : memref<2240x32xf32, #tpu.memory_space<vmem>> -> memref<112x32xf32, #tpu.memory_space<vmem>>
      %dma_wait3A_42 = arith.constant 0 : i32
      %dma_wait3A_43 = tpu.memref_slice %arg6[%run_scoped3A_12, %dma_wait3A_42] : memref<20x112xi32, #tpu.memory_space<vmem>> -> memref<1x112xi32, #tpu.memory_space<vmem>>
      %dma_wait3A_44 = tpu.memref_squeeze %dma_wait3A_43 : memref<1x112xi32, #tpu.memory_space<vmem>> -> memref<112xi32, #tpu.memory_space<vmem>>
      %dma_wait3A_45 = arith.constant 0 : i32
      %dma_wait3A_46 = arith.constant 0 : i32
      %dma_wait3A_47 = tpu.memref_slice %arg8[%dma_wait3A_45, %dma_wait3A_46] : memref<4480x32xf32, #tpu.memory_space<vmem_shared>> -> memref<4480x32xf32, #tpu.memory_space<vmem_shared>>
      tpu.wait_indirect_dma semaphore(%run_scoped3A_31 : memref<!tpu.dma_semaphore, #tpu.memory_space<semaphore_mem>>) src(%dma_wait3A_41 : memref<112x32xf32, #tpu.memory_space<vmem>>) dst(%dma_wait3A_47 : memref<4480x32xf32, #tpu.memory_space<vmem_shared>>)
      tpu.yield
    }) : () -> ()
    %run_scoped3A_13 = arith.constant 7 : i32
    "tpu.region"() ({
      %run_scoped3A_31 = tpu.sem_alloc : memref<!tpu.dma_semaphore, #tpu.memory_space<semaphore_mem>>
      %dma_start3A = arith.constant 784 : i32
      %dma_start3A_32 = arith.constant 0 : i32
      %dma_start3A_33 = tpu.memref_slice %arg7[%dma_start3A, %dma_start3A_32] : memref<2240x32xf32, #tpu.memory_space<vmem>> -> memref<112x32xf32, #tpu.memory_space<vmem>>
      %dma_start3A_34 = arith.constant 0 : i32
      %dma_start3A_35 = tpu.memref_slice %arg6[%run_scoped3A_13, %dma_start3A_34] : memref<20x112xi32, #tpu.memory_space<vmem>> -> memref<1x112xi32, #tpu.memory_space<vmem>>
      %dma_start3A_36 = tpu.memref_squeeze %dma_start3A_35 : memref<1x112xi32, #tpu.memory_space<vmem>> -> memref<112xi32, #tpu.memory_space<vmem>>
      %dma_start3A_37 = arith.constant 0 : i32
      %dma_start3A_38 = arith.constant 0 : i32
      %dma_start3A_39 = tpu.memref_slice %arg8[%dma_start3A_37, %dma_start3A_38] : memref<4480x32xf32, #tpu.memory_space<vmem_shared>> -> memref<4480x32xf32, #tpu.memory_space<vmem_shared>>
      tpu.enqueue_indirect_dma source(%dma_start3A_33 : memref<112x32xf32, #tpu.memory_space<vmem>>) target(%dma_start3A_39 : memref<4480x32xf32, #tpu.memory_space<vmem_shared>>) offsets(%dma_start3A_36 : memref<112xi32, #tpu.memory_space<vmem>>) semaphore(%run_scoped3A_31 : memref<!tpu.dma_semaphore, #tpu.memory_space<semaphore_mem>>) {add = true}
      %dma_wait3A = arith.constant 784 : i32
      %dma_wait3A_40 = arith.constant 0 : i32
      %dma_wait3A_41 = tpu.memref_slice %arg7[%dma_wait3A, %dma_wait3A_40] : memref<2240x32xf32, #tpu.memory_space<vmem>> -> memref<112x32xf32, #tpu.memory_space<vmem>>
      %dma_wait3A_42 = arith.constant 0 : i32
      %dma_wait3A_43 = tpu.memref_slice %arg6[%run_scoped3A_13, %dma_wait3A_42] : memref<20x112xi32, #tpu.memory_space<vmem>> -> memref<1x112xi32, #tpu.memory_space<vmem>>
      %dma_wait3A_44 = tpu.memref_squeeze %dma_wait3A_43 : memref<1x112xi32, #tpu.memory_space<vmem>> -> memref<112xi32, #tpu.memory_space<vmem>>
      %dma_wait3A_45 = arith.constant 0 : i32
      %dma_wait3A_46 = arith.constant 0 : i32
      %dma_wait3A_47 = tpu.memref_slice %arg8[%dma_wait3A_45, %dma_wait3A_46] : memref<4480x32xf32, #tpu.memory_space<vmem_shared>> -> memref<4480x32xf32, #tpu.memory_space<vmem_shared>>
      tpu.wait_indirect_dma semaphore(%run_scoped3A_31 : memref<!tpu.dma_semaphore, #tpu.memory_space<semaphore_mem>>) src(%dma_wait3A_41 : memref<112x32xf32, #tpu.memory_space<vmem>>) dst(%dma_wait3A_47 : memref<4480x32xf32, #tpu.memory_space<vmem_shared>>)
      tpu.yield
    }) : () -> ()
    %run_scoped3A_14 = arith.constant 8 : i32
    "tpu.region"() ({
      %run_scoped3A_31 = tpu.sem_alloc : memref<!tpu.dma_semaphore, #tpu.memory_space<semaphore_mem>>
      %dma_start3A = arith.constant 896 : i32
      %dma_start3A_32 = arith.constant 0 : i32
      %dma_start3A_33 = tpu.memref_slice %arg7[%dma_start3A, %dma_start3A_32] : memref<2240x32xf32, #tpu.memory_space<vmem>> -> memref<112x32xf32, #tpu.memory_space<vmem>>
      %dma_start3A_34 = arith.constant 0 : i32
      %dma_start3A_35 = tpu.memref_slice %arg6[%run_scoped3A_14, %dma_start3A_34] : memref<20x112xi32, #tpu.memory_space<vmem>> -> memref<1x112xi32, #tpu.memory_space<vmem>>
      %dma_start3A_36 = tpu.memref_squeeze %dma_start3A_35 : memref<1x112xi32, #tpu.memory_space<vmem>> -> memref<112xi32, #tpu.memory_space<vmem>>
      %dma_start3A_37 = arith.constant 0 : i32
      %dma_start3A_38 = arith.constant 0 : i32
      %dma_start3A_39 = tpu.memref_slice %arg8[%dma_start3A_37, %dma_start3A_38] : memref<4480x32xf32, #tpu.memory_space<vmem_shared>> -> memref<4480x32xf32, #tpu.memory_space<vmem_shared>>
      tpu.enqueue_indirect_dma source(%dma_start3A_33 : memref<112x32xf32, #tpu.memory_space<vmem>>) target(%dma_start3A_39 : memref<4480x32xf32, #tpu.memory_space<vmem_shared>>) offsets(%dma_start3A_36 : memref<112xi32, #tpu.memory_space<vmem>>) semaphore(%run_scoped3A_31 : memref<!tpu.dma_semaphore, #tpu.memory_space<semaphore_mem>>) {add = true}
      %dma_wait3A = arith.constant 896 : i32
      %dma_wait3A_40 = arith.constant 0 : i32
      %dma_wait3A_41 = tpu.memref_slice %arg7[%dma_wait3A, %dma_wait3A_40] : memref<2240x32xf32, #tpu.memory_space<vmem>> -> memref<112x32xf32, #tpu.memory_space<vmem>>
      %dma_wait3A_42 = arith.constant 0 : i32
      %dma_wait3A_43 = tpu.memref_slice %arg6[%run_scoped3A_14, %dma_wait3A_42] : memref<20x112xi32, #tpu.memory_space<vmem>> -> memref<1x112xi32, #tpu.memory_space<vmem>>
      %dma_wait3A_44 = tpu.memref_squeeze %dma_wait3A_43 : memref<1x112xi32, #tpu.memory_space<vmem>> -> memref<112xi32, #tpu.memory_space<vmem>>
      %dma_wait3A_45 = arith.constant 0 : i32
      %dma_wait3A_46 = arith.constant 0 : i32
      %dma_wait3A_47 = tpu.memref_slice %arg8[%dma_wait3A_45, %dma_wait3A_46] : memref<4480x32xf32, #tpu.memory_space<vmem_shared>> -> memref<4480x32xf32, #tpu.memory_space<vmem_shared>>
      tpu.wait_indirect_dma semaphore(%run_scoped3A_31 : memref<!tpu.dma_semaphore, #tpu.memory_space<semaphore_mem>>) src(%dma_wait3A_41 : memref<112x32xf32, #tpu.memory_space<vmem>>) dst(%dma_wait3A_47 : memref<4480x32xf32, #tpu.memory_space<vmem_shared>>)
      tpu.yield
    }) : () -> ()
    %run_scoped3A_15 = arith.constant 9 : i32
    "tpu.region"() ({
      %run_scoped3A_31 = tpu.sem_alloc : memref<!tpu.dma_semaphore, #tpu.memory_space<semaphore_mem>>
      %dma_start3A = arith.constant 1008 : i32
      %dma_start3A_32 = arith.constant 0 : i32
      %dma_start3A_33 = tpu.memref_slice %arg7[%dma_start3A, %dma_start3A_32] : memref<2240x32xf32, #tpu.memory_space<vmem>> -> memref<112x32xf32, #tpu.memory_space<vmem>>
      %dma_start3A_34 = arith.constant 0 : i32
      %dma_start3A_35 = tpu.memref_slice %arg6[%run_scoped3A_15, %dma_start3A_34] : memref<20x112xi32, #tpu.memory_space<vmem>> -> memref<1x112xi32, #tpu.memory_space<vmem>>
      %dma_start3A_36 = tpu.memref_squeeze %dma_start3A_35 : memref<1x112xi32, #tpu.memory_space<vmem>> -> memref<112xi32, #tpu.memory_space<vmem>>
      %dma_start3A_37 = arith.constant 0 : i32
      %dma_start3A_38 = arith.constant 0 : i32
      %dma_start3A_39 = tpu.memref_slice %arg8[%dma_start3A_37, %dma_start3A_38] : memref<4480x32xf32, #tpu.memory_space<vmem_shared>> -> memref<4480x32xf32, #tpu.memory_space<vmem_shared>>
      tpu.enqueue_indirect_dma source(%dma_start3A_33 : memref<112x32xf32, #tpu.memory_space<vmem>>) target(%dma_start3A_39 : memref<4480x32xf32, #tpu.memory_space<vmem_shared>>) offsets(%dma_start3A_36 : memref<112xi32, #tpu.memory_space<vmem>>) semaphore(%run_scoped3A_31 : memref<!tpu.dma_semaphore, #tpu.memory_space<semaphore_mem>>) {add = true}
      %dma_wait3A = arith.constant 1008 : i32
      %dma_wait3A_40 = arith.constant 0 : i32
      %dma_wait3A_41 = tpu.memref_slice %arg7[%dma_wait3A, %dma_wait3A_40] : memref<2240x32xf32, #tpu.memory_space<vmem>> -> memref<112x32xf32, #tpu.memory_space<vmem>>
      %dma_wait3A_42 = arith.constant 0 : i32
      %dma_wait3A_43 = tpu.memref_slice %arg6[%run_scoped3A_15, %dma_wait3A_42] : memref<20x112xi32, #tpu.memory_space<vmem>> -> memref<1x112xi32, #tpu.memory_space<vmem>>
      %dma_wait3A_44 = tpu.memref_squeeze %dma_wait3A_43 : memref<1x112xi32, #tpu.memory_space<vmem>> -> memref<112xi32, #tpu.memory_space<vmem>>
      %dma_wait3A_45 = arith.constant 0 : i32
      %dma_wait3A_46 = arith.constant 0 : i32
      %dma_wait3A_47 = tpu.memref_slice %arg8[%dma_wait3A_45, %dma_wait3A_46] : memref<4480x32xf32, #tpu.memory_space<vmem_shared>> -> memref<4480x32xf32, #tpu.memory_space<vmem_shared>>
      tpu.wait_indirect_dma semaphore(%run_scoped3A_31 : memref<!tpu.dma_semaphore, #tpu.memory_space<semaphore_mem>>) src(%dma_wait3A_41 : memref<112x32xf32, #tpu.memory_space<vmem>>) dst(%dma_wait3A_47 : memref<4480x32xf32, #tpu.memory_space<vmem_shared>>)
      tpu.yield
    }) : () -> ()
    %run_scoped3A_16 = arith.constant 10 : i32
    "tpu.region"() ({
      %run_scoped3A_31 = tpu.sem_alloc : memref<!tpu.dma_semaphore, #tpu.memory_space<semaphore_mem>>
      %dma_start3A = arith.constant 1120 : i32
      %dma_start3A_32 = arith.constant 0 : i32
      %dma_start3A_33 = tpu.memref_slice %arg7[%dma_start3A, %dma_start3A_32] : memref<2240x32xf32, #tpu.memory_space<vmem>> -> memref<112x32xf32, #tpu.memory_space<vmem>>
      %dma_start3A_34 = arith.constant 0 : i32
      %dma_start3A_35 = tpu.memref_slice %arg6[%run_scoped3A_16, %dma_start3A_34] : memref<20x112xi32, #tpu.memory_space<vmem>> -> memref<1x112xi32, #tpu.memory_space<vmem>>
      %dma_start3A_36 = tpu.memref_squeeze %dma_start3A_35 : memref<1x112xi32, #tpu.memory_space<vmem>> -> memref<112xi32, #tpu.memory_space<vmem>>
      %dma_start3A_37 = arith.constant 0 : i32
      %dma_start3A_38 = arith.constant 0 : i32
      %dma_start3A_39 = tpu.memref_slice %arg8[%dma_start3A_37, %dma_start3A_38] : memref<4480x32xf32, #tpu.memory_space<vmem_shared>> -> memref<4480x32xf32, #tpu.memory_space<vmem_shared>>
      tpu.enqueue_indirect_dma source(%dma_start3A_33 : memref<112x32xf32, #tpu.memory_space<vmem>>) target(%dma_start3A_39 : memref<4480x32xf32, #tpu.memory_space<vmem_shared>>) offsets(%dma_start3A_36 : memref<112xi32, #tpu.memory_space<vmem>>) semaphore(%run_scoped3A_31 : memref<!tpu.dma_semaphore, #tpu.memory_space<semaphore_mem>>) {add = true}
      %dma_wait3A = arith.constant 1120 : i32
      %dma_wait3A_40 = arith.constant 0 : i32
      %dma_wait3A_41 = tpu.memref_slice %arg7[%dma_wait3A, %dma_wait3A_40] : memref<2240x32xf32, #tpu.memory_space<vmem>> -> memref<112x32xf32, #tpu.memory_space<vmem>>
      %dma_wait3A_42 = arith.constant 0 : i32
      %dma_wait3A_43 = tpu.memref_slice %arg6[%run_scoped3A_16, %dma_wait3A_42] : memref<20x112xi32, #tpu.memory_space<vmem>> -> memref<1x112xi32, #tpu.memory_space<vmem>>
      %dma_wait3A_44 = tpu.memref_squeeze %dma_wait3A_43 : memref<1x112xi32, #tpu.memory_space<vmem>> -> memref<112xi32, #tpu.memory_space<vmem>>
      %dma_wait3A_45 = arith.constant 0 : i32
      %dma_wait3A_46 = arith.constant 0 : i32
      %dma_wait3A_47 = tpu.memref_slice %arg8[%dma_wait3A_45, %dma_wait3A_46] : memref<4480x32xf32, #tpu.memory_space<vmem_shared>> -> memref<4480x32xf32, #tpu.memory_space<vmem_shared>>
      tpu.wait_indirect_dma semaphore(%run_scoped3A_31 : memref<!tpu.dma_semaphore, #tpu.memory_space<semaphore_mem>>) src(%dma_wait3A_41 : memref<112x32xf32, #tpu.memory_space<vmem>>) dst(%dma_wait3A_47 : memref<4480x32xf32, #tpu.memory_space<vmem_shared>>)
      tpu.yield
    }) : () -> ()
    %run_scoped3A_17 = arith.constant 11 : i32
    "tpu.region"() ({
      %run_scoped3A_31 = tpu.sem_alloc : memref<!tpu.dma_semaphore, #tpu.memory_space<semaphore_mem>>
      %dma_start3A = arith.constant 1232 : i32
      %dma_start3A_32 = arith.constant 0 : i32
      %dma_start3A_33 = tpu.memref_slice %arg7[%dma_start3A, %dma_start3A_32] : memref<2240x32xf32, #tpu.memory_space<vmem>> -> memref<112x32xf32, #tpu.memory_space<vmem>>
      %dma_start3A_34 = arith.constant 0 : i32
      %dma_start3A_35 = tpu.memref_slice %arg6[%run_scoped3A_17, %dma_start3A_34] : memref<20x112xi32, #tpu.memory_space<vmem>> -> memref<1x112xi32, #tpu.memory_space<vmem>>
      %dma_start3A_36 = tpu.memref_squeeze %dma_start3A_35 : memref<1x112xi32, #tpu.memory_space<vmem>> -> memref<112xi32, #tpu.memory_space<vmem>>
      %dma_start3A_37 = arith.constant 0 : i32
      %dma_start3A_38 = arith.constant 0 : i32
      %dma_start3A_39 = tpu.memref_slice %arg8[%dma_start3A_37, %dma_start3A_38] : memref<4480x32xf32, #tpu.memory_space<vmem_shared>> -> memref<4480x32xf32, #tpu.memory_space<vmem_shared>>
      tpu.enqueue_indirect_dma source(%dma_start3A_33 : memref<112x32xf32, #tpu.memory_space<vmem>>) target(%dma_start3A_39 : memref<4480x32xf32, #tpu.memory_space<vmem_shared>>) offsets(%dma_start3A_36 : memref<112xi32, #tpu.memory_space<vmem>>) semaphore(%run_scoped3A_31 : memref<!tpu.dma_semaphore, #tpu.memory_space<semaphore_mem>>) {add = true}
      %dma_wait3A = arith.constant 1232 : i32
      %dma_wait3A_40 = arith.constant 0 : i32
      %dma_wait3A_41 = tpu.memref_slice %arg7[%dma_wait3A, %dma_wait3A_40] : memref<2240x32xf32, #tpu.memory_space<vmem>> -> memref<112x32xf32, #tpu.memory_space<vmem>>
      %dma_wait3A_42 = arith.constant 0 : i32
      %dma_wait3A_43 = tpu.memref_slice %arg6[%run_scoped3A_17, %dma_wait3A_42] : memref<20x112xi32, #tpu.memory_space<vmem>> -> memref<1x112xi32, #tpu.memory_space<vmem>>
      %dma_wait3A_44 = tpu.memref_squeeze %dma_wait3A_43 : memref<1x112xi32, #tpu.memory_space<vmem>> -> memref<112xi32, #tpu.memory_space<vmem>>
      %dma_wait3A_45 = arith.constant 0 : i32
      %dma_wait3A_46 = arith.constant 0 : i32
      %dma_wait3A_47 = tpu.memref_slice %arg8[%dma_wait3A_45, %dma_wait3A_46] : memref<4480x32xf32, #tpu.memory_space<vmem_shared>> -> memref<4480x32xf32, #tpu.memory_space<vmem_shared>>
      tpu.wait_indirect_dma semaphore(%run_scoped3A_31 : memref<!tpu.dma_semaphore, #tpu.memory_space<semaphore_mem>>) src(%dma_wait3A_41 : memref<112x32xf32, #tpu.memory_space<vmem>>) dst(%dma_wait3A_47 : memref<4480x32xf32, #tpu.memory_space<vmem_shared>>)
      tpu.yield
    }) : () -> ()
    %run_scoped3A_18 = arith.constant 12 : i32
    "tpu.region"() ({
      %run_scoped3A_31 = tpu.sem_alloc : memref<!tpu.dma_semaphore, #tpu.memory_space<semaphore_mem>>
      %dma_start3A = arith.constant 1344 : i32
      %dma_start3A_32 = arith.constant 0 : i32
      %dma_start3A_33 = tpu.memref_slice %arg7[%dma_start3A, %dma_start3A_32] : memref<2240x32xf32, #tpu.memory_space<vmem>> -> memref<112x32xf32, #tpu.memory_space<vmem>>
      %dma_start3A_34 = arith.constant 0 : i32
      %dma_start3A_35 = tpu.memref_slice %arg6[%run_scoped3A_18, %dma_start3A_34] : memref<20x112xi32, #tpu.memory_space<vmem>> -> memref<1x112xi32, #tpu.memory_space<vmem>>
      %dma_start3A_36 = tpu.memref_squeeze %dma_start3A_35 : memref<1x112xi32, #tpu.memory_space<vmem>> -> memref<112xi32, #tpu.memory_space<vmem>>
      %dma_start3A_37 = arith.constant 0 : i32
      %dma_start3A_38 = arith.constant 0 : i32
      %dma_start3A_39 = tpu.memref_slice %arg8[%dma_start3A_37, %dma_start3A_38] : memref<4480x32xf32, #tpu.memory_space<vmem_shared>> -> memref<4480x32xf32, #tpu.memory_space<vmem_shared>>
      tpu.enqueue_indirect_dma source(%dma_start3A_33 : memref<112x32xf32, #tpu.memory_space<vmem>>) target(%dma_start3A_39 : memref<4480x32xf32, #tpu.memory_space<vmem_shared>>) offsets(%dma_start3A_36 : memref<112xi32, #tpu.memory_space<vmem>>) semaphore(%run_scoped3A_31 : memref<!tpu.dma_semaphore, #tpu.memory_space<semaphore_mem>>) {add = true}
      %dma_wait3A = arith.constant 1344 : i32
      %dma_wait3A_40 = arith.constant 0 : i32
      %dma_wait3A_41 = tpu.memref_slice %arg7[%dma_wait3A, %dma_wait3A_40] : memref<2240x32xf32, #tpu.memory_space<vmem>> -> memref<112x32xf32, #tpu.memory_space<vmem>>
      %dma_wait3A_42 = arith.constant 0 : i32
      %dma_wait3A_43 = tpu.memref_slice %arg6[%run_scoped3A_18, %dma_wait3A_42] : memref<20x112xi32, #tpu.memory_space<vmem>> -> memref<1x112xi32, #tpu.memory_space<vmem>>
      %dma_wait3A_44 = tpu.memref_squeeze %dma_wait3A_43 : memref<1x112xi32, #tpu.memory_space<vmem>> -> memref<112xi32, #tpu.memory_space<vmem>>
      %dma_wait3A_45 = arith.constant 0 : i32
      %dma_wait3A_46 = arith.constant 0 : i32
      %dma_wait3A_47 = tpu.memref_slice %arg8[%dma_wait3A_45, %dma_wait3A_46] : memref<4480x32xf32, #tpu.memory_space<vmem_shared>> -> memref<4480x32xf32, #tpu.memory_space<vmem_shared>>
      tpu.wait_indirect_dma semaphore(%run_scoped3A_31 : memref<!tpu.dma_semaphore, #tpu.memory_space<semaphore_mem>>) src(%dma_wait3A_41 : memref<112x32xf32, #tpu.memory_space<vmem>>) dst(%dma_wait3A_47 : memref<4480x32xf32, #tpu.memory_space<vmem_shared>>)
      tpu.yield
    }) : () -> ()
    %run_scoped3A_19 = arith.constant 13 : i32
    "tpu.region"() ({
      %run_scoped3A_31 = tpu.sem_alloc : memref<!tpu.dma_semaphore, #tpu.memory_space<semaphore_mem>>
      %dma_start3A = arith.constant 1456 : i32
      %dma_start3A_32 = arith.constant 0 : i32
      %dma_start3A_33 = tpu.memref_slice %arg7[%dma_start3A, %dma_start3A_32] : memref<2240x32xf32, #tpu.memory_space<vmem>> -> memref<112x32xf32, #tpu.memory_space<vmem>>
      %dma_start3A_34 = arith.constant 0 : i32
      %dma_start3A_35 = tpu.memref_slice %arg6[%run_scoped3A_19, %dma_start3A_34] : memref<20x112xi32, #tpu.memory_space<vmem>> -> memref<1x112xi32, #tpu.memory_space<vmem>>
      %dma_start3A_36 = tpu.memref_squeeze %dma_start3A_35 : memref<1x112xi32, #tpu.memory_space<vmem>> -> memref<112xi32, #tpu.memory_space<vmem>>
      %dma_start3A_37 = arith.constant 0 : i32
      %dma_start3A_38 = arith.constant 0 : i32
      %dma_start3A_39 = tpu.memref_slice %arg8[%dma_start3A_37, %dma_start3A_38] : memref<4480x32xf32, #tpu.memory_space<vmem_shared>> -> memref<4480x32xf32, #tpu.memory_space<vmem_shared>>
      tpu.enqueue_indirect_dma source(%dma_start3A_33 : memref<112x32xf32, #tpu.memory_space<vmem>>) target(%dma_start3A_39 : memref<4480x32xf32, #tpu.memory_space<vmem_shared>>) offsets(%dma_start3A_36 : memref<112xi32, #tpu.memory_space<vmem>>) semaphore(%run_scoped3A_31 : memref<!tpu.dma_semaphore, #tpu.memory_space<semaphore_mem>>) {add = true}
      %dma_wait3A = arith.constant 1456 : i32
      %dma_wait3A_40 = arith.constant 0 : i32
      %dma_wait3A_41 = tpu.memref_slice %arg7[%dma_wait3A, %dma_wait3A_40] : memref<2240x32xf32, #tpu.memory_space<vmem>> -> memref<112x32xf32, #tpu.memory_space<vmem>>
      %dma_wait3A_42 = arith.constant 0 : i32
      %dma_wait3A_43 = tpu.memref_slice %arg6[%run_scoped3A_19, %dma_wait3A_42] : memref<20x112xi32, #tpu.memory_space<vmem>> -> memref<1x112xi32, #tpu.memory_space<vmem>>
      %dma_wait3A_44 = tpu.memref_squeeze %dma_wait3A_43 : memref<1x112xi32, #tpu.memory_space<vmem>> -> memref<112xi32, #tpu.memory_space<vmem>>
      %dma_wait3A_45 = arith.constant 0 : i32
      %dma_wait3A_46 = arith.constant 0 : i32
      %dma_wait3A_47 = tpu.memref_slice %arg8[%dma_wait3A_45, %dma_wait3A_46] : memref<4480x32xf32, #tpu.memory_space<vmem_shared>> -> memref<4480x32xf32, #tpu.memory_space<vmem_shared>>
      tpu.wait_indirect_dma semaphore(%run_scoped3A_31 : memref<!tpu.dma_semaphore, #tpu.memory_space<semaphore_mem>>) src(%dma_wait3A_41 : memref<112x32xf32, #tpu.memory_space<vmem>>) dst(%dma_wait3A_47 : memref<4480x32xf32, #tpu.memory_space<vmem_shared>>)
      tpu.yield
    }) : () -> ()
    %run_scoped3A_20 = arith.constant 14 : i32
    "tpu.region"() ({
      %run_scoped3A_31 = tpu.sem_alloc : memref<!tpu.dma_semaphore, #tpu.memory_space<semaphore_mem>>
      %dma_start3A = arith.constant 1568 : i32
      %dma_start3A_32 = arith.constant 0 : i32
      %dma_start3A_33 = tpu.memref_slice %arg7[%dma_start3A, %dma_start3A_32] : memref<2240x32xf32, #tpu.memory_space<vmem>> -> memref<112x32xf32, #tpu.memory_space<vmem>>
      %dma_start3A_34 = arith.constant 0 : i32
      %dma_start3A_35 = tpu.memref_slice %arg6[%run_scoped3A_20, %dma_start3A_34] : memref<20x112xi32, #tpu.memory_space<vmem>> -> memref<1x112xi32, #tpu.memory_space<vmem>>
      %dma_start3A_36 = tpu.memref_squeeze %dma_start3A_35 : memref<1x112xi32, #tpu.memory_space<vmem>> -> memref<112xi32, #tpu.memory_space<vmem>>
      %dma_start3A_37 = arith.constant 0 : i32
      %dma_start3A_38 = arith.constant 0 : i32
      %dma_start3A_39 = tpu.memref_slice %arg8[%dma_start3A_37, %dma_start3A_38] : memref<4480x32xf32, #tpu.memory_space<vmem_shared>> -> memref<4480x32xf32, #tpu.memory_space<vmem_shared>>
      tpu.enqueue_indirect_dma source(%dma_start3A_33 : memref<112x32xf32, #tpu.memory_space<vmem>>) target(%dma_start3A_39 : memref<4480x32xf32, #tpu.memory_space<vmem_shared>>) offsets(%dma_start3A_36 : memref<112xi32, #tpu.memory_space<vmem>>) semaphore(%run_scoped3A_31 : memref<!tpu.dma_semaphore, #tpu.memory_space<semaphore_mem>>) {add = true}
      %dma_wait3A = arith.constant 1568 : i32
      %dma_wait3A_40 = arith.constant 0 : i32
      %dma_wait3A_41 = tpu.memref_slice %arg7[%dma_wait3A, %dma_wait3A_40] : memref<2240x32xf32, #tpu.memory_space<vmem>> -> memref<112x32xf32, #tpu.memory_space<vmem>>
      %dma_wait3A_42 = arith.constant 0 : i32
      %dma_wait3A_43 = tpu.memref_slice %arg6[%run_scoped3A_20, %dma_wait3A_42] : memref<20x112xi32, #tpu.memory_space<vmem>> -> memref<1x112xi32, #tpu.memory_space<vmem>>
      %dma_wait3A_44 = tpu.memref_squeeze %dma_wait3A_43 : memref<1x112xi32, #tpu.memory_space<vmem>> -> memref<112xi32, #tpu.memory_space<vmem>>
      %dma_wait3A_45 = arith.constant 0 : i32
      %dma_wait3A_46 = arith.constant 0 : i32
      %dma_wait3A_47 = tpu.memref_slice %arg8[%dma_wait3A_45, %dma_wait3A_46] : memref<4480x32xf32, #tpu.memory_space<vmem_shared>> -> memref<4480x32xf32, #tpu.memory_space<vmem_shared>>
      tpu.wait_indirect_dma semaphore(%run_scoped3A_31 : memref<!tpu.dma_semaphore, #tpu.memory_space<semaphore_mem>>) src(%dma_wait3A_41 : memref<112x32xf32, #tpu.memory_space<vmem>>) dst(%dma_wait3A_47 : memref<4480x32xf32, #tpu.memory_space<vmem_shared>>)
      tpu.yield
    }) : () -> ()
    %run_scoped3A_21 = arith.constant 15 : i32
    "tpu.region"() ({
      %run_scoped3A_31 = tpu.sem_alloc : memref<!tpu.dma_semaphore, #tpu.memory_space<semaphore_mem>>
      %dma_start3A = arith.constant 1680 : i32
      %dma_start3A_32 = arith.constant 0 : i32
      %dma_start3A_33 = tpu.memref_slice %arg7[%dma_start3A, %dma_start3A_32] : memref<2240x32xf32, #tpu.memory_space<vmem>> -> memref<112x32xf32, #tpu.memory_space<vmem>>
      %dma_start3A_34 = arith.constant 0 : i32
      %dma_start3A_35 = tpu.memref_slice %arg6[%run_scoped3A_21, %dma_start3A_34] : memref<20x112xi32, #tpu.memory_space<vmem>> -> memref<1x112xi32, #tpu.memory_space<vmem>>
      %dma_start3A_36 = tpu.memref_squeeze %dma_start3A_35 : memref<1x112xi32, #tpu.memory_space<vmem>> -> memref<112xi32, #tpu.memory_space<vmem>>
      %dma_start3A_37 = arith.constant 0 : i32
      %dma_start3A_38 = arith.constant 0 : i32
      %dma_start3A_39 = tpu.memref_slice %arg8[%dma_start3A_37, %dma_start3A_38] : memref<4480x32xf32, #tpu.memory_space<vmem_shared>> -> memref<4480x32xf32, #tpu.memory_space<vmem_shared>>
      tpu.enqueue_indirect_dma source(%dma_start3A_33 : memref<112x32xf32, #tpu.memory_space<vmem>>) target(%dma_start3A_39 : memref<4480x32xf32, #tpu.memory_space<vmem_shared>>) offsets(%dma_start3A_36 : memref<112xi32, #tpu.memory_space<vmem>>) semaphore(%run_scoped3A_31 : memref<!tpu.dma_semaphore, #tpu.memory_space<semaphore_mem>>) {add = true}
      %dma_wait3A = arith.constant 1680 : i32
      %dma_wait3A_40 = arith.constant 0 : i32
      %dma_wait3A_41 = tpu.memref_slice %arg7[%dma_wait3A, %dma_wait3A_40] : memref<2240x32xf32, #tpu.memory_space<vmem>> -> memref<112x32xf32, #tpu.memory_space<vmem>>
      %dma_wait3A_42 = arith.constant 0 : i32
      %dma_wait3A_43 = tpu.memref_slice %arg6[%run_scoped3A_21, %dma_wait3A_42] : memref<20x112xi32, #tpu.memory_space<vmem>> -> memref<1x112xi32, #tpu.memory_space<vmem>>
      %dma_wait3A_44 = tpu.memref_squeeze %dma_wait3A_43 : memref<1x112xi32, #tpu.memory_space<vmem>> -> memref<112xi32, #tpu.memory_space<vmem>>
      %dma_wait3A_45 = arith.constant 0 : i32
      %dma_wait3A_46 = arith.constant 0 : i32
      %dma_wait3A_47 = tpu.memref_slice %arg8[%dma_wait3A_45, %dma_wait3A_46] : memref<4480x32xf32, #tpu.memory_space<vmem_shared>> -> memref<4480x32xf32, #tpu.memory_space<vmem_shared>>
      tpu.wait_indirect_dma semaphore(%run_scoped3A_31 : memref<!tpu.dma_semaphore, #tpu.memory_space<semaphore_mem>>) src(%dma_wait3A_41 : memref<112x32xf32, #tpu.memory_space<vmem>>) dst(%dma_wait3A_47 : memref<4480x32xf32, #tpu.memory_space<vmem_shared>>)
      tpu.yield
    }) : () -> ()
    %run_scoped3A_22 = arith.constant 16 : i32
    "tpu.region"() ({
      %run_scoped3A_31 = tpu.sem_alloc : memref<!tpu.dma_semaphore, #tpu.memory_space<semaphore_mem>>
      %dma_start3A = arith.constant 1792 : i32
      %dma_start3A_32 = arith.constant 0 : i32
      %dma_start3A_33 = tpu.memref_slice %arg7[%dma_start3A, %dma_start3A_32] : memref<2240x32xf32, #tpu.memory_space<vmem>> -> memref<112x32xf32, #tpu.memory_space<vmem>>
      %dma_start3A_34 = arith.constant 0 : i32
      %dma_start3A_35 = tpu.memref_slice %arg6[%run_scoped3A_22, %dma_start3A_34] : memref<20x112xi32, #tpu.memory_space<vmem>> -> memref<1x112xi32, #tpu.memory_space<vmem>>
      %dma_start3A_36 = tpu.memref_squeeze %dma_start3A_35 : memref<1x112xi32, #tpu.memory_space<vmem>> -> memref<112xi32, #tpu.memory_space<vmem>>
      %dma_start3A_37 = arith.constant 0 : i32
      %dma_start3A_38 = arith.constant 0 : i32
      %dma_start3A_39 = tpu.memref_slice %arg8[%dma_start3A_37, %dma_start3A_38] : memref<4480x32xf32, #tpu.memory_space<vmem_shared>> -> memref<4480x32xf32, #tpu.memory_space<vmem_shared>>
      tpu.enqueue_indirect_dma source(%dma_start3A_33 : memref<112x32xf32, #tpu.memory_space<vmem>>) target(%dma_start3A_39 : memref<4480x32xf32, #tpu.memory_space<vmem_shared>>) offsets(%dma_start3A_36 : memref<112xi32, #tpu.memory_space<vmem>>) semaphore(%run_scoped3A_31 : memref<!tpu.dma_semaphore, #tpu.memory_space<semaphore_mem>>) {add = true}
      %dma_wait3A = arith.constant 1792 : i32
      %dma_wait3A_40 = arith.constant 0 : i32
      %dma_wait3A_41 = tpu.memref_slice %arg7[%dma_wait3A, %dma_wait3A_40] : memref<2240x32xf32, #tpu.memory_space<vmem>> -> memref<112x32xf32, #tpu.memory_space<vmem>>
      %dma_wait3A_42 = arith.constant 0 : i32
      %dma_wait3A_43 = tpu.memref_slice %arg6[%run_scoped3A_22, %dma_wait3A_42] : memref<20x112xi32, #tpu.memory_space<vmem>> -> memref<1x112xi32, #tpu.memory_space<vmem>>
      %dma_wait3A_44 = tpu.memref_squeeze %dma_wait3A_43 : memref<1x112xi32, #tpu.memory_space<vmem>> -> memref<112xi32, #tpu.memory_space<vmem>>
      %dma_wait3A_45 = arith.constant 0 : i32
      %dma_wait3A_46 = arith.constant 0 : i32
      %dma_wait3A_47 = tpu.memref_slice %arg8[%dma_wait3A_45, %dma_wait3A_46] : memref<4480x32xf32, #tpu.memory_space<vmem_shared>> -> memref<4480x32xf32, #tpu.memory_space<vmem_shared>>
      tpu.wait_indirect_dma semaphore(%run_scoped3A_31 : memref<!tpu.dma_semaphore, #tpu.memory_space<semaphore_mem>>) src(%dma_wait3A_41 : memref<112x32xf32, #tpu.memory_space<vmem>>) dst(%dma_wait3A_47 : memref<4480x32xf32, #tpu.memory_space<vmem_shared>>)
      tpu.yield
    }) : () -> ()
    %run_scoped3A_23 = arith.constant 17 : i32
    "tpu.region"() ({
      %run_scoped3A_31 = tpu.sem_alloc : memref<!tpu.dma_semaphore, #tpu.memory_space<semaphore_mem>>
      %dma_start3A = arith.constant 1904 : i32
      %dma_start3A_32 = arith.constant 0 : i32
      %dma_start3A_33 = tpu.memref_slice %arg7[%dma_start3A, %dma_start3A_32] : memref<2240x32xf32, #tpu.memory_space<vmem>> -> memref<112x32xf32, #tpu.memory_space<vmem>>
      %dma_start3A_34 = arith.constant 0 : i32
      %dma_start3A_35 = tpu.memref_slice %arg6[%run_scoped3A_23, %dma_start3A_34] : memref<20x112xi32, #tpu.memory_space<vmem>> -> memref<1x112xi32, #tpu.memory_space<vmem>>
      %dma_start3A_36 = tpu.memref_squeeze %dma_start3A_35 : memref<1x112xi32, #tpu.memory_space<vmem>> -> memref<112xi32, #tpu.memory_space<vmem>>
      %dma_start3A_37 = arith.constant 0 : i32
      %dma_start3A_38 = arith.constant 0 : i32
      %dma_start3A_39 = tpu.memref_slice %arg8[%dma_start3A_37, %dma_start3A_38] : memref<4480x32xf32, #tpu.memory_space<vmem_shared>> -> memref<4480x32xf32, #tpu.memory_space<vmem_shared>>
      tpu.enqueue_indirect_dma source(%dma_start3A_33 : memref<112x32xf32, #tpu.memory_space<vmem>>) target(%dma_start3A_39 : memref<4480x32xf32, #tpu.memory_space<vmem_shared>>) offsets(%dma_start3A_36 : memref<112xi32, #tpu.memory_space<vmem>>) semaphore(%run_scoped3A_31 : memref<!tpu.dma_semaphore, #tpu.memory_space<semaphore_mem>>) {add = true}
      %dma_wait3A = arith.constant 1904 : i32
      %dma_wait3A_40 = arith.constant 0 : i32
      %dma_wait3A_41 = tpu.memref_slice %arg7[%dma_wait3A, %dma_wait3A_40] : memref<2240x32xf32, #tpu.memory_space<vmem>> -> memref<112x32xf32, #tpu.memory_space<vmem>>
      %dma_wait3A_42 = arith.constant 0 : i32
      %dma_wait3A_43 = tpu.memref_slice %arg6[%run_scoped3A_23, %dma_wait3A_42] : memref<20x112xi32, #tpu.memory_space<vmem>> -> memref<1x112xi32, #tpu.memory_space<vmem>>
      %dma_wait3A_44 = tpu.memref_squeeze %dma_wait3A_43 : memref<1x112xi32, #tpu.memory_space<vmem>> -> memref<112xi32, #tpu.memory_space<vmem>>
      %dma_wait3A_45 = arith.constant 0 : i32
      %dma_wait3A_46 = arith.constant 0 : i32
      %dma_wait3A_47 = tpu.memref_slice %arg8[%dma_wait3A_45, %dma_wait3A_46] : memref<4480x32xf32, #tpu.memory_space<vmem_shared>> -> memref<4480x32xf32, #tpu.memory_space<vmem_shared>>
      tpu.wait_indirect_dma semaphore(%run_scoped3A_31 : memref<!tpu.dma_semaphore, #tpu.memory_space<semaphore_mem>>) src(%dma_wait3A_41 : memref<112x32xf32, #tpu.memory_space<vmem>>) dst(%dma_wait3A_47 : memref<4480x32xf32, #tpu.memory_space<vmem_shared>>)
      tpu.yield
    }) : () -> ()
    %run_scoped3A_24 = arith.constant 18 : i32
    "tpu.region"() ({
      %run_scoped3A_31 = tpu.sem_alloc : memref<!tpu.dma_semaphore, #tpu.memory_space<semaphore_mem>>
      %dma_start3A = arith.constant 2016 : i32
      %dma_start3A_32 = arith.constant 0 : i32
      %dma_start3A_33 = tpu.memref_slice %arg7[%dma_start3A, %dma_start3A_32] : memref<2240x32xf32, #tpu.memory_space<vmem>> -> memref<112x32xf32, #tpu.memory_space<vmem>>
      %dma_start3A_34 = arith.constant 0 : i32
      %dma_start3A_35 = tpu.memref_slice %arg6[%run_scoped3A_24, %dma_start3A_34] : memref<20x112xi32, #tpu.memory_space<vmem>> -> memref<1x112xi32, #tpu.memory_space<vmem>>
      %dma_start3A_36 = tpu.memref_squeeze %dma_start3A_35 : memref<1x112xi32, #tpu.memory_space<vmem>> -> memref<112xi32, #tpu.memory_space<vmem>>
      %dma_start3A_37 = arith.constant 0 : i32
      %dma_start3A_38 = arith.constant 0 : i32
      %dma_start3A_39 = tpu.memref_slice %arg8[%dma_start3A_37, %dma_start3A_38] : memref<4480x32xf32, #tpu.memory_space<vmem_shared>> -> memref<4480x32xf32, #tpu.memory_space<vmem_shared>>
      tpu.enqueue_indirect_dma source(%dma_start3A_33 : memref<112x32xf32, #tpu.memory_space<vmem>>) target(%dma_start3A_39 : memref<4480x32xf32, #tpu.memory_space<vmem_shared>>) offsets(%dma_start3A_36 : memref<112xi32, #tpu.memory_space<vmem>>) semaphore(%run_scoped3A_31 : memref<!tpu.dma_semaphore, #tpu.memory_space<semaphore_mem>>) {add = true}
      %dma_wait3A = arith.constant 2016 : i32
      %dma_wait3A_40 = arith.constant 0 : i32
      %dma_wait3A_41 = tpu.memref_slice %arg7[%dma_wait3A, %dma_wait3A_40] : memref<2240x32xf32, #tpu.memory_space<vmem>> -> memref<112x32xf32, #tpu.memory_space<vmem>>
      %dma_wait3A_42 = arith.constant 0 : i32
      %dma_wait3A_43 = tpu.memref_slice %arg6[%run_scoped3A_24, %dma_wait3A_42] : memref<20x112xi32, #tpu.memory_space<vmem>> -> memref<1x112xi32, #tpu.memory_space<vmem>>
      %dma_wait3A_44 = tpu.memref_squeeze %dma_wait3A_43 : memref<1x112xi32, #tpu.memory_space<vmem>> -> memref<112xi32, #tpu.memory_space<vmem>>
      %dma_wait3A_45 = arith.constant 0 : i32
      %dma_wait3A_46 = arith.constant 0 : i32
      %dma_wait3A_47 = tpu.memref_slice %arg8[%dma_wait3A_45, %dma_wait3A_46] : memref<4480x32xf32, #tpu.memory_space<vmem_shared>> -> memref<4480x32xf32, #tpu.memory_space<vmem_shared>>
      tpu.wait_indirect_dma semaphore(%run_scoped3A_31 : memref<!tpu.dma_semaphore, #tpu.memory_space<semaphore_mem>>) src(%dma_wait3A_41 : memref<112x32xf32, #tpu.memory_space<vmem>>) dst(%dma_wait3A_47 : memref<4480x32xf32, #tpu.memory_space<vmem_shared>>)
      tpu.yield
    }) : () -> ()
    %run_scoped3A_25 = arith.constant 19 : i32
    "tpu.region"() ({
      %run_scoped3A_31 = tpu.sem_alloc : memref<!tpu.dma_semaphore, #tpu.memory_space<semaphore_mem>>
      %dma_start3A = arith.constant 2128 : i32
      %dma_start3A_32 = arith.constant 0 : i32
      %dma_start3A_33 = tpu.memref_slice %arg7[%dma_start3A, %dma_start3A_32] : memref<2240x32xf32, #tpu.memory_space<vmem>> -> memref<112x32xf32, #tpu.memory_space<vmem>>
      %dma_start3A_34 = arith.constant 0 : i32
      %dma_start3A_35 = tpu.memref_slice %arg6[%run_scoped3A_25, %dma_start3A_34] : memref<20x112xi32, #tpu.memory_space<vmem>> -> memref<1x112xi32, #tpu.memory_space<vmem>>
      %dma_start3A_36 = tpu.memref_squeeze %dma_start3A_35 : memref<1x112xi32, #tpu.memory_space<vmem>> -> memref<112xi32, #tpu.memory_space<vmem>>
      %dma_start3A_37 = arith.constant 0 : i32
      %dma_start3A_38 = arith.constant 0 : i32
      %dma_start3A_39 = tpu.memref_slice %arg8[%dma_start3A_37, %dma_start3A_38] : memref<4480x32xf32, #tpu.memory_space<vmem_shared>> -> memref<4480x32xf32, #tpu.memory_space<vmem_shared>>
      tpu.enqueue_indirect_dma source(%dma_start3A_33 : memref<112x32xf32, #tpu.memory_space<vmem>>) target(%dma_start3A_39 : memref<4480x32xf32, #tpu.memory_space<vmem_shared>>) offsets(%dma_start3A_36 : memref<112xi32, #tpu.memory_space<vmem>>) semaphore(%run_scoped3A_31 : memref<!tpu.dma_semaphore, #tpu.memory_space<semaphore_mem>>) {add = true}
      %dma_wait3A = arith.constant 2128 : i32
      %dma_wait3A_40 = arith.constant 0 : i32
      %dma_wait3A_41 = tpu.memref_slice %arg7[%dma_wait3A, %dma_wait3A_40] : memref<2240x32xf32, #tpu.memory_space<vmem>> -> memref<112x32xf32, #tpu.memory_space<vmem>>
      %dma_wait3A_42 = arith.constant 0 : i32
      %dma_wait3A_43 = tpu.memref_slice %arg6[%run_scoped3A_25, %dma_wait3A_42] : memref<20x112xi32, #tpu.memory_space<vmem>> -> memref<1x112xi32, #tpu.memory_space<vmem>>
      %dma_wait3A_44 = tpu.memref_squeeze %dma_wait3A_43 : memref<1x112xi32, #tpu.memory_space<vmem>> -> memref<112xi32, #tpu.memory_space<vmem>>
      %dma_wait3A_45 = arith.constant 0 : i32
      %dma_wait3A_46 = arith.constant 0 : i32
      %dma_wait3A_47 = tpu.memref_slice %arg8[%dma_wait3A_45, %dma_wait3A_46] : memref<4480x32xf32, #tpu.memory_space<vmem_shared>> -> memref<4480x32xf32, #tpu.memory_space<vmem_shared>>
      tpu.wait_indirect_dma semaphore(%run_scoped3A_31 : memref<!tpu.dma_semaphore, #tpu.memory_space<semaphore_mem>>) src(%dma_wait3A_41 : memref<112x32xf32, #tpu.memory_space<vmem>>) dst(%dma_wait3A_47 : memref<4480x32xf32, #tpu.memory_space<vmem_shared>>)
      tpu.yield
    }) : () -> ()
    %barrier3A_26 = arith.constant 0 : index
    tpu.barrier barrier_id(%barrier3A_26)
    %mul3A_27 = arith.constant 280 : i32
    %mul3A_28 = arith.muli %arg1, %mul3A_27 : i32
    %mul3A_29 = arith.constant 280 : i32
    %mul3A_30 = arith.muli %arg1, %mul3A_29 : i32
    "tpu.region"() ({
      %run_scoped3A_31 = tpu.sem_alloc : memref<!tpu.dma_semaphore, #tpu.memory_space<semaphore_mem>>
      %dma_start3A = arith.constant 0 : i32
      %dma_start3A_32 = tpu.memref_slice %arg5[%arg0, %mul3A_30, %dma_start3A] : memref<2x4480x32xf32, #tpu.memory_space<hbm>> -> memref<1x280x32xf32, #tpu.memory_space<hbm>>
      %dma_start3A_33 = tpu.memref_squeeze %dma_start3A_32 : memref<1x280x32xf32, #tpu.memory_space<hbm>> -> memref<280x32xf32, #tpu.memory_space<hbm>>
      %dma_start3A_34 = arith.constant 0 : i32
      %dma_start3A_35 = tpu.memref_slice %arg8[%mul3A_28, %dma_start3A_34] : memref<4480x32xf32, #tpu.memory_space<vmem_shared>> -> memref<280x32xf32, #tpu.memory_space<vmem_shared>>
      tpu.enqueue_dma source(%dma_start3A_35 : memref<280x32xf32, #tpu.memory_space<vmem_shared>>) target(%dma_start3A_33 : memref<280x32xf32, #tpu.memory_space<hbm>>) target_semaphore(%run_scoped3A_31 : memref<!tpu.dma_semaphore, #tpu.memory_space<semaphore_mem>>)
      %dma_wait3A = arith.constant 0 : i32
      %dma_wait3A_36 = tpu.memref_slice %arg5[%arg0, %mul3A_30, %dma_wait3A] : memref<2x4480x32xf32, #tpu.memory_space<hbm>> -> memref<1x280x32xf32, #tpu.memory_space<hbm>>
      %dma_wait3A_37 = tpu.memref_squeeze %dma_wait3A_36 : memref<1x280x32xf32, #tpu.memory_space<hbm>> -> memref<280x32xf32, #tpu.memory_space<hbm>>
      %dma_wait3A_38 = arith.constant 0 : i32
      %dma_wait3A_39 = tpu.memref_slice %arg8[%mul3A_28, %dma_wait3A_38] : memref<4480x32xf32, #tpu.memory_space<vmem_shared>> -> memref<280x32xf32, #tpu.memory_space<vmem_shared>>
      tpu.wait_dma2 semaphore(%run_scoped3A_31 : memref<!tpu.dma_semaphore, #tpu.memory_space<semaphore_mem>>) src(%dma_wait3A_39 : memref<280x32xf32, #tpu.memory_space<vmem_shared>>) dst(%dma_wait3A_37 : memref<280x32xf32, #tpu.memory_space<hbm>>)
      tpu.yield
    }) : () -> ()
    return
  }
}

#map = affine_map<(d0, d1) -> (0, 0)>
#map1 = affine_map<(d0, d1) -> (0, 0, 0)>
module attributes {stable_mosaic.version = 14 : i64} {
  func.func @gather_kernel(%arg0: i32, %arg1: i32, %arg2: memref<4480x32xf32, #tpu.memory_space<hbm>>, %arg3: memref<32x20x112xi32, #tpu.memory_space<hbm>>, %arg4: memref<71680x32xf32, #tpu.memory_space<hbm>>, %arg5: memref<20x112xi32, #tpu.memory_space<vmem>>, %arg6: memref<2240x32xf32, #tpu.memory_space<vmem>>, %arg7: memref<!tpu.dma_semaphore, #tpu.memory_space<semaphore_mem>>) attributes {dimension_semantics = [#tpu.dimension_semantics<core_parallel>, #tpu.dimension_semantics<subcore_parallel>], iteration_bounds = array<i64: 2, 16>, scalar_prefetch = 0 : i64, scratch_operands = 3 : i64, tpu.core_type = #tpu.core_type<sc_vector_subcore>, window_params = [{transform_indices = #map}, {transform_indices = #map1}, {transform_indices = #map}]} {
    %mul3A = arith.constant 2 : i32
    %mul3A_0 = arith.muli %arg1, %mul3A : i32
    %add3A = arith.addi %mul3A_0, %arg0 : i32
    "tpu.region"() ({
      %run_scoped3A = tpu.sem_alloc : memref<!tpu.dma_semaphore, #tpu.memory_space<semaphore_mem>>
      %dma_start3A_401 = arith.constant 0 : i32
      %dma_start3A_402 = arith.constant 0 : i32
      %dma_start3A_403 = tpu.memref_slice %arg3[%add3A, %dma_start3A_401, %dma_start3A_402] : memref<32x20x112xi32, #tpu.memory_space<hbm>> -> memref<1x20x112xi32, #tpu.memory_space<hbm>>
      %dma_start3A_404 = tpu.memref_squeeze %dma_start3A_403 : memref<1x20x112xi32, #tpu.memory_space<hbm>> -> memref<20x112xi32, #tpu.memory_space<hbm>>
      %dma_start3A_405 = arith.constant 0 : i32
      %dma_start3A_406 = arith.constant 0 : i32
      %dma_start3A_407 = tpu.memref_slice %arg3[%add3A, %dma_start3A_405, %dma_start3A_406] : memref<32x20x112xi32, #tpu.memory_space<hbm>> -> memref<1x20x112xi32, #tpu.memory_space<hbm>>
      %dma_start3A_408 = tpu.memref_squeeze %dma_start3A_407 : memref<1x20x112xi32, #tpu.memory_space<hbm>> -> memref<20x112xi32, #tpu.memory_space<hbm>>
      tpu.enqueue_dma source(%dma_start3A_408 : memref<20x112xi32, #tpu.memory_space<hbm>>) target(%arg5 : memref<20x112xi32, #tpu.memory_space<vmem>>) target_semaphore(%run_scoped3A : memref<!tpu.dma_semaphore, #tpu.memory_space<semaphore_mem>>)
      %dma_wait3A_409 = arith.constant 0 : i32
      %dma_wait3A_410 = arith.constant 0 : i32
      %dma_wait3A_411 = tpu.memref_slice %arg3[%add3A, %dma_wait3A_409, %dma_wait3A_410] : memref<32x20x112xi32, #tpu.memory_space<hbm>> -> memref<1x20x112xi32, #tpu.memory_space<hbm>>
      %dma_wait3A_412 = tpu.memref_squeeze %dma_wait3A_411 : memref<1x20x112xi32, #tpu.memory_space<hbm>> -> memref<20x112xi32, #tpu.memory_space<hbm>>
      %dma_wait3A_413 = arith.constant 0 : i32
      %dma_wait3A_414 = arith.constant 0 : i32
      %dma_wait3A_415 = tpu.memref_slice %arg3[%add3A, %dma_wait3A_413, %dma_wait3A_414] : memref<32x20x112xi32, #tpu.memory_space<hbm>> -> memref<1x20x112xi32, #tpu.memory_space<hbm>>
      %dma_wait3A_416 = tpu.memref_squeeze %dma_wait3A_415 : memref<1x20x112xi32, #tpu.memory_space<hbm>> -> memref<20x112xi32, #tpu.memory_space<hbm>>
      tpu.wait_dma2 semaphore(%run_scoped3A : memref<!tpu.dma_semaphore, #tpu.memory_space<semaphore_mem>>) src(%dma_wait3A_416 : memref<20x112xi32, #tpu.memory_space<hbm>>) dst(%arg5 : memref<20x112xi32, #tpu.memory_space<vmem>>)
      tpu.yield
    }) : () -> ()
    %dma_start3A = arith.constant 0 : i32
    %dma_start3A_1 = arith.constant 0 : i32
    %dma_start3A_2 = arith.constant 0 : i32
    %dma_start3A_3 = tpu.memref_slice %arg6[%dma_start3A_1, %dma_start3A_2] : memref<2240x32xf32, #tpu.memory_space<vmem>> -> memref<112x32xf32, #tpu.memory_space<vmem>>
    %dma_start3A_4 = arith.constant 0 : i32
    %dma_start3A_5 = tpu.memref_slice %arg5[%dma_start3A, %dma_start3A_4] : memref<20x112xi32, #tpu.memory_space<vmem>> -> memref<1x112xi32, #tpu.memory_space<vmem>>
    %dma_start3A_6 = tpu.memref_squeeze %dma_start3A_5 : memref<1x112xi32, #tpu.memory_space<vmem>> -> memref<112xi32, #tpu.memory_space<vmem>>
    %dma_start3A_7 = arith.constant 0 : i32
    %dma_start3A_8 = arith.constant 0 : i32
    %dma_start3A_9 = tpu.memref_slice %arg2[%dma_start3A_7, %dma_start3A_8] : memref<4480x32xf32, #tpu.memory_space<hbm>> -> memref<4480x32xf32, #tpu.memory_space<hbm>>
    tpu.enqueue_indirect_dma source(%dma_start3A_9 : memref<4480x32xf32, #tpu.memory_space<hbm>>) target(%dma_start3A_3 : memref<112x32xf32, #tpu.memory_space<vmem>>) offsets(%dma_start3A_6 : memref<112xi32, #tpu.memory_space<vmem>>) semaphore(%arg7 : memref<!tpu.dma_semaphore, #tpu.memory_space<semaphore_mem>>)
    %dma_start3A_10 = arith.constant 1 : i32
    %dma_start3A_11 = arith.constant 112 : i32
    %dma_start3A_12 = arith.constant 0 : i32
    %dma_start3A_13 = tpu.memref_slice %arg6[%dma_start3A_11, %dma_start3A_12] : memref<2240x32xf32, #tpu.memory_space<vmem>> -> memref<112x32xf32, #tpu.memory_space<vmem>>
    %dma_start3A_14 = arith.constant 0 : i32
    %dma_start3A_15 = tpu.memref_slice %arg5[%dma_start3A_10, %dma_start3A_14] : memref<20x112xi32, #tpu.memory_space<vmem>> -> memref<1x112xi32, #tpu.memory_space<vmem>>
    %dma_start3A_16 = tpu.memref_squeeze %dma_start3A_15 : memref<1x112xi32, #tpu.memory_space<vmem>> -> memref<112xi32, #tpu.memory_space<vmem>>
    %dma_start3A_17 = arith.constant 0 : i32
    %dma_start3A_18 = arith.constant 0 : i32
    %dma_start3A_19 = tpu.memref_slice %arg2[%dma_start3A_17, %dma_start3A_18] : memref<4480x32xf32, #tpu.memory_space<hbm>> -> memref<4480x32xf32, #tpu.memory_space<hbm>>
    tpu.enqueue_indirect_dma source(%dma_start3A_19 : memref<4480x32xf32, #tpu.memory_space<hbm>>) target(%dma_start3A_13 : memref<112x32xf32, #tpu.memory_space<vmem>>) offsets(%dma_start3A_16 : memref<112xi32, #tpu.memory_space<vmem>>) semaphore(%arg7 : memref<!tpu.dma_semaphore, #tpu.memory_space<semaphore_mem>>)
    %dma_start3A_20 = arith.constant 2 : i32
    %dma_start3A_21 = arith.constant 224 : i32
    %dma_start3A_22 = arith.constant 0 : i32
    %dma_start3A_23 = tpu.memref_slice %arg6[%dma_start3A_21, %dma_start3A_22] : memref<2240x32xf32, #tpu.memory_space<vmem>> -> memref<112x32xf32, #tpu.memory_space<vmem>>
    %dma_start3A_24 = arith.constant 0 : i32
    %dma_start3A_25 = tpu.memref_slice %arg5[%dma_start3A_20, %dma_start3A_24] : memref<20x112xi32, #tpu.memory_space<vmem>> -> memref<1x112xi32, #tpu.memory_space<vmem>>
    %dma_start3A_26 = tpu.memref_squeeze %dma_start3A_25 : memref<1x112xi32, #tpu.memory_space<vmem>> -> memref<112xi32, #tpu.memory_space<vmem>>
    %dma_start3A_27 = arith.constant 0 : i32
    %dma_start3A_28 = arith.constant 0 : i32
    %dma_start3A_29 = tpu.memref_slice %arg2[%dma_start3A_27, %dma_start3A_28] : memref<4480x32xf32, #tpu.memory_space<hbm>> -> memref<4480x32xf32, #tpu.memory_space<hbm>>
    tpu.enqueue_indirect_dma source(%dma_start3A_29 : memref<4480x32xf32, #tpu.memory_space<hbm>>) target(%dma_start3A_23 : memref<112x32xf32, #tpu.memory_space<vmem>>) offsets(%dma_start3A_26 : memref<112xi32, #tpu.memory_space<vmem>>) semaphore(%arg7 : memref<!tpu.dma_semaphore, #tpu.memory_space<semaphore_mem>>)
    %dma_start3A_30 = arith.constant 3 : i32
    %dma_start3A_31 = arith.constant 336 : i32
    %dma_start3A_32 = arith.constant 0 : i32
    %dma_start3A_33 = tpu.memref_slice %arg6[%dma_start3A_31, %dma_start3A_32] : memref<2240x32xf32, #tpu.memory_space<vmem>> -> memref<112x32xf32, #tpu.memory_space<vmem>>
    %dma_start3A_34 = arith.constant 0 : i32
    %dma_start3A_35 = tpu.memref_slice %arg5[%dma_start3A_30, %dma_start3A_34] : memref<20x112xi32, #tpu.memory_space<vmem>> -> memref<1x112xi32, #tpu.memory_space<vmem>>
    %dma_start3A_36 = tpu.memref_squeeze %dma_start3A_35 : memref<1x112xi32, #tpu.memory_space<vmem>> -> memref<112xi32, #tpu.memory_space<vmem>>
    %dma_start3A_37 = arith.constant 0 : i32
    %dma_start3A_38 = arith.constant 0 : i32
    %dma_start3A_39 = tpu.memref_slice %arg2[%dma_start3A_37, %dma_start3A_38] : memref<4480x32xf32, #tpu.memory_space<hbm>> -> memref<4480x32xf32, #tpu.memory_space<hbm>>
    tpu.enqueue_indirect_dma source(%dma_start3A_39 : memref<4480x32xf32, #tpu.memory_space<hbm>>) target(%dma_start3A_33 : memref<112x32xf32, #tpu.memory_space<vmem>>) offsets(%dma_start3A_36 : memref<112xi32, #tpu.memory_space<vmem>>) semaphore(%arg7 : memref<!tpu.dma_semaphore, #tpu.memory_space<semaphore_mem>>)
    %dma_start3A_40 = arith.constant 4 : i32
    %dma_start3A_41 = arith.constant 448 : i32
    %dma_start3A_42 = arith.constant 0 : i32
    %dma_start3A_43 = tpu.memref_slice %arg6[%dma_start3A_41, %dma_start3A_42] : memref<2240x32xf32, #tpu.memory_space<vmem>> -> memref<112x32xf32, #tpu.memory_space<vmem>>
    %dma_start3A_44 = arith.constant 0 : i32
    %dma_start3A_45 = tpu.memref_slice %arg5[%dma_start3A_40, %dma_start3A_44] : memref<20x112xi32, #tpu.memory_space<vmem>> -> memref<1x112xi32, #tpu.memory_space<vmem>>
    %dma_start3A_46 = tpu.memref_squeeze %dma_start3A_45 : memref<1x112xi32, #tpu.memory_space<vmem>> -> memref<112xi32, #tpu.memory_space<vmem>>
    %dma_start3A_47 = arith.constant 0 : i32
    %dma_start3A_48 = arith.constant 0 : i32
    %dma_start3A_49 = tpu.memref_slice %arg2[%dma_start3A_47, %dma_start3A_48] : memref<4480x32xf32, #tpu.memory_space<hbm>> -> memref<4480x32xf32, #tpu.memory_space<hbm>>
    tpu.enqueue_indirect_dma source(%dma_start3A_49 : memref<4480x32xf32, #tpu.memory_space<hbm>>) target(%dma_start3A_43 : memref<112x32xf32, #tpu.memory_space<vmem>>) offsets(%dma_start3A_46 : memref<112xi32, #tpu.memory_space<vmem>>) semaphore(%arg7 : memref<!tpu.dma_semaphore, #tpu.memory_space<semaphore_mem>>)
    %dma_start3A_50 = arith.constant 5 : i32
    %dma_start3A_51 = arith.constant 560 : i32
    %dma_start3A_52 = arith.constant 0 : i32
    %dma_start3A_53 = tpu.memref_slice %arg6[%dma_start3A_51, %dma_start3A_52] : memref<2240x32xf32, #tpu.memory_space<vmem>> -> memref<112x32xf32, #tpu.memory_space<vmem>>
    %dma_start3A_54 = arith.constant 0 : i32
    %dma_start3A_55 = tpu.memref_slice %arg5[%dma_start3A_50, %dma_start3A_54] : memref<20x112xi32, #tpu.memory_space<vmem>> -> memref<1x112xi32, #tpu.memory_space<vmem>>
    %dma_start3A_56 = tpu.memref_squeeze %dma_start3A_55 : memref<1x112xi32, #tpu.memory_space<vmem>> -> memref<112xi32, #tpu.memory_space<vmem>>
    %dma_start3A_57 = arith.constant 0 : i32
    %dma_start3A_58 = arith.constant 0 : i32
    %dma_start3A_59 = tpu.memref_slice %arg2[%dma_start3A_57, %dma_start3A_58] : memref<4480x32xf32, #tpu.memory_space<hbm>> -> memref<4480x32xf32, #tpu.memory_space<hbm>>
    tpu.enqueue_indirect_dma source(%dma_start3A_59 : memref<4480x32xf32, #tpu.memory_space<hbm>>) target(%dma_start3A_53 : memref<112x32xf32, #tpu.memory_space<vmem>>) offsets(%dma_start3A_56 : memref<112xi32, #tpu.memory_space<vmem>>) semaphore(%arg7 : memref<!tpu.dma_semaphore, #tpu.memory_space<semaphore_mem>>)
    %dma_start3A_60 = arith.constant 6 : i32
    %dma_start3A_61 = arith.constant 672 : i32
    %dma_start3A_62 = arith.constant 0 : i32
    %dma_start3A_63 = tpu.memref_slice %arg6[%dma_start3A_61, %dma_start3A_62] : memref<2240x32xf32, #tpu.memory_space<vmem>> -> memref<112x32xf32, #tpu.memory_space<vmem>>
    %dma_start3A_64 = arith.constant 0 : i32
    %dma_start3A_65 = tpu.memref_slice %arg5[%dma_start3A_60, %dma_start3A_64] : memref<20x112xi32, #tpu.memory_space<vmem>> -> memref<1x112xi32, #tpu.memory_space<vmem>>
    %dma_start3A_66 = tpu.memref_squeeze %dma_start3A_65 : memref<1x112xi32, #tpu.memory_space<vmem>> -> memref<112xi32, #tpu.memory_space<vmem>>
    %dma_start3A_67 = arith.constant 0 : i32
    %dma_start3A_68 = arith.constant 0 : i32
    %dma_start3A_69 = tpu.memref_slice %arg2[%dma_start3A_67, %dma_start3A_68] : memref<4480x32xf32, #tpu.memory_space<hbm>> -> memref<4480x32xf32, #tpu.memory_space<hbm>>
    tpu.enqueue_indirect_dma source(%dma_start3A_69 : memref<4480x32xf32, #tpu.memory_space<hbm>>) target(%dma_start3A_63 : memref<112x32xf32, #tpu.memory_space<vmem>>) offsets(%dma_start3A_66 : memref<112xi32, #tpu.memory_space<vmem>>) semaphore(%arg7 : memref<!tpu.dma_semaphore, #tpu.memory_space<semaphore_mem>>)
    %dma_start3A_70 = arith.constant 7 : i32
    %dma_start3A_71 = arith.constant 784 : i32
    %dma_start3A_72 = arith.constant 0 : i32
    %dma_start3A_73 = tpu.memref_slice %arg6[%dma_start3A_71, %dma_start3A_72] : memref<2240x32xf32, #tpu.memory_space<vmem>> -> memref<112x32xf32, #tpu.memory_space<vmem>>
    %dma_start3A_74 = arith.constant 0 : i32
    %dma_start3A_75 = tpu.memref_slice %arg5[%dma_start3A_70, %dma_start3A_74] : memref<20x112xi32, #tpu.memory_space<vmem>> -> memref<1x112xi32, #tpu.memory_space<vmem>>
    %dma_start3A_76 = tpu.memref_squeeze %dma_start3A_75 : memref<1x112xi32, #tpu.memory_space<vmem>> -> memref<112xi32, #tpu.memory_space<vmem>>
    %dma_start3A_77 = arith.constant 0 : i32
    %dma_start3A_78 = arith.constant 0 : i32
    %dma_start3A_79 = tpu.memref_slice %arg2[%dma_start3A_77, %dma_start3A_78] : memref<4480x32xf32, #tpu.memory_space<hbm>> -> memref<4480x32xf32, #tpu.memory_space<hbm>>
    tpu.enqueue_indirect_dma source(%dma_start3A_79 : memref<4480x32xf32, #tpu.memory_space<hbm>>) target(%dma_start3A_73 : memref<112x32xf32, #tpu.memory_space<vmem>>) offsets(%dma_start3A_76 : memref<112xi32, #tpu.memory_space<vmem>>) semaphore(%arg7 : memref<!tpu.dma_semaphore, #tpu.memory_space<semaphore_mem>>)
    %dma_start3A_80 = arith.constant 8 : i32
    %dma_start3A_81 = arith.constant 896 : i32
    %dma_start3A_82 = arith.constant 0 : i32
    %dma_start3A_83 = tpu.memref_slice %arg6[%dma_start3A_81, %dma_start3A_82] : memref<2240x32xf32, #tpu.memory_space<vmem>> -> memref<112x32xf32, #tpu.memory_space<vmem>>
    %dma_start3A_84 = arith.constant 0 : i32
    %dma_start3A_85 = tpu.memref_slice %arg5[%dma_start3A_80, %dma_start3A_84] : memref<20x112xi32, #tpu.memory_space<vmem>> -> memref<1x112xi32, #tpu.memory_space<vmem>>
    %dma_start3A_86 = tpu.memref_squeeze %dma_start3A_85 : memref<1x112xi32, #tpu.memory_space<vmem>> -> memref<112xi32, #tpu.memory_space<vmem>>
    %dma_start3A_87 = arith.constant 0 : i32
    %dma_start3A_88 = arith.constant 0 : i32
    %dma_start3A_89 = tpu.memref_slice %arg2[%dma_start3A_87, %dma_start3A_88] : memref<4480x32xf32, #tpu.memory_space<hbm>> -> memref<4480x32xf32, #tpu.memory_space<hbm>>
    tpu.enqueue_indirect_dma source(%dma_start3A_89 : memref<4480x32xf32, #tpu.memory_space<hbm>>) target(%dma_start3A_83 : memref<112x32xf32, #tpu.memory_space<vmem>>) offsets(%dma_start3A_86 : memref<112xi32, #tpu.memory_space<vmem>>) semaphore(%arg7 : memref<!tpu.dma_semaphore, #tpu.memory_space<semaphore_mem>>)
    %dma_start3A_90 = arith.constant 9 : i32
    %dma_start3A_91 = arith.constant 1008 : i32
    %dma_start3A_92 = arith.constant 0 : i32
    %dma_start3A_93 = tpu.memref_slice %arg6[%dma_start3A_91, %dma_start3A_92] : memref<2240x32xf32, #tpu.memory_space<vmem>> -> memref<112x32xf32, #tpu.memory_space<vmem>>
    %dma_start3A_94 = arith.constant 0 : i32
    %dma_start3A_95 = tpu.memref_slice %arg5[%dma_start3A_90, %dma_start3A_94] : memref<20x112xi32, #tpu.memory_space<vmem>> -> memref<1x112xi32, #tpu.memory_space<vmem>>
    %dma_start3A_96 = tpu.memref_squeeze %dma_start3A_95 : memref<1x112xi32, #tpu.memory_space<vmem>> -> memref<112xi32, #tpu.memory_space<vmem>>
    %dma_start3A_97 = arith.constant 0 : i32
    %dma_start3A_98 = arith.constant 0 : i32
    %dma_start3A_99 = tpu.memref_slice %arg2[%dma_start3A_97, %dma_start3A_98] : memref<4480x32xf32, #tpu.memory_space<hbm>> -> memref<4480x32xf32, #tpu.memory_space<hbm>>
    tpu.enqueue_indirect_dma source(%dma_start3A_99 : memref<4480x32xf32, #tpu.memory_space<hbm>>) target(%dma_start3A_93 : memref<112x32xf32, #tpu.memory_space<vmem>>) offsets(%dma_start3A_96 : memref<112xi32, #tpu.memory_space<vmem>>) semaphore(%arg7 : memref<!tpu.dma_semaphore, #tpu.memory_space<semaphore_mem>>)
    %dma_start3A_100 = arith.constant 10 : i32
    %dma_start3A_101 = arith.constant 1120 : i32
    %dma_start3A_102 = arith.constant 0 : i32
    %dma_start3A_103 = tpu.memref_slice %arg6[%dma_start3A_101, %dma_start3A_102] : memref<2240x32xf32, #tpu.memory_space<vmem>> -> memref<112x32xf32, #tpu.memory_space<vmem>>
    %dma_start3A_104 = arith.constant 0 : i32
    %dma_start3A_105 = tpu.memref_slice %arg5[%dma_start3A_100, %dma_start3A_104] : memref<20x112xi32, #tpu.memory_space<vmem>> -> memref<1x112xi32, #tpu.memory_space<vmem>>
    %dma_start3A_106 = tpu.memref_squeeze %dma_start3A_105 : memref<1x112xi32, #tpu.memory_space<vmem>> -> memref<112xi32, #tpu.memory_space<vmem>>
    %dma_start3A_107 = arith.constant 0 : i32
    %dma_start3A_108 = arith.constant 0 : i32
    %dma_start3A_109 = tpu.memref_slice %arg2[%dma_start3A_107, %dma_start3A_108] : memref<4480x32xf32, #tpu.memory_space<hbm>> -> memref<4480x32xf32, #tpu.memory_space<hbm>>
    tpu.enqueue_indirect_dma source(%dma_start3A_109 : memref<4480x32xf32, #tpu.memory_space<hbm>>) target(%dma_start3A_103 : memref<112x32xf32, #tpu.memory_space<vmem>>) offsets(%dma_start3A_106 : memref<112xi32, #tpu.memory_space<vmem>>) semaphore(%arg7 : memref<!tpu.dma_semaphore, #tpu.memory_space<semaphore_mem>>)
    %dma_start3A_110 = arith.constant 11 : i32
    %dma_start3A_111 = arith.constant 1232 : i32
    %dma_start3A_112 = arith.constant 0 : i32
    %dma_start3A_113 = tpu.memref_slice %arg6[%dma_start3A_111, %dma_start3A_112] : memref<2240x32xf32, #tpu.memory_space<vmem>> -> memref<112x32xf32, #tpu.memory_space<vmem>>
    %dma_start3A_114 = arith.constant 0 : i32
    %dma_start3A_115 = tpu.memref_slice %arg5[%dma_start3A_110, %dma_start3A_114] : memref<20x112xi32, #tpu.memory_space<vmem>> -> memref<1x112xi32, #tpu.memory_space<vmem>>
    %dma_start3A_116 = tpu.memref_squeeze %dma_start3A_115 : memref<1x112xi32, #tpu.memory_space<vmem>> -> memref<112xi32, #tpu.memory_space<vmem>>
    %dma_start3A_117 = arith.constant 0 : i32
    %dma_start3A_118 = arith.constant 0 : i32
    %dma_start3A_119 = tpu.memref_slice %arg2[%dma_start3A_117, %dma_start3A_118] : memref<4480x32xf32, #tpu.memory_space<hbm>> -> memref<4480x32xf32, #tpu.memory_space<hbm>>
    tpu.enqueue_indirect_dma source(%dma_start3A_119 : memref<4480x32xf32, #tpu.memory_space<hbm>>) target(%dma_start3A_113 : memref<112x32xf32, #tpu.memory_space<vmem>>) offsets(%dma_start3A_116 : memref<112xi32, #tpu.memory_space<vmem>>) semaphore(%arg7 : memref<!tpu.dma_semaphore, #tpu.memory_space<semaphore_mem>>)
    %dma_start3A_120 = arith.constant 12 : i32
    %dma_start3A_121 = arith.constant 1344 : i32
    %dma_start3A_122 = arith.constant 0 : i32
    %dma_start3A_123 = tpu.memref_slice %arg6[%dma_start3A_121, %dma_start3A_122] : memref<2240x32xf32, #tpu.memory_space<vmem>> -> memref<112x32xf32, #tpu.memory_space<vmem>>
    %dma_start3A_124 = arith.constant 0 : i32
    %dma_start3A_125 = tpu.memref_slice %arg5[%dma_start3A_120, %dma_start3A_124] : memref<20x112xi32, #tpu.memory_space<vmem>> -> memref<1x112xi32, #tpu.memory_space<vmem>>
    %dma_start3A_126 = tpu.memref_squeeze %dma_start3A_125 : memref<1x112xi32, #tpu.memory_space<vmem>> -> memref<112xi32, #tpu.memory_space<vmem>>
    %dma_start3A_127 = arith.constant 0 : i32
    %dma_start3A_128 = arith.constant 0 : i32
    %dma_start3A_129 = tpu.memref_slice %arg2[%dma_start3A_127, %dma_start3A_128] : memref<4480x32xf32, #tpu.memory_space<hbm>> -> memref<4480x32xf32, #tpu.memory_space<hbm>>
    tpu.enqueue_indirect_dma source(%dma_start3A_129 : memref<4480x32xf32, #tpu.memory_space<hbm>>) target(%dma_start3A_123 : memref<112x32xf32, #tpu.memory_space<vmem>>) offsets(%dma_start3A_126 : memref<112xi32, #tpu.memory_space<vmem>>) semaphore(%arg7 : memref<!tpu.dma_semaphore, #tpu.memory_space<semaphore_mem>>)
    %dma_start3A_130 = arith.constant 13 : i32
    %dma_start3A_131 = arith.constant 1456 : i32
    %dma_start3A_132 = arith.constant 0 : i32
    %dma_start3A_133 = tpu.memref_slice %arg6[%dma_start3A_131, %dma_start3A_132] : memref<2240x32xf32, #tpu.memory_space<vmem>> -> memref<112x32xf32, #tpu.memory_space<vmem>>
    %dma_start3A_134 = arith.constant 0 : i32
    %dma_start3A_135 = tpu.memref_slice %arg5[%dma_start3A_130, %dma_start3A_134] : memref<20x112xi32, #tpu.memory_space<vmem>> -> memref<1x112xi32, #tpu.memory_space<vmem>>
    %dma_start3A_136 = tpu.memref_squeeze %dma_start3A_135 : memref<1x112xi32, #tpu.memory_space<vmem>> -> memref<112xi32, #tpu.memory_space<vmem>>
    %dma_start3A_137 = arith.constant 0 : i32
    %dma_start3A_138 = arith.constant 0 : i32
    %dma_start3A_139 = tpu.memref_slice %arg2[%dma_start3A_137, %dma_start3A_138] : memref<4480x32xf32, #tpu.memory_space<hbm>> -> memref<4480x32xf32, #tpu.memory_space<hbm>>
    tpu.enqueue_indirect_dma source(%dma_start3A_139 : memref<4480x32xf32, #tpu.memory_space<hbm>>) target(%dma_start3A_133 : memref<112x32xf32, #tpu.memory_space<vmem>>) offsets(%dma_start3A_136 : memref<112xi32, #tpu.memory_space<vmem>>) semaphore(%arg7 : memref<!tpu.dma_semaphore, #tpu.memory_space<semaphore_mem>>)
    %dma_start3A_140 = arith.constant 14 : i32
    %dma_start3A_141 = arith.constant 1568 : i32
    %dma_start3A_142 = arith.constant 0 : i32
    %dma_start3A_143 = tpu.memref_slice %arg6[%dma_start3A_141, %dma_start3A_142] : memref<2240x32xf32, #tpu.memory_space<vmem>> -> memref<112x32xf32, #tpu.memory_space<vmem>>
    %dma_start3A_144 = arith.constant 0 : i32
    %dma_start3A_145 = tpu.memref_slice %arg5[%dma_start3A_140, %dma_start3A_144] : memref<20x112xi32, #tpu.memory_space<vmem>> -> memref<1x112xi32, #tpu.memory_space<vmem>>
    %dma_start3A_146 = tpu.memref_squeeze %dma_start3A_145 : memref<1x112xi32, #tpu.memory_space<vmem>> -> memref<112xi32, #tpu.memory_space<vmem>>
    %dma_start3A_147 = arith.constant 0 : i32
    %dma_start3A_148 = arith.constant 0 : i32
    %dma_start3A_149 = tpu.memref_slice %arg2[%dma_start3A_147, %dma_start3A_148] : memref<4480x32xf32, #tpu.memory_space<hbm>> -> memref<4480x32xf32, #tpu.memory_space<hbm>>
    tpu.enqueue_indirect_dma source(%dma_start3A_149 : memref<4480x32xf32, #tpu.memory_space<hbm>>) target(%dma_start3A_143 : memref<112x32xf32, #tpu.memory_space<vmem>>) offsets(%dma_start3A_146 : memref<112xi32, #tpu.memory_space<vmem>>) semaphore(%arg7 : memref<!tpu.dma_semaphore, #tpu.memory_space<semaphore_mem>>)
    %dma_start3A_150 = arith.constant 15 : i32
    %dma_start3A_151 = arith.constant 1680 : i32
    %dma_start3A_152 = arith.constant 0 : i32
    %dma_start3A_153 = tpu.memref_slice %arg6[%dma_start3A_151, %dma_start3A_152] : memref<2240x32xf32, #tpu.memory_space<vmem>> -> memref<112x32xf32, #tpu.memory_space<vmem>>
    %dma_start3A_154 = arith.constant 0 : i32
    %dma_start3A_155 = tpu.memref_slice %arg5[%dma_start3A_150, %dma_start3A_154] : memref<20x112xi32, #tpu.memory_space<vmem>> -> memref<1x112xi32, #tpu.memory_space<vmem>>
    %dma_start3A_156 = tpu.memref_squeeze %dma_start3A_155 : memref<1x112xi32, #tpu.memory_space<vmem>> -> memref<112xi32, #tpu.memory_space<vmem>>
    %dma_start3A_157 = arith.constant 0 : i32
    %dma_start3A_158 = arith.constant 0 : i32
    %dma_start3A_159 = tpu.memref_slice %arg2[%dma_start3A_157, %dma_start3A_158] : memref<4480x32xf32, #tpu.memory_space<hbm>> -> memref<4480x32xf32, #tpu.memory_space<hbm>>
    tpu.enqueue_indirect_dma source(%dma_start3A_159 : memref<4480x32xf32, #tpu.memory_space<hbm>>) target(%dma_start3A_153 : memref<112x32xf32, #tpu.memory_space<vmem>>) offsets(%dma_start3A_156 : memref<112xi32, #tpu.memory_space<vmem>>) semaphore(%arg7 : memref<!tpu.dma_semaphore, #tpu.memory_space<semaphore_mem>>)
    %dma_start3A_160 = arith.constant 16 : i32
    %dma_start3A_161 = arith.constant 1792 : i32
    %dma_start3A_162 = arith.constant 0 : i32
    %dma_start3A_163 = tpu.memref_slice %arg6[%dma_start3A_161, %dma_start3A_162] : memref<2240x32xf32, #tpu.memory_space<vmem>> -> memref<112x32xf32, #tpu.memory_space<vmem>>
    %dma_start3A_164 = arith.constant 0 : i32
    %dma_start3A_165 = tpu.memref_slice %arg5[%dma_start3A_160, %dma_start3A_164] : memref<20x112xi32, #tpu.memory_space<vmem>> -> memref<1x112xi32, #tpu.memory_space<vmem>>
    %dma_start3A_166 = tpu.memref_squeeze %dma_start3A_165 : memref<1x112xi32, #tpu.memory_space<vmem>> -> memref<112xi32, #tpu.memory_space<vmem>>
    %dma_start3A_167 = arith.constant 0 : i32
    %dma_start3A_168 = arith.constant 0 : i32
    %dma_start3A_169 = tpu.memref_slice %arg2[%dma_start3A_167, %dma_start3A_168] : memref<4480x32xf32, #tpu.memory_space<hbm>> -> memref<4480x32xf32, #tpu.memory_space<hbm>>
    tpu.enqueue_indirect_dma source(%dma_start3A_169 : memref<4480x32xf32, #tpu.memory_space<hbm>>) target(%dma_start3A_163 : memref<112x32xf32, #tpu.memory_space<vmem>>) offsets(%dma_start3A_166 : memref<112xi32, #tpu.memory_space<vmem>>) semaphore(%arg7 : memref<!tpu.dma_semaphore, #tpu.memory_space<semaphore_mem>>)
    %dma_start3A_170 = arith.constant 17 : i32
    %dma_start3A_171 = arith.constant 1904 : i32
    %dma_start3A_172 = arith.constant 0 : i32
    %dma_start3A_173 = tpu.memref_slice %arg6[%dma_start3A_171, %dma_start3A_172] : memref<2240x32xf32, #tpu.memory_space<vmem>> -> memref<112x32xf32, #tpu.memory_space<vmem>>
    %dma_start3A_174 = arith.constant 0 : i32
    %dma_start3A_175 = tpu.memref_slice %arg5[%dma_start3A_170, %dma_start3A_174] : memref<20x112xi32, #tpu.memory_space<vmem>> -> memref<1x112xi32, #tpu.memory_space<vmem>>
    %dma_start3A_176 = tpu.memref_squeeze %dma_start3A_175 : memref<1x112xi32, #tpu.memory_space<vmem>> -> memref<112xi32, #tpu.memory_space<vmem>>
    %dma_start3A_177 = arith.constant 0 : i32
    %dma_start3A_178 = arith.constant 0 : i32
    %dma_start3A_179 = tpu.memref_slice %arg2[%dma_start3A_177, %dma_start3A_178] : memref<4480x32xf32, #tpu.memory_space<hbm>> -> memref<4480x32xf32, #tpu.memory_space<hbm>>
    tpu.enqueue_indirect_dma source(%dma_start3A_179 : memref<4480x32xf32, #tpu.memory_space<hbm>>) target(%dma_start3A_173 : memref<112x32xf32, #tpu.memory_space<vmem>>) offsets(%dma_start3A_176 : memref<112xi32, #tpu.memory_space<vmem>>) semaphore(%arg7 : memref<!tpu.dma_semaphore, #tpu.memory_space<semaphore_mem>>)
    %dma_start3A_180 = arith.constant 18 : i32
    %dma_start3A_181 = arith.constant 2016 : i32
    %dma_start3A_182 = arith.constant 0 : i32
    %dma_start3A_183 = tpu.memref_slice %arg6[%dma_start3A_181, %dma_start3A_182] : memref<2240x32xf32, #tpu.memory_space<vmem>> -> memref<112x32xf32, #tpu.memory_space<vmem>>
    %dma_start3A_184 = arith.constant 0 : i32
    %dma_start3A_185 = tpu.memref_slice %arg5[%dma_start3A_180, %dma_start3A_184] : memref<20x112xi32, #tpu.memory_space<vmem>> -> memref<1x112xi32, #tpu.memory_space<vmem>>
    %dma_start3A_186 = tpu.memref_squeeze %dma_start3A_185 : memref<1x112xi32, #tpu.memory_space<vmem>> -> memref<112xi32, #tpu.memory_space<vmem>>
    %dma_start3A_187 = arith.constant 0 : i32
    %dma_start3A_188 = arith.constant 0 : i32
    %dma_start3A_189 = tpu.memref_slice %arg2[%dma_start3A_187, %dma_start3A_188] : memref<4480x32xf32, #tpu.memory_space<hbm>> -> memref<4480x32xf32, #tpu.memory_space<hbm>>
    tpu.enqueue_indirect_dma source(%dma_start3A_189 : memref<4480x32xf32, #tpu.memory_space<hbm>>) target(%dma_start3A_183 : memref<112x32xf32, #tpu.memory_space<vmem>>) offsets(%dma_start3A_186 : memref<112xi32, #tpu.memory_space<vmem>>) semaphore(%arg7 : memref<!tpu.dma_semaphore, #tpu.memory_space<semaphore_mem>>)
    %dma_start3A_190 = arith.constant 19 : i32
    %dma_start3A_191 = arith.constant 2128 : i32
    %dma_start3A_192 = arith.constant 0 : i32
    %dma_start3A_193 = tpu.memref_slice %arg6[%dma_start3A_191, %dma_start3A_192] : memref<2240x32xf32, #tpu.memory_space<vmem>> -> memref<112x32xf32, #tpu.memory_space<vmem>>
    %dma_start3A_194 = arith.constant 0 : i32
    %dma_start3A_195 = tpu.memref_slice %arg5[%dma_start3A_190, %dma_start3A_194] : memref<20x112xi32, #tpu.memory_space<vmem>> -> memref<1x112xi32, #tpu.memory_space<vmem>>
    %dma_start3A_196 = tpu.memref_squeeze %dma_start3A_195 : memref<1x112xi32, #tpu.memory_space<vmem>> -> memref<112xi32, #tpu.memory_space<vmem>>
    %dma_start3A_197 = arith.constant 0 : i32
    %dma_start3A_198 = arith.constant 0 : i32
    %dma_start3A_199 = tpu.memref_slice %arg2[%dma_start3A_197, %dma_start3A_198] : memref<4480x32xf32, #tpu.memory_space<hbm>> -> memref<4480x32xf32, #tpu.memory_space<hbm>>
    tpu.enqueue_indirect_dma source(%dma_start3A_199 : memref<4480x32xf32, #tpu.memory_space<hbm>>) target(%dma_start3A_193 : memref<112x32xf32, #tpu.memory_space<vmem>>) offsets(%dma_start3A_196 : memref<112xi32, #tpu.memory_space<vmem>>) semaphore(%arg7 : memref<!tpu.dma_semaphore, #tpu.memory_space<semaphore_mem>>)
    %dma_wait3A = arith.constant 0 : i32
    %dma_wait3A_200 = arith.constant 0 : i32
    %dma_wait3A_201 = arith.constant 0 : i32
    %dma_wait3A_202 = tpu.memref_slice %arg6[%dma_wait3A_200, %dma_wait3A_201] : memref<2240x32xf32, #tpu.memory_space<vmem>> -> memref<112x32xf32, #tpu.memory_space<vmem>>
    %dma_wait3A_203 = arith.constant 0 : i32
    %dma_wait3A_204 = tpu.memref_slice %arg5[%dma_wait3A, %dma_wait3A_203] : memref<20x112xi32, #tpu.memory_space<vmem>> -> memref<1x112xi32, #tpu.memory_space<vmem>>
    %dma_wait3A_205 = tpu.memref_squeeze %dma_wait3A_204 : memref<1x112xi32, #tpu.memory_space<vmem>> -> memref<112xi32, #tpu.memory_space<vmem>>
    %dma_wait3A_206 = arith.constant 0 : i32
    %dma_wait3A_207 = arith.constant 0 : i32
    %dma_wait3A_208 = tpu.memref_slice %arg2[%dma_wait3A_206, %dma_wait3A_207] : memref<4480x32xf32, #tpu.memory_space<hbm>> -> memref<4480x32xf32, #tpu.memory_space<hbm>>
    tpu.wait_indirect_dma semaphore(%arg7 : memref<!tpu.dma_semaphore, #tpu.memory_space<semaphore_mem>>) src(%dma_wait3A_208 : memref<4480x32xf32, #tpu.memory_space<hbm>>) dst(%dma_wait3A_202 : memref<112x32xf32, #tpu.memory_space<vmem>>)
    %dma_wait3A_209 = arith.constant 1 : i32
    %dma_wait3A_210 = arith.constant 112 : i32
    %dma_wait3A_211 = arith.constant 0 : i32
    %dma_wait3A_212 = tpu.memref_slice %arg6[%dma_wait3A_210, %dma_wait3A_211] : memref<2240x32xf32, #tpu.memory_space<vmem>> -> memref<112x32xf32, #tpu.memory_space<vmem>>
    %dma_wait3A_213 = arith.constant 0 : i32
    %dma_wait3A_214 = tpu.memref_slice %arg5[%dma_wait3A_209, %dma_wait3A_213] : memref<20x112xi32, #tpu.memory_space<vmem>> -> memref<1x112xi32, #tpu.memory_space<vmem>>
    %dma_wait3A_215 = tpu.memref_squeeze %dma_wait3A_214 : memref<1x112xi32, #tpu.memory_space<vmem>> -> memref<112xi32, #tpu.memory_space<vmem>>
    %dma_wait3A_216 = arith.constant 0 : i32
    %dma_wait3A_217 = arith.constant 0 : i32
    %dma_wait3A_218 = tpu.memref_slice %arg2[%dma_wait3A_216, %dma_wait3A_217] : memref<4480x32xf32, #tpu.memory_space<hbm>> -> memref<4480x32xf32, #tpu.memory_space<hbm>>
    tpu.wait_indirect_dma semaphore(%arg7 : memref<!tpu.dma_semaphore, #tpu.memory_space<semaphore_mem>>) src(%dma_wait3A_218 : memref<4480x32xf32, #tpu.memory_space<hbm>>) dst(%dma_wait3A_212 : memref<112x32xf32, #tpu.memory_space<vmem>>)
    %dma_wait3A_219 = arith.constant 2 : i32
    %dma_wait3A_220 = arith.constant 224 : i32
    %dma_wait3A_221 = arith.constant 0 : i32
    %dma_wait3A_222 = tpu.memref_slice %arg6[%dma_wait3A_220, %dma_wait3A_221] : memref<2240x32xf32, #tpu.memory_space<vmem>> -> memref<112x32xf32, #tpu.memory_space<vmem>>
    %dma_wait3A_223 = arith.constant 0 : i32
    %dma_wait3A_224 = tpu.memref_slice %arg5[%dma_wait3A_219, %dma_wait3A_223] : memref<20x112xi32, #tpu.memory_space<vmem>> -> memref<1x112xi32, #tpu.memory_space<vmem>>
    %dma_wait3A_225 = tpu.memref_squeeze %dma_wait3A_224 : memref<1x112xi32, #tpu.memory_space<vmem>> -> memref<112xi32, #tpu.memory_space<vmem>>
    %dma_wait3A_226 = arith.constant 0 : i32
    %dma_wait3A_227 = arith.constant 0 : i32
    %dma_wait3A_228 = tpu.memref_slice %arg2[%dma_wait3A_226, %dma_wait3A_227] : memref<4480x32xf32, #tpu.memory_space<hbm>> -> memref<4480x32xf32, #tpu.memory_space<hbm>>
    tpu.wait_indirect_dma semaphore(%arg7 : memref<!tpu.dma_semaphore, #tpu.memory_space<semaphore_mem>>) src(%dma_wait3A_228 : memref<4480x32xf32, #tpu.memory_space<hbm>>) dst(%dma_wait3A_222 : memref<112x32xf32, #tpu.memory_space<vmem>>)
    %dma_wait3A_229 = arith.constant 3 : i32
    %dma_wait3A_230 = arith.constant 336 : i32
    %dma_wait3A_231 = arith.constant 0 : i32
    %dma_wait3A_232 = tpu.memref_slice %arg6[%dma_wait3A_230, %dma_wait3A_231] : memref<2240x32xf32, #tpu.memory_space<vmem>> -> memref<112x32xf32, #tpu.memory_space<vmem>>
    %dma_wait3A_233 = arith.constant 0 : i32
    %dma_wait3A_234 = tpu.memref_slice %arg5[%dma_wait3A_229, %dma_wait3A_233] : memref<20x112xi32, #tpu.memory_space<vmem>> -> memref<1x112xi32, #tpu.memory_space<vmem>>
    %dma_wait3A_235 = tpu.memref_squeeze %dma_wait3A_234 : memref<1x112xi32, #tpu.memory_space<vmem>> -> memref<112xi32, #tpu.memory_space<vmem>>
    %dma_wait3A_236 = arith.constant 0 : i32
    %dma_wait3A_237 = arith.constant 0 : i32
    %dma_wait3A_238 = tpu.memref_slice %arg2[%dma_wait3A_236, %dma_wait3A_237] : memref<4480x32xf32, #tpu.memory_space<hbm>> -> memref<4480x32xf32, #tpu.memory_space<hbm>>
    tpu.wait_indirect_dma semaphore(%arg7 : memref<!tpu.dma_semaphore, #tpu.memory_space<semaphore_mem>>) src(%dma_wait3A_238 : memref<4480x32xf32, #tpu.memory_space<hbm>>) dst(%dma_wait3A_232 : memref<112x32xf32, #tpu.memory_space<vmem>>)
    %dma_wait3A_239 = arith.constant 4 : i32
    %dma_wait3A_240 = arith.constant 448 : i32
    %dma_wait3A_241 = arith.constant 0 : i32
    %dma_wait3A_242 = tpu.memref_slice %arg6[%dma_wait3A_240, %dma_wait3A_241] : memref<2240x32xf32, #tpu.memory_space<vmem>> -> memref<112x32xf32, #tpu.memory_space<vmem>>
    %dma_wait3A_243 = arith.constant 0 : i32
    %dma_wait3A_244 = tpu.memref_slice %arg5[%dma_wait3A_239, %dma_wait3A_243] : memref<20x112xi32, #tpu.memory_space<vmem>> -> memref<1x112xi32, #tpu.memory_space<vmem>>
    %dma_wait3A_245 = tpu.memref_squeeze %dma_wait3A_244 : memref<1x112xi32, #tpu.memory_space<vmem>> -> memref<112xi32, #tpu.memory_space<vmem>>
    %dma_wait3A_246 = arith.constant 0 : i32
    %dma_wait3A_247 = arith.constant 0 : i32
    %dma_wait3A_248 = tpu.memref_slice %arg2[%dma_wait3A_246, %dma_wait3A_247] : memref<4480x32xf32, #tpu.memory_space<hbm>> -> memref<4480x32xf32, #tpu.memory_space<hbm>>
    tpu.wait_indirect_dma semaphore(%arg7 : memref<!tpu.dma_semaphore, #tpu.memory_space<semaphore_mem>>) src(%dma_wait3A_248 : memref<4480x32xf32, #tpu.memory_space<hbm>>) dst(%dma_wait3A_242 : memref<112x32xf32, #tpu.memory_space<vmem>>)
    %dma_wait3A_249 = arith.constant 5 : i32
    %dma_wait3A_250 = arith.constant 560 : i32
    %dma_wait3A_251 = arith.constant 0 : i32
    %dma_wait3A_252 = tpu.memref_slice %arg6[%dma_wait3A_250, %dma_wait3A_251] : memref<2240x32xf32, #tpu.memory_space<vmem>> -> memref<112x32xf32, #tpu.memory_space<vmem>>
    %dma_wait3A_253 = arith.constant 0 : i32
    %dma_wait3A_254 = tpu.memref_slice %arg5[%dma_wait3A_249, %dma_wait3A_253] : memref<20x112xi32, #tpu.memory_space<vmem>> -> memref<1x112xi32, #tpu.memory_space<vmem>>
    %dma_wait3A_255 = tpu.memref_squeeze %dma_wait3A_254 : memref<1x112xi32, #tpu.memory_space<vmem>> -> memref<112xi32, #tpu.memory_space<vmem>>
    %dma_wait3A_256 = arith.constant 0 : i32
    %dma_wait3A_257 = arith.constant 0 : i32
    %dma_wait3A_258 = tpu.memref_slice %arg2[%dma_wait3A_256, %dma_wait3A_257] : memref<4480x32xf32, #tpu.memory_space<hbm>> -> memref<4480x32xf32, #tpu.memory_space<hbm>>
    tpu.wait_indirect_dma semaphore(%arg7 : memref<!tpu.dma_semaphore, #tpu.memory_space<semaphore_mem>>) src(%dma_wait3A_258 : memref<4480x32xf32, #tpu.memory_space<hbm>>) dst(%dma_wait3A_252 : memref<112x32xf32, #tpu.memory_space<vmem>>)
    %dma_wait3A_259 = arith.constant 6 : i32
    %dma_wait3A_260 = arith.constant 672 : i32
    %dma_wait3A_261 = arith.constant 0 : i32
    %dma_wait3A_262 = tpu.memref_slice %arg6[%dma_wait3A_260, %dma_wait3A_261] : memref<2240x32xf32, #tpu.memory_space<vmem>> -> memref<112x32xf32, #tpu.memory_space<vmem>>
    %dma_wait3A_263 = arith.constant 0 : i32
    %dma_wait3A_264 = tpu.memref_slice %arg5[%dma_wait3A_259, %dma_wait3A_263] : memref<20x112xi32, #tpu.memory_space<vmem>> -> memref<1x112xi32, #tpu.memory_space<vmem>>
    %dma_wait3A_265 = tpu.memref_squeeze %dma_wait3A_264 : memref<1x112xi32, #tpu.memory_space<vmem>> -> memref<112xi32, #tpu.memory_space<vmem>>
    %dma_wait3A_266 = arith.constant 0 : i32
    %dma_wait3A_267 = arith.constant 0 : i32
    %dma_wait3A_268 = tpu.memref_slice %arg2[%dma_wait3A_266, %dma_wait3A_267] : memref<4480x32xf32, #tpu.memory_space<hbm>> -> memref<4480x32xf32, #tpu.memory_space<hbm>>
    tpu.wait_indirect_dma semaphore(%arg7 : memref<!tpu.dma_semaphore, #tpu.memory_space<semaphore_mem>>) src(%dma_wait3A_268 : memref<4480x32xf32, #tpu.memory_space<hbm>>) dst(%dma_wait3A_262 : memref<112x32xf32, #tpu.memory_space<vmem>>)
    %dma_wait3A_269 = arith.constant 7 : i32
    %dma_wait3A_270 = arith.constant 784 : i32
    %dma_wait3A_271 = arith.constant 0 : i32
    %dma_wait3A_272 = tpu.memref_slice %arg6[%dma_wait3A_270, %dma_wait3A_271] : memref<2240x32xf32, #tpu.memory_space<vmem>> -> memref<112x32xf32, #tpu.memory_space<vmem>>
    %dma_wait3A_273 = arith.constant 0 : i32
    %dma_wait3A_274 = tpu.memref_slice %arg5[%dma_wait3A_269, %dma_wait3A_273] : memref<20x112xi32, #tpu.memory_space<vmem>> -> memref<1x112xi32, #tpu.memory_space<vmem>>
    %dma_wait3A_275 = tpu.memref_squeeze %dma_wait3A_274 : memref<1x112xi32, #tpu.memory_space<vmem>> -> memref<112xi32, #tpu.memory_space<vmem>>
    %dma_wait3A_276 = arith.constant 0 : i32
    %dma_wait3A_277 = arith.constant 0 : i32
    %dma_wait3A_278 = tpu.memref_slice %arg2[%dma_wait3A_276, %dma_wait3A_277] : memref<4480x32xf32, #tpu.memory_space<hbm>> -> memref<4480x32xf32, #tpu.memory_space<hbm>>
    tpu.wait_indirect_dma semaphore(%arg7 : memref<!tpu.dma_semaphore, #tpu.memory_space<semaphore_mem>>) src(%dma_wait3A_278 : memref<4480x32xf32, #tpu.memory_space<hbm>>) dst(%dma_wait3A_272 : memref<112x32xf32, #tpu.memory_space<vmem>>)
    %dma_wait3A_279 = arith.constant 8 : i32
    %dma_wait3A_280 = arith.constant 896 : i32
    %dma_wait3A_281 = arith.constant 0 : i32
    %dma_wait3A_282 = tpu.memref_slice %arg6[%dma_wait3A_280, %dma_wait3A_281] : memref<2240x32xf32, #tpu.memory_space<vmem>> -> memref<112x32xf32, #tpu.memory_space<vmem>>
    %dma_wait3A_283 = arith.constant 0 : i32
    %dma_wait3A_284 = tpu.memref_slice %arg5[%dma_wait3A_279, %dma_wait3A_283] : memref<20x112xi32, #tpu.memory_space<vmem>> -> memref<1x112xi32, #tpu.memory_space<vmem>>
    %dma_wait3A_285 = tpu.memref_squeeze %dma_wait3A_284 : memref<1x112xi32, #tpu.memory_space<vmem>> -> memref<112xi32, #tpu.memory_space<vmem>>
    %dma_wait3A_286 = arith.constant 0 : i32
    %dma_wait3A_287 = arith.constant 0 : i32
    %dma_wait3A_288 = tpu.memref_slice %arg2[%dma_wait3A_286, %dma_wait3A_287] : memref<4480x32xf32, #tpu.memory_space<hbm>> -> memref<4480x32xf32, #tpu.memory_space<hbm>>
    tpu.wait_indirect_dma semaphore(%arg7 : memref<!tpu.dma_semaphore, #tpu.memory_space<semaphore_mem>>) src(%dma_wait3A_288 : memref<4480x32xf32, #tpu.memory_space<hbm>>) dst(%dma_wait3A_282 : memref<112x32xf32, #tpu.memory_space<vmem>>)
    %dma_wait3A_289 = arith.constant 9 : i32
    %dma_wait3A_290 = arith.constant 1008 : i32
    %dma_wait3A_291 = arith.constant 0 : i32
    %dma_wait3A_292 = tpu.memref_slice %arg6[%dma_wait3A_290, %dma_wait3A_291] : memref<2240x32xf32, #tpu.memory_space<vmem>> -> memref<112x32xf32, #tpu.memory_space<vmem>>
    %dma_wait3A_293 = arith.constant 0 : i32
    %dma_wait3A_294 = tpu.memref_slice %arg5[%dma_wait3A_289, %dma_wait3A_293] : memref<20x112xi32, #tpu.memory_space<vmem>> -> memref<1x112xi32, #tpu.memory_space<vmem>>
    %dma_wait3A_295 = tpu.memref_squeeze %dma_wait3A_294 : memref<1x112xi32, #tpu.memory_space<vmem>> -> memref<112xi32, #tpu.memory_space<vmem>>
    %dma_wait3A_296 = arith.constant 0 : i32
    %dma_wait3A_297 = arith.constant 0 : i32
    %dma_wait3A_298 = tpu.memref_slice %arg2[%dma_wait3A_296, %dma_wait3A_297] : memref<4480x32xf32, #tpu.memory_space<hbm>> -> memref<4480x32xf32, #tpu.memory_space<hbm>>
    tpu.wait_indirect_dma semaphore(%arg7 : memref<!tpu.dma_semaphore, #tpu.memory_space<semaphore_mem>>) src(%dma_wait3A_298 : memref<4480x32xf32, #tpu.memory_space<hbm>>) dst(%dma_wait3A_292 : memref<112x32xf32, #tpu.memory_space<vmem>>)
    %dma_wait3A_299 = arith.constant 10 : i32
    %dma_wait3A_300 = arith.constant 1120 : i32
    %dma_wait3A_301 = arith.constant 0 : i32
    %dma_wait3A_302 = tpu.memref_slice %arg6[%dma_wait3A_300, %dma_wait3A_301] : memref<2240x32xf32, #tpu.memory_space<vmem>> -> memref<112x32xf32, #tpu.memory_space<vmem>>
    %dma_wait3A_303 = arith.constant 0 : i32
    %dma_wait3A_304 = tpu.memref_slice %arg5[%dma_wait3A_299, %dma_wait3A_303] : memref<20x112xi32, #tpu.memory_space<vmem>> -> memref<1x112xi32, #tpu.memory_space<vmem>>
    %dma_wait3A_305 = tpu.memref_squeeze %dma_wait3A_304 : memref<1x112xi32, #tpu.memory_space<vmem>> -> memref<112xi32, #tpu.memory_space<vmem>>
    %dma_wait3A_306 = arith.constant 0 : i32
    %dma_wait3A_307 = arith.constant 0 : i32
    %dma_wait3A_308 = tpu.memref_slice %arg2[%dma_wait3A_306, %dma_wait3A_307] : memref<4480x32xf32, #tpu.memory_space<hbm>> -> memref<4480x32xf32, #tpu.memory_space<hbm>>
    tpu.wait_indirect_dma semaphore(%arg7 : memref<!tpu.dma_semaphore, #tpu.memory_space<semaphore_mem>>) src(%dma_wait3A_308 : memref<4480x32xf32, #tpu.memory_space<hbm>>) dst(%dma_wait3A_302 : memref<112x32xf32, #tpu.memory_space<vmem>>)
    %dma_wait3A_309 = arith.constant 11 : i32
    %dma_wait3A_310 = arith.constant 1232 : i32
    %dma_wait3A_311 = arith.constant 0 : i32
    %dma_wait3A_312 = tpu.memref_slice %arg6[%dma_wait3A_310, %dma_wait3A_311] : memref<2240x32xf32, #tpu.memory_space<vmem>> -> memref<112x32xf32, #tpu.memory_space<vmem>>
    %dma_wait3A_313 = arith.constant 0 : i32
    %dma_wait3A_314 = tpu.memref_slice %arg5[%dma_wait3A_309, %dma_wait3A_313] : memref<20x112xi32, #tpu.memory_space<vmem>> -> memref<1x112xi32, #tpu.memory_space<vmem>>
    %dma_wait3A_315 = tpu.memref_squeeze %dma_wait3A_314 : memref<1x112xi32, #tpu.memory_space<vmem>> -> memref<112xi32, #tpu.memory_space<vmem>>
    %dma_wait3A_316 = arith.constant 0 : i32
    %dma_wait3A_317 = arith.constant 0 : i32
    %dma_wait3A_318 = tpu.memref_slice %arg2[%dma_wait3A_316, %dma_wait3A_317] : memref<4480x32xf32, #tpu.memory_space<hbm>> -> memref<4480x32xf32, #tpu.memory_space<hbm>>
    tpu.wait_indirect_dma semaphore(%arg7 : memref<!tpu.dma_semaphore, #tpu.memory_space<semaphore_mem>>) src(%dma_wait3A_318 : memref<4480x32xf32, #tpu.memory_space<hbm>>) dst(%dma_wait3A_312 : memref<112x32xf32, #tpu.memory_space<vmem>>)
    %dma_wait3A_319 = arith.constant 12 : i32
    %dma_wait3A_320 = arith.constant 1344 : i32
    %dma_wait3A_321 = arith.constant 0 : i32
    %dma_wait3A_322 = tpu.memref_slice %arg6[%dma_wait3A_320, %dma_wait3A_321] : memref<2240x32xf32, #tpu.memory_space<vmem>> -> memref<112x32xf32, #tpu.memory_space<vmem>>
    %dma_wait3A_323 = arith.constant 0 : i32
    %dma_wait3A_324 = tpu.memref_slice %arg5[%dma_wait3A_319, %dma_wait3A_323] : memref<20x112xi32, #tpu.memory_space<vmem>> -> memref<1x112xi32, #tpu.memory_space<vmem>>
    %dma_wait3A_325 = tpu.memref_squeeze %dma_wait3A_324 : memref<1x112xi32, #tpu.memory_space<vmem>> -> memref<112xi32, #tpu.memory_space<vmem>>
    %dma_wait3A_326 = arith.constant 0 : i32
    %dma_wait3A_327 = arith.constant 0 : i32
    %dma_wait3A_328 = tpu.memref_slice %arg2[%dma_wait3A_326, %dma_wait3A_327] : memref<4480x32xf32, #tpu.memory_space<hbm>> -> memref<4480x32xf32, #tpu.memory_space<hbm>>
    tpu.wait_indirect_dma semaphore(%arg7 : memref<!tpu.dma_semaphore, #tpu.memory_space<semaphore_mem>>) src(%dma_wait3A_328 : memref<4480x32xf32, #tpu.memory_space<hbm>>) dst(%dma_wait3A_322 : memref<112x32xf32, #tpu.memory_space<vmem>>)
    %dma_wait3A_329 = arith.constant 13 : i32
    %dma_wait3A_330 = arith.constant 1456 : i32
    %dma_wait3A_331 = arith.constant 0 : i32
    %dma_wait3A_332 = tpu.memref_slice %arg6[%dma_wait3A_330, %dma_wait3A_331] : memref<2240x32xf32, #tpu.memory_space<vmem>> -> memref<112x32xf32, #tpu.memory_space<vmem>>
    %dma_wait3A_333 = arith.constant 0 : i32
    %dma_wait3A_334 = tpu.memref_slice %arg5[%dma_wait3A_329, %dma_wait3A_333] : memref<20x112xi32, #tpu.memory_space<vmem>> -> memref<1x112xi32, #tpu.memory_space<vmem>>
    %dma_wait3A_335 = tpu.memref_squeeze %dma_wait3A_334 : memref<1x112xi32, #tpu.memory_space<vmem>> -> memref<112xi32, #tpu.memory_space<vmem>>
    %dma_wait3A_336 = arith.constant 0 : i32
    %dma_wait3A_337 = arith.constant 0 : i32
    %dma_wait3A_338 = tpu.memref_slice %arg2[%dma_wait3A_336, %dma_wait3A_337] : memref<4480x32xf32, #tpu.memory_space<hbm>> -> memref<4480x32xf32, #tpu.memory_space<hbm>>
    tpu.wait_indirect_dma semaphore(%arg7 : memref<!tpu.dma_semaphore, #tpu.memory_space<semaphore_mem>>) src(%dma_wait3A_338 : memref<4480x32xf32, #tpu.memory_space<hbm>>) dst(%dma_wait3A_332 : memref<112x32xf32, #tpu.memory_space<vmem>>)
    %dma_wait3A_339 = arith.constant 14 : i32
    %dma_wait3A_340 = arith.constant 1568 : i32
    %dma_wait3A_341 = arith.constant 0 : i32
    %dma_wait3A_342 = tpu.memref_slice %arg6[%dma_wait3A_340, %dma_wait3A_341] : memref<2240x32xf32, #tpu.memory_space<vmem>> -> memref<112x32xf32, #tpu.memory_space<vmem>>
    %dma_wait3A_343 = arith.constant 0 : i32
    %dma_wait3A_344 = tpu.memref_slice %arg5[%dma_wait3A_339, %dma_wait3A_343] : memref<20x112xi32, #tpu.memory_space<vmem>> -> memref<1x112xi32, #tpu.memory_space<vmem>>
    %dma_wait3A_345 = tpu.memref_squeeze %dma_wait3A_344 : memref<1x112xi32, #tpu.memory_space<vmem>> -> memref<112xi32, #tpu.memory_space<vmem>>
    %dma_wait3A_346 = arith.constant 0 : i32
    %dma_wait3A_347 = arith.constant 0 : i32
    %dma_wait3A_348 = tpu.memref_slice %arg2[%dma_wait3A_346, %dma_wait3A_347] : memref<4480x32xf32, #tpu.memory_space<hbm>> -> memref<4480x32xf32, #tpu.memory_space<hbm>>
    tpu.wait_indirect_dma semaphore(%arg7 : memref<!tpu.dma_semaphore, #tpu.memory_space<semaphore_mem>>) src(%dma_wait3A_348 : memref<4480x32xf32, #tpu.memory_space<hbm>>) dst(%dma_wait3A_342 : memref<112x32xf32, #tpu.memory_space<vmem>>)
    %dma_wait3A_349 = arith.constant 15 : i32
    %dma_wait3A_350 = arith.constant 1680 : i32
    %dma_wait3A_351 = arith.constant 0 : i32
    %dma_wait3A_352 = tpu.memref_slice %arg6[%dma_wait3A_350, %dma_wait3A_351] : memref<2240x32xf32, #tpu.memory_space<vmem>> -> memref<112x32xf32, #tpu.memory_space<vmem>>
    %dma_wait3A_353 = arith.constant 0 : i32
    %dma_wait3A_354 = tpu.memref_slice %arg5[%dma_wait3A_349, %dma_wait3A_353] : memref<20x112xi32, #tpu.memory_space<vmem>> -> memref<1x112xi32, #tpu.memory_space<vmem>>
    %dma_wait3A_355 = tpu.memref_squeeze %dma_wait3A_354 : memref<1x112xi32, #tpu.memory_space<vmem>> -> memref<112xi32, #tpu.memory_space<vmem>>
    %dma_wait3A_356 = arith.constant 0 : i32
    %dma_wait3A_357 = arith.constant 0 : i32
    %dma_wait3A_358 = tpu.memref_slice %arg2[%dma_wait3A_356, %dma_wait3A_357] : memref<4480x32xf32, #tpu.memory_space<hbm>> -> memref<4480x32xf32, #tpu.memory_space<hbm>>
    tpu.wait_indirect_dma semaphore(%arg7 : memref<!tpu.dma_semaphore, #tpu.memory_space<semaphore_mem>>) src(%dma_wait3A_358 : memref<4480x32xf32, #tpu.memory_space<hbm>>) dst(%dma_wait3A_352 : memref<112x32xf32, #tpu.memory_space<vmem>>)
    %dma_wait3A_359 = arith.constant 16 : i32
    %dma_wait3A_360 = arith.constant 1792 : i32
    %dma_wait3A_361 = arith.constant 0 : i32
    %dma_wait3A_362 = tpu.memref_slice %arg6[%dma_wait3A_360, %dma_wait3A_361] : memref<2240x32xf32, #tpu.memory_space<vmem>> -> memref<112x32xf32, #tpu.memory_space<vmem>>
    %dma_wait3A_363 = arith.constant 0 : i32
    %dma_wait3A_364 = tpu.memref_slice %arg5[%dma_wait3A_359, %dma_wait3A_363] : memref<20x112xi32, #tpu.memory_space<vmem>> -> memref<1x112xi32, #tpu.memory_space<vmem>>
    %dma_wait3A_365 = tpu.memref_squeeze %dma_wait3A_364 : memref<1x112xi32, #tpu.memory_space<vmem>> -> memref<112xi32, #tpu.memory_space<vmem>>
    %dma_wait3A_366 = arith.constant 0 : i32
    %dma_wait3A_367 = arith.constant 0 : i32
    %dma_wait3A_368 = tpu.memref_slice %arg2[%dma_wait3A_366, %dma_wait3A_367] : memref<4480x32xf32, #tpu.memory_space<hbm>> -> memref<4480x32xf32, #tpu.memory_space<hbm>>
    tpu.wait_indirect_dma semaphore(%arg7 : memref<!tpu.dma_semaphore, #tpu.memory_space<semaphore_mem>>) src(%dma_wait3A_368 : memref<4480x32xf32, #tpu.memory_space<hbm>>) dst(%dma_wait3A_362 : memref<112x32xf32, #tpu.memory_space<vmem>>)
    %dma_wait3A_369 = arith.constant 17 : i32
    %dma_wait3A_370 = arith.constant 1904 : i32
    %dma_wait3A_371 = arith.constant 0 : i32
    %dma_wait3A_372 = tpu.memref_slice %arg6[%dma_wait3A_370, %dma_wait3A_371] : memref<2240x32xf32, #tpu.memory_space<vmem>> -> memref<112x32xf32, #tpu.memory_space<vmem>>
    %dma_wait3A_373 = arith.constant 0 : i32
    %dma_wait3A_374 = tpu.memref_slice %arg5[%dma_wait3A_369, %dma_wait3A_373] : memref<20x112xi32, #tpu.memory_space<vmem>> -> memref<1x112xi32, #tpu.memory_space<vmem>>
    %dma_wait3A_375 = tpu.memref_squeeze %dma_wait3A_374 : memref<1x112xi32, #tpu.memory_space<vmem>> -> memref<112xi32, #tpu.memory_space<vmem>>
    %dma_wait3A_376 = arith.constant 0 : i32
    %dma_wait3A_377 = arith.constant 0 : i32
    %dma_wait3A_378 = tpu.memref_slice %arg2[%dma_wait3A_376, %dma_wait3A_377] : memref<4480x32xf32, #tpu.memory_space<hbm>> -> memref<4480x32xf32, #tpu.memory_space<hbm>>
    tpu.wait_indirect_dma semaphore(%arg7 : memref<!tpu.dma_semaphore, #tpu.memory_space<semaphore_mem>>) src(%dma_wait3A_378 : memref<4480x32xf32, #tpu.memory_space<hbm>>) dst(%dma_wait3A_372 : memref<112x32xf32, #tpu.memory_space<vmem>>)
    %dma_wait3A_379 = arith.constant 18 : i32
    %dma_wait3A_380 = arith.constant 2016 : i32
    %dma_wait3A_381 = arith.constant 0 : i32
    %dma_wait3A_382 = tpu.memref_slice %arg6[%dma_wait3A_380, %dma_wait3A_381] : memref<2240x32xf32, #tpu.memory_space<vmem>> -> memref<112x32xf32, #tpu.memory_space<vmem>>
    %dma_wait3A_383 = arith.constant 0 : i32
    %dma_wait3A_384 = tpu.memref_slice %arg5[%dma_wait3A_379, %dma_wait3A_383] : memref<20x112xi32, #tpu.memory_space<vmem>> -> memref<1x112xi32, #tpu.memory_space<vmem>>
    %dma_wait3A_385 = tpu.memref_squeeze %dma_wait3A_384 : memref<1x112xi32, #tpu.memory_space<vmem>> -> memref<112xi32, #tpu.memory_space<vmem>>
    %dma_wait3A_386 = arith.constant 0 : i32
    %dma_wait3A_387 = arith.constant 0 : i32
    %dma_wait3A_388 = tpu.memref_slice %arg2[%dma_wait3A_386, %dma_wait3A_387] : memref<4480x32xf32, #tpu.memory_space<hbm>> -> memref<4480x32xf32, #tpu.memory_space<hbm>>
    tpu.wait_indirect_dma semaphore(%arg7 : memref<!tpu.dma_semaphore, #tpu.memory_space<semaphore_mem>>) src(%dma_wait3A_388 : memref<4480x32xf32, #tpu.memory_space<hbm>>) dst(%dma_wait3A_382 : memref<112x32xf32, #tpu.memory_space<vmem>>)
    %dma_wait3A_389 = arith.constant 19 : i32
    %dma_wait3A_390 = arith.constant 2128 : i32
    %dma_wait3A_391 = arith.constant 0 : i32
    %dma_wait3A_392 = tpu.memref_slice %arg6[%dma_wait3A_390, %dma_wait3A_391] : memref<2240x32xf32, #tpu.memory_space<vmem>> -> memref<112x32xf32, #tpu.memory_space<vmem>>
    %dma_wait3A_393 = arith.constant 0 : i32
    %dma_wait3A_394 = tpu.memref_slice %arg5[%dma_wait3A_389, %dma_wait3A_393] : memref<20x112xi32, #tpu.memory_space<vmem>> -> memref<1x112xi32, #tpu.memory_space<vmem>>
    %dma_wait3A_395 = tpu.memref_squeeze %dma_wait3A_394 : memref<1x112xi32, #tpu.memory_space<vmem>> -> memref<112xi32, #tpu.memory_space<vmem>>
    %dma_wait3A_396 = arith.constant 0 : i32
    %dma_wait3A_397 = arith.constant 0 : i32
    %dma_wait3A_398 = tpu.memref_slice %arg2[%dma_wait3A_396, %dma_wait3A_397] : memref<4480x32xf32, #tpu.memory_space<hbm>> -> memref<4480x32xf32, #tpu.memory_space<hbm>>
    tpu.wait_indirect_dma semaphore(%arg7 : memref<!tpu.dma_semaphore, #tpu.memory_space<semaphore_mem>>) src(%dma_wait3A_398 : memref<4480x32xf32, #tpu.memory_space<hbm>>) dst(%dma_wait3A_392 : memref<112x32xf32, #tpu.memory_space<vmem>>)
    %mul3A_399 = arith.constant 2240 : i32
    %mul3A_400 = arith.muli %add3A, %mul3A_399 : i32
    "tpu.region"() ({
      %run_scoped3A = tpu.sem_alloc : memref<!tpu.dma_semaphore, #tpu.memory_space<semaphore_mem>>
      %dma_start3A_401 = arith.constant 0 : i32
      %dma_start3A_402 = tpu.memref_slice %arg4[%mul3A_400, %dma_start3A_401] : memref<71680x32xf32, #tpu.memory_space<hbm>> -> memref<2240x32xf32, #tpu.memory_space<hbm>>
      %dma_start3A_403 = arith.constant 0 : i32
      %dma_start3A_404 = tpu.memref_slice %arg4[%mul3A_400, %dma_start3A_403] : memref<71680x32xf32, #tpu.memory_space<hbm>> -> memref<2240x32xf32, #tpu.memory_space<hbm>>
      tpu.enqueue_dma source(%arg6 : memref<2240x32xf32, #tpu.memory_space<vmem>>) target(%dma_start3A_404 : memref<2240x32xf32, #tpu.memory_space<hbm>>) target_semaphore(%run_scoped3A : memref<!tpu.dma_semaphore, #tpu.memory_space<semaphore_mem>>)
      %dma_wait3A_405 = arith.constant 0 : i32
      %dma_wait3A_406 = tpu.memref_slice %arg4[%mul3A_400, %dma_wait3A_405] : memref<71680x32xf32, #tpu.memory_space<hbm>> -> memref<2240x32xf32, #tpu.memory_space<hbm>>
      %dma_wait3A_407 = arith.constant 0 : i32
      %dma_wait3A_408 = tpu.memref_slice %arg4[%mul3A_400, %dma_wait3A_407] : memref<71680x32xf32, #tpu.memory_space<hbm>> -> memref<2240x32xf32, #tpu.memory_space<hbm>>
      tpu.wait_dma2 semaphore(%run_scoped3A : memref<!tpu.dma_semaphore, #tpu.memory_space<semaphore_mem>>) src(%arg6 : memref<2240x32xf32, #tpu.memory_space<vmem>>) dst(%dma_wait3A_408 : memref<2240x32xf32, #tpu.memory_space<hbm>>)
      tpu.yield
    }) : () -> ()
    return
  }
}

module attributes {stable_mosaic.version = 14 : i64} {
  func.func @_dense_body(%arg0: i32, %arg1: memref<512x64xf32, #tpu.memory_space<vmem>>, %arg2: memref<512x128xf32, #tpu.memory_space<vmem>>, %arg3: memref<32x544xf32, #tpu.memory_space<vmem>>, %arg4: memref<512x128xf32, #tpu.memory_space<vmem>>) attributes {dimension_semantics = [#tpu.dimension_semantics<arbitrary>], iteration_bounds = array<i64: 35>, scalar_prefetch = 0 : i64, scratch_operands = 0 : i64, tpu.core_type = #tpu.core_type<tc>, window_params = [{transform_indices = @transform_0, window_bounds = array<i64: 512, 64>}, {transform_indices = @transform_1, window_bounds = array<i64: 512, 128>}, {pipeline_mode = #tpu.pipeline_mode<synchronous>, transform_indices = @transform_2, window_bounds = array<i64: 32, 544>}, {transform_indices = @transform_3, window_bounds = array<i64: 512, 128>}]} {
    %get3A = arith.constant 0 : index
    %get3A_0 = arith.constant 0 : index
    %get3A_1 = vector.load %arg2[%get3A, %get3A_0] : memref<512x128xf32, #tpu.memory_space<vmem>>, vector<512x128xf32>
    %transpose3A = tpu.transpose %get3A_1, [1, 0] : vector<512x128xf32> -> vector<128x512xf32>
    %get3A_2 = arith.constant 0 : index
    %get3A_3 = arith.constant 0 : index
    %get3A_4 = vector.load %arg1[%get3A_2, %get3A_3] : memref<512x64xf32, #tpu.memory_space<vmem>>, vector<512x64xf32>
    %transpose3A_5 = tpu.transpose %get3A_4, [1, 0] : vector<512x64xf32> -> vector<64x512xf32>
    %get3A_6 = arith.constant 0 : index
    %get3A_7 = arith.constant 0 : index
    %get3A_8 = vector.load %arg3[%get3A_6, %get3A_7] : memref<32x544xf32, #tpu.memory_space<vmem>>, vector<32x544xf32>
    %slice3A = vector.extract_strided_slice %transpose3A {offsets = [0, 0], sizes = [32, 512], strides = [1, 1]} : vector<128x512xf32> to vector<32x512xf32>
    %slice3A_9 = vector.extract_strided_slice %transpose3A_5 {offsets = [0, 0], sizes = [16, 512], strides = [1, 1]} : vector<64x512xf32> to vector<16x512xf32>
    %slice3A_10 = vector.extract_strided_slice %slice3A_9 {offsets = [0, 0], sizes = [1, 512], strides = [1, 1]} : vector<16x512xf32> to vector<1x512xf32>
    %mul3A = vector.broadcast %slice3A_10 : vector<1x512xf32> to vector<32x512xf32>
    %mul3A_11 = arith.mulf %mul3A, %slice3A : vector<32x512xf32>
    %slice3A_12 = vector.extract_strided_slice %slice3A_9 {offsets = [1, 0], sizes = [1, 512], strides = [1, 1]} : vector<16x512xf32> to vector<1x512xf32>
    %mul3A_13 = vector.broadcast %slice3A_12 : vector<1x512xf32> to vector<32x512xf32>
    %mul3A_14 = arith.mulf %mul3A_13, %slice3A : vector<32x512xf32>
    %slice3A_15 = vector.extract_strided_slice %slice3A_9 {offsets = [2, 0], sizes = [1, 512], strides = [1, 1]} : vector<16x512xf32> to vector<1x512xf32>
    %mul3A_16 = vector.broadcast %slice3A_15 : vector<1x512xf32> to vector<32x512xf32>
    %mul3A_17 = arith.mulf %mul3A_16, %slice3A : vector<32x512xf32>
    %slice3A_18 = vector.extract_strided_slice %slice3A_9 {offsets = [3, 0], sizes = [1, 512], strides = [1, 1]} : vector<16x512xf32> to vector<1x512xf32>
    %mul3A_19 = vector.broadcast %slice3A_18 : vector<1x512xf32> to vector<32x512xf32>
    %mul3A_20 = arith.mulf %mul3A_19, %slice3A : vector<32x512xf32>
    %slice3A_21 = vector.extract_strided_slice %slice3A_9 {offsets = [4, 0], sizes = [1, 512], strides = [1, 1]} : vector<16x512xf32> to vector<1x512xf32>
    %mul3A_22 = vector.broadcast %slice3A_21 : vector<1x512xf32> to vector<32x512xf32>
    %mul3A_23 = arith.mulf %mul3A_22, %slice3A : vector<32x512xf32>
    %slice3A_24 = vector.extract_strided_slice %slice3A_9 {offsets = [5, 0], sizes = [1, 512], strides = [1, 1]} : vector<16x512xf32> to vector<1x512xf32>
    %mul3A_25 = vector.broadcast %slice3A_24 : vector<1x512xf32> to vector<32x512xf32>
    %mul3A_26 = arith.mulf %mul3A_25, %slice3A : vector<32x512xf32>
    %slice3A_27 = vector.extract_strided_slice %slice3A_9 {offsets = [6, 0], sizes = [1, 512], strides = [1, 1]} : vector<16x512xf32> to vector<1x512xf32>
    %mul3A_28 = vector.broadcast %slice3A_27 : vector<1x512xf32> to vector<32x512xf32>
    %mul3A_29 = arith.mulf %mul3A_28, %slice3A : vector<32x512xf32>
    %slice3A_30 = vector.extract_strided_slice %slice3A_9 {offsets = [7, 0], sizes = [1, 512], strides = [1, 1]} : vector<16x512xf32> to vector<1x512xf32>
    %mul3A_31 = vector.broadcast %slice3A_30 : vector<1x512xf32> to vector<32x512xf32>
    %mul3A_32 = arith.mulf %mul3A_31, %slice3A : vector<32x512xf32>
    %slice3A_33 = vector.extract_strided_slice %slice3A_9 {offsets = [8, 0], sizes = [1, 512], strides = [1, 1]} : vector<16x512xf32> to vector<1x512xf32>
    %mul3A_34 = vector.broadcast %slice3A_33 : vector<1x512xf32> to vector<32x512xf32>
    %mul3A_35 = arith.mulf %mul3A_34, %slice3A : vector<32x512xf32>
    %slice3A_36 = vector.extract_strided_slice %slice3A_9 {offsets = [9, 0], sizes = [1, 512], strides = [1, 1]} : vector<16x512xf32> to vector<1x512xf32>
    %mul3A_37 = vector.broadcast %slice3A_36 : vector<1x512xf32> to vector<32x512xf32>
    %mul3A_38 = arith.mulf %mul3A_37, %slice3A : vector<32x512xf32>
    %slice3A_39 = vector.extract_strided_slice %slice3A_9 {offsets = [10, 0], sizes = [1, 512], strides = [1, 1]} : vector<16x512xf32> to vector<1x512xf32>
    %mul3A_40 = vector.broadcast %slice3A_39 : vector<1x512xf32> to vector<32x512xf32>
    %mul3A_41 = arith.mulf %mul3A_40, %slice3A : vector<32x512xf32>
    %slice3A_42 = vector.extract_strided_slice %slice3A_9 {offsets = [11, 0], sizes = [1, 512], strides = [1, 1]} : vector<16x512xf32> to vector<1x512xf32>
    %mul3A_43 = vector.broadcast %slice3A_42 : vector<1x512xf32> to vector<32x512xf32>
    %mul3A_44 = arith.mulf %mul3A_43, %slice3A : vector<32x512xf32>
    %slice3A_45 = vector.extract_strided_slice %slice3A_9 {offsets = [12, 0], sizes = [1, 512], strides = [1, 1]} : vector<16x512xf32> to vector<1x512xf32>
    %mul3A_46 = vector.broadcast %slice3A_45 : vector<1x512xf32> to vector<32x512xf32>
    %mul3A_47 = arith.mulf %mul3A_46, %slice3A : vector<32x512xf32>
    %slice3A_48 = vector.extract_strided_slice %slice3A_9 {offsets = [13, 0], sizes = [1, 512], strides = [1, 1]} : vector<16x512xf32> to vector<1x512xf32>
    %mul3A_49 = vector.broadcast %slice3A_48 : vector<1x512xf32> to vector<32x512xf32>
    %mul3A_50 = arith.mulf %mul3A_49, %slice3A : vector<32x512xf32>
    %slice3A_51 = vector.extract_strided_slice %slice3A_9 {offsets = [14, 0], sizes = [1, 512], strides = [1, 1]} : vector<16x512xf32> to vector<1x512xf32>
    %mul3A_52 = vector.broadcast %slice3A_51 : vector<1x512xf32> to vector<32x512xf32>
    %mul3A_53 = arith.mulf %mul3A_52, %slice3A : vector<32x512xf32>
    %slice3A_54 = vector.extract_strided_slice %slice3A_9 {offsets = [15, 0], sizes = [1, 512], strides = [1, 1]} : vector<16x512xf32> to vector<1x512xf32>
    %mul3A_55 = vector.broadcast %slice3A_54 : vector<1x512xf32> to vector<32x512xf32>
    %mul3A_56 = arith.mulf %mul3A_55, %slice3A : vector<32x512xf32>
    %concatenate3A = tpu.concatenate %mul3A_11, %mul3A_14, %mul3A_17, %mul3A_20, %mul3A_23, %mul3A_26, %mul3A_29, %mul3A_32, %mul3A_35, %mul3A_38, %mul3A_41, %mul3A_44, %mul3A_47, %mul3A_50, %mul3A_53, %mul3A_56, %slice3A in 0 : vector<32x512xf32>, vector<32x512xf32>, vector<32x512xf32>, vector<32x512xf32>, vector<32x512xf32>, vector<32x512xf32>, vector<32x512xf32>, vector<32x512xf32>, vector<32x512xf32>, vector<32x512xf32>, vector<32x512xf32>, vector<32x512xf32>, vector<32x512xf32>, vector<32x512xf32>, vector<32x512xf32>, vector<32x512xf32>, vector<32x512xf32> -> vector<544x512xf32>
    %dot_general3A = arith.constant dense<0.000000e+00> : vector<32x512xf32>
    %dot_general3A_57 = tpu.matmul %get3A_8, %concatenate3A, %dot_general3A {dimension_numbers = #tpu.dot_dimension_numbers<[1], [0], [0], [1], [0, 0, 1, 1], [], []>, transpose_lhs_hint = false} : vector<32x544xf32>, vector<544x512xf32>, vector<32x512xf32> -> vector<32x512xf32>
    %slice3A_58 = vector.extract_strided_slice %transpose3A {offsets = [32, 0], sizes = [32, 512], strides = [1, 1]} : vector<128x512xf32> to vector<32x512xf32>
    %slice3A_59 = vector.extract_strided_slice %transpose3A_5 {offsets = [16, 0], sizes = [16, 512], strides = [1, 1]} : vector<64x512xf32> to vector<16x512xf32>
    %slice3A_60 = vector.extract_strided_slice %slice3A_59 {offsets = [0, 0], sizes = [1, 512], strides = [1, 1]} : vector<16x512xf32> to vector<1x512xf32>
    %mul3A_61 = vector.broadcast %slice3A_60 : vector<1x512xf32> to vector<32x512xf32>
    %mul3A_62 = arith.mulf %mul3A_61, %slice3A_58 : vector<32x512xf32>
    %slice3A_63 = vector.extract_strided_slice %slice3A_59 {offsets = [1, 0], sizes = [1, 512], strides = [1, 1]} : vector<16x512xf32> to vector<1x512xf32>
    %mul3A_64 = vector.broadcast %slice3A_63 : vector<1x512xf32> to vector<32x512xf32>
    %mul3A_65 = arith.mulf %mul3A_64, %slice3A_58 : vector<32x512xf32>
    %slice3A_66 = vector.extract_strided_slice %slice3A_59 {offsets = [2, 0], sizes = [1, 512], strides = [1, 1]} : vector<16x512xf32> to vector<1x512xf32>
    %mul3A_67 = vector.broadcast %slice3A_66 : vector<1x512xf32> to vector<32x512xf32>
    %mul3A_68 = arith.mulf %mul3A_67, %slice3A_58 : vector<32x512xf32>
    %slice3A_69 = vector.extract_strided_slice %slice3A_59 {offsets = [3, 0], sizes = [1, 512], strides = [1, 1]} : vector<16x512xf32> to vector<1x512xf32>
    %mul3A_70 = vector.broadcast %slice3A_69 : vector<1x512xf32> to vector<32x512xf32>
    %mul3A_71 = arith.mulf %mul3A_70, %slice3A_58 : vector<32x512xf32>
    %slice3A_72 = vector.extract_strided_slice %slice3A_59 {offsets = [4, 0], sizes = [1, 512], strides = [1, 1]} : vector<16x512xf32> to vector<1x512xf32>
    %mul3A_73 = vector.broadcast %slice3A_72 : vector<1x512xf32> to vector<32x512xf32>
    %mul3A_74 = arith.mulf %mul3A_73, %slice3A_58 : vector<32x512xf32>
    %slice3A_75 = vector.extract_strided_slice %slice3A_59 {offsets = [5, 0], sizes = [1, 512], strides = [1, 1]} : vector<16x512xf32> to vector<1x512xf32>
    %mul3A_76 = vector.broadcast %slice3A_75 : vector<1x512xf32> to vector<32x512xf32>
    %mul3A_77 = arith.mulf %mul3A_76, %slice3A_58 : vector<32x512xf32>
    %slice3A_78 = vector.extract_strided_slice %slice3A_59 {offsets = [6, 0], sizes = [1, 512], strides = [1, 1]} : vector<16x512xf32> to vector<1x512xf32>
    %mul3A_79 = vector.broadcast %slice3A_78 : vector<1x512xf32> to vector<32x512xf32>
    %mul3A_80 = arith.mulf %mul3A_79, %slice3A_58 : vector<32x512xf32>
    %slice3A_81 = vector.extract_strided_slice %slice3A_59 {offsets = [7, 0], sizes = [1, 512], strides = [1, 1]} : vector<16x512xf32> to vector<1x512xf32>
    %mul3A_82 = vector.broadcast %slice3A_81 : vector<1x512xf32> to vector<32x512xf32>
    %mul3A_83 = arith.mulf %mul3A_82, %slice3A_58 : vector<32x512xf32>
    %slice3A_84 = vector.extract_strided_slice %slice3A_59 {offsets = [8, 0], sizes = [1, 512], strides = [1, 1]} : vector<16x512xf32> to vector<1x512xf32>
    %mul3A_85 = vector.broadcast %slice3A_84 : vector<1x512xf32> to vector<32x512xf32>
    %mul3A_86 = arith.mulf %mul3A_85, %slice3A_58 : vector<32x512xf32>
    %slice3A_87 = vector.extract_strided_slice %slice3A_59 {offsets = [9, 0], sizes = [1, 512], strides = [1, 1]} : vector<16x512xf32> to vector<1x512xf32>
    %mul3A_88 = vector.broadcast %slice3A_87 : vector<1x512xf32> to vector<32x512xf32>
    %mul3A_89 = arith.mulf %mul3A_88, %slice3A_58 : vector<32x512xf32>
    %slice3A_90 = vector.extract_strided_slice %slice3A_59 {offsets = [10, 0], sizes = [1, 512], strides = [1, 1]} : vector<16x512xf32> to vector<1x512xf32>
    %mul3A_91 = vector.broadcast %slice3A_90 : vector<1x512xf32> to vector<32x512xf32>
    %mul3A_92 = arith.mulf %mul3A_91, %slice3A_58 : vector<32x512xf32>
    %slice3A_93 = vector.extract_strided_slice %slice3A_59 {offsets = [11, 0], sizes = [1, 512], strides = [1, 1]} : vector<16x512xf32> to vector<1x512xf32>
    %mul3A_94 = vector.broadcast %slice3A_93 : vector<1x512xf32> to vector<32x512xf32>
    %mul3A_95 = arith.mulf %mul3A_94, %slice3A_58 : vector<32x512xf32>
    %slice3A_96 = vector.extract_strided_slice %slice3A_59 {offsets = [12, 0], sizes = [1, 512], strides = [1, 1]} : vector<16x512xf32> to vector<1x512xf32>
    %mul3A_97 = vector.broadcast %slice3A_96 : vector<1x512xf32> to vector<32x512xf32>
    %mul3A_98 = arith.mulf %mul3A_97, %slice3A_58 : vector<32x512xf32>
    %slice3A_99 = vector.extract_strided_slice %slice3A_59 {offsets = [13, 0], sizes = [1, 512], strides = [1, 1]} : vector<16x512xf32> to vector<1x512xf32>
    %mul3A_100 = vector.broadcast %slice3A_99 : vector<1x512xf32> to vector<32x512xf32>
    %mul3A_101 = arith.mulf %mul3A_100, %slice3A_58 : vector<32x512xf32>
    %slice3A_102 = vector.extract_strided_slice %slice3A_59 {offsets = [14, 0], sizes = [1, 512], strides = [1, 1]} : vector<16x512xf32> to vector<1x512xf32>
    %mul3A_103 = vector.broadcast %slice3A_102 : vector<1x512xf32> to vector<32x512xf32>
    %mul3A_104 = arith.mulf %mul3A_103, %slice3A_58 : vector<32x512xf32>
    %slice3A_105 = vector.extract_strided_slice %slice3A_59 {offsets = [15, 0], sizes = [1, 512], strides = [1, 1]} : vector<16x512xf32> to vector<1x512xf32>
    %mul3A_106 = vector.broadcast %slice3A_105 : vector<1x512xf32> to vector<32x512xf32>
    %mul3A_107 = arith.mulf %mul3A_106, %slice3A_58 : vector<32x512xf32>
    %concatenate3A_108 = tpu.concatenate %mul3A_62, %mul3A_65, %mul3A_68, %mul3A_71, %mul3A_74, %mul3A_77, %mul3A_80, %mul3A_83, %mul3A_86, %mul3A_89, %mul3A_92, %mul3A_95, %mul3A_98, %mul3A_101, %mul3A_104, %mul3A_107, %slice3A_58 in 0 : vector<32x512xf32>, vector<32x512xf32>, vector<32x512xf32>, vector<32x512xf32>, vector<32x512xf32>, vector<32x512xf32>, vector<32x512xf32>, vector<32x512xf32>, vector<32x512xf32>, vector<32x512xf32>, vector<32x512xf32>, vector<32x512xf32>, vector<32x512xf32>, vector<32x512xf32>, vector<32x512xf32>, vector<32x512xf32>, vector<32x512xf32> -> vector<544x512xf32>
    %dot_general3A_109 = arith.constant dense<0.000000e+00> : vector<32x512xf32>
    %dot_general3A_110 = tpu.matmul %get3A_8, %concatenate3A_108, %dot_general3A_109 {dimension_numbers = #tpu.dot_dimension_numbers<[1], [0], [0], [1], [0, 0, 1, 1], [], []>, transpose_lhs_hint = false} : vector<32x544xf32>, vector<544x512xf32>, vector<32x512xf32> -> vector<32x512xf32>
    %slice3A_111 = vector.extract_strided_slice %transpose3A {offsets = [64, 0], sizes = [32, 512], strides = [1, 1]} : vector<128x512xf32> to vector<32x512xf32>
    %slice3A_112 = vector.extract_strided_slice %transpose3A_5 {offsets = [32, 0], sizes = [16, 512], strides = [1, 1]} : vector<64x512xf32> to vector<16x512xf32>
    %slice3A_113 = vector.extract_strided_slice %slice3A_112 {offsets = [0, 0], sizes = [1, 512], strides = [1, 1]} : vector<16x512xf32> to vector<1x512xf32>
    %mul3A_114 = vector.broadcast %slice3A_113 : vector<1x512xf32> to vector<32x512xf32>
    %mul3A_115 = arith.mulf %mul3A_114, %slice3A_111 : vector<32x512xf32>
    %slice3A_116 = vector.extract_strided_slice %slice3A_112 {offsets = [1, 0], sizes = [1, 512], strides = [1, 1]} : vector<16x512xf32> to vector<1x512xf32>
    %mul3A_117 = vector.broadcast %slice3A_116 : vector<1x512xf32> to vector<32x512xf32>
    %mul3A_118 = arith.mulf %mul3A_117, %slice3A_111 : vector<32x512xf32>
    %slice3A_119 = vector.extract_strided_slice %slice3A_112 {offsets = [2, 0], sizes = [1, 512], strides = [1, 1]} : vector<16x512xf32> to vector<1x512xf32>
    %mul3A_120 = vector.broadcast %slice3A_119 : vector<1x512xf32> to vector<32x512xf32>
    %mul3A_121 = arith.mulf %mul3A_120, %slice3A_111 : vector<32x512xf32>
    %slice3A_122 = vector.extract_strided_slice %slice3A_112 {offsets = [3, 0], sizes = [1, 512], strides = [1, 1]} : vector<16x512xf32> to vector<1x512xf32>
    %mul3A_123 = vector.broadcast %slice3A_122 : vector<1x512xf32> to vector<32x512xf32>
    %mul3A_124 = arith.mulf %mul3A_123, %slice3A_111 : vector<32x512xf32>
    %slice3A_125 = vector.extract_strided_slice %slice3A_112 {offsets = [4, 0], sizes = [1, 512], strides = [1, 1]} : vector<16x512xf32> to vector<1x512xf32>
    %mul3A_126 = vector.broadcast %slice3A_125 : vector<1x512xf32> to vector<32x512xf32>
    %mul3A_127 = arith.mulf %mul3A_126, %slice3A_111 : vector<32x512xf32>
    %slice3A_128 = vector.extract_strided_slice %slice3A_112 {offsets = [5, 0], sizes = [1, 512], strides = [1, 1]} : vector<16x512xf32> to vector<1x512xf32>
    %mul3A_129 = vector.broadcast %slice3A_128 : vector<1x512xf32> to vector<32x512xf32>
    %mul3A_130 = arith.mulf %mul3A_129, %slice3A_111 : vector<32x512xf32>
    %slice3A_131 = vector.extract_strided_slice %slice3A_112 {offsets = [6, 0], sizes = [1, 512], strides = [1, 1]} : vector<16x512xf32> to vector<1x512xf32>
    %mul3A_132 = vector.broadcast %slice3A_131 : vector<1x512xf32> to vector<32x512xf32>
    %mul3A_133 = arith.mulf %mul3A_132, %slice3A_111 : vector<32x512xf32>
    %slice3A_134 = vector.extract_strided_slice %slice3A_112 {offsets = [7, 0], sizes = [1, 512], strides = [1, 1]} : vector<16x512xf32> to vector<1x512xf32>
    %mul3A_135 = vector.broadcast %slice3A_134 : vector<1x512xf32> to vector<32x512xf32>
    %mul3A_136 = arith.mulf %mul3A_135, %slice3A_111 : vector<32x512xf32>
    %slice3A_137 = vector.extract_strided_slice %slice3A_112 {offsets = [8, 0], sizes = [1, 512], strides = [1, 1]} : vector<16x512xf32> to vector<1x512xf32>
    %mul3A_138 = vector.broadcast %slice3A_137 : vector<1x512xf32> to vector<32x512xf32>
    %mul3A_139 = arith.mulf %mul3A_138, %slice3A_111 : vector<32x512xf32>
    %slice3A_140 = vector.extract_strided_slice %slice3A_112 {offsets = [9, 0], sizes = [1, 512], strides = [1, 1]} : vector<16x512xf32> to vector<1x512xf32>
    %mul3A_141 = vector.broadcast %slice3A_140 : vector<1x512xf32> to vector<32x512xf32>
    %mul3A_142 = arith.mulf %mul3A_141, %slice3A_111 : vector<32x512xf32>
    %slice3A_143 = vector.extract_strided_slice %slice3A_112 {offsets = [10, 0], sizes = [1, 512], strides = [1, 1]} : vector<16x512xf32> to vector<1x512xf32>
    %mul3A_144 = vector.broadcast %slice3A_143 : vector<1x512xf32> to vector<32x512xf32>
    %mul3A_145 = arith.mulf %mul3A_144, %slice3A_111 : vector<32x512xf32>
    %slice3A_146 = vector.extract_strided_slice %slice3A_112 {offsets = [11, 0], sizes = [1, 512], strides = [1, 1]} : vector<16x512xf32> to vector<1x512xf32>
    %mul3A_147 = vector.broadcast %slice3A_146 : vector<1x512xf32> to vector<32x512xf32>
    %mul3A_148 = arith.mulf %mul3A_147, %slice3A_111 : vector<32x512xf32>
    %slice3A_149 = vector.extract_strided_slice %slice3A_112 {offsets = [12, 0], sizes = [1, 512], strides = [1, 1]} : vector<16x512xf32> to vector<1x512xf32>
    %mul3A_150 = vector.broadcast %slice3A_149 : vector<1x512xf32> to vector<32x512xf32>
    %mul3A_151 = arith.mulf %mul3A_150, %slice3A_111 : vector<32x512xf32>
    %slice3A_152 = vector.extract_strided_slice %slice3A_112 {offsets = [13, 0], sizes = [1, 512], strides = [1, 1]} : vector<16x512xf32> to vector<1x512xf32>
    %mul3A_153 = vector.broadcast %slice3A_152 : vector<1x512xf32> to vector<32x512xf32>
    %mul3A_154 = arith.mulf %mul3A_153, %slice3A_111 : vector<32x512xf32>
    %slice3A_155 = vector.extract_strided_slice %slice3A_112 {offsets = [14, 0], sizes = [1, 512], strides = [1, 1]} : vector<16x512xf32> to vector<1x512xf32>
    %mul3A_156 = vector.broadcast %slice3A_155 : vector<1x512xf32> to vector<32x512xf32>
    %mul3A_157 = arith.mulf %mul3A_156, %slice3A_111 : vector<32x512xf32>
    %slice3A_158 = vector.extract_strided_slice %slice3A_112 {offsets = [15, 0], sizes = [1, 512], strides = [1, 1]} : vector<16x512xf32> to vector<1x512xf32>
    %mul3A_159 = vector.broadcast %slice3A_158 : vector<1x512xf32> to vector<32x512xf32>
    %mul3A_160 = arith.mulf %mul3A_159, %slice3A_111 : vector<32x512xf32>
    %concatenate3A_161 = tpu.concatenate %mul3A_115, %mul3A_118, %mul3A_121, %mul3A_124, %mul3A_127, %mul3A_130, %mul3A_133, %mul3A_136, %mul3A_139, %mul3A_142, %mul3A_145, %mul3A_148, %mul3A_151, %mul3A_154, %mul3A_157, %mul3A_160, %slice3A_111 in 0 : vector<32x512xf32>, vector<32x512xf32>, vector<32x512xf32>, vector<32x512xf32>, vector<32x512xf32>, vector<32x512xf32>, vector<32x512xf32>, vector<32x512xf32>, vector<32x512xf32>, vector<32x512xf32>, vector<32x512xf32>, vector<32x512xf32>, vector<32x512xf32>, vector<32x512xf32>, vector<32x512xf32>, vector<32x512xf32>, vector<32x512xf32> -> vector<544x512xf32>
    %dot_general3A_162 = arith.constant dense<0.000000e+00> : vector<32x512xf32>
    %dot_general3A_163 = tpu.matmul %get3A_8, %concatenate3A_161, %dot_general3A_162 {dimension_numbers = #tpu.dot_dimension_numbers<[1], [0], [0], [1], [0, 0, 1, 1], [], []>, transpose_lhs_hint = false} : vector<32x544xf32>, vector<544x512xf32>, vector<32x512xf32> -> vector<32x512xf32>
    %slice3A_164 = vector.extract_strided_slice %transpose3A {offsets = [96, 0], sizes = [32, 512], strides = [1, 1]} : vector<128x512xf32> to vector<32x512xf32>
    %slice3A_165 = vector.extract_strided_slice %transpose3A_5 {offsets = [48, 0], sizes = [16, 512], strides = [1, 1]} : vector<64x512xf32> to vector<16x512xf32>
    %slice3A_166 = vector.extract_strided_slice %slice3A_165 {offsets = [0, 0], sizes = [1, 512], strides = [1, 1]} : vector<16x512xf32> to vector<1x512xf32>
    %mul3A_167 = vector.broadcast %slice3A_166 : vector<1x512xf32> to vector<32x512xf32>
    %mul3A_168 = arith.mulf %mul3A_167, %slice3A_164 : vector<32x512xf32>
    %slice3A_169 = vector.extract_strided_slice %slice3A_165 {offsets = [1, 0], sizes = [1, 512], strides = [1, 1]} : vector<16x512xf32> to vector<1x512xf32>
    %mul3A_170 = vector.broadcast %slice3A_169 : vector<1x512xf32> to vector<32x512xf32>
    %mul3A_171 = arith.mulf %mul3A_170, %slice3A_164 : vector<32x512xf32>
    %slice3A_172 = vector.extract_strided_slice %slice3A_165 {offsets = [2, 0], sizes = [1, 512], strides = [1, 1]} : vector<16x512xf32> to vector<1x512xf32>
    %mul3A_173 = vector.broadcast %slice3A_172 : vector<1x512xf32> to vector<32x512xf32>
    %mul3A_174 = arith.mulf %mul3A_173, %slice3A_164 : vector<32x512xf32>
    %slice3A_175 = vector.extract_strided_slice %slice3A_165 {offsets = [3, 0], sizes = [1, 512], strides = [1, 1]} : vector<16x512xf32> to vector<1x512xf32>
    %mul3A_176 = vector.broadcast %slice3A_175 : vector<1x512xf32> to vector<32x512xf32>
    %mul3A_177 = arith.mulf %mul3A_176, %slice3A_164 : vector<32x512xf32>
    %slice3A_178 = vector.extract_strided_slice %slice3A_165 {offsets = [4, 0], sizes = [1, 512], strides = [1, 1]} : vector<16x512xf32> to vector<1x512xf32>
    %mul3A_179 = vector.broadcast %slice3A_178 : vector<1x512xf32> to vector<32x512xf32>
    %mul3A_180 = arith.mulf %mul3A_179, %slice3A_164 : vector<32x512xf32>
    %slice3A_181 = vector.extract_strided_slice %slice3A_165 {offsets = [5, 0], sizes = [1, 512], strides = [1, 1]} : vector<16x512xf32> to vector<1x512xf32>
    %mul3A_182 = vector.broadcast %slice3A_181 : vector<1x512xf32> to vector<32x512xf32>
    %mul3A_183 = arith.mulf %mul3A_182, %slice3A_164 : vector<32x512xf32>
    %slice3A_184 = vector.extract_strided_slice %slice3A_165 {offsets = [6, 0], sizes = [1, 512], strides = [1, 1]} : vector<16x512xf32> to vector<1x512xf32>
    %mul3A_185 = vector.broadcast %slice3A_184 : vector<1x512xf32> to vector<32x512xf32>
    %mul3A_186 = arith.mulf %mul3A_185, %slice3A_164 : vector<32x512xf32>
    %slice3A_187 = vector.extract_strided_slice %slice3A_165 {offsets = [7, 0], sizes = [1, 512], strides = [1, 1]} : vector<16x512xf32> to vector<1x512xf32>
    %mul3A_188 = vector.broadcast %slice3A_187 : vector<1x512xf32> to vector<32x512xf32>
    %mul3A_189 = arith.mulf %mul3A_188, %slice3A_164 : vector<32x512xf32>
    %slice3A_190 = vector.extract_strided_slice %slice3A_165 {offsets = [8, 0], sizes = [1, 512], strides = [1, 1]} : vector<16x512xf32> to vector<1x512xf32>
    %mul3A_191 = vector.broadcast %slice3A_190 : vector<1x512xf32> to vector<32x512xf32>
    %mul3A_192 = arith.mulf %mul3A_191, %slice3A_164 : vector<32x512xf32>
    %slice3A_193 = vector.extract_strided_slice %slice3A_165 {offsets = [9, 0], sizes = [1, 512], strides = [1, 1]} : vector<16x512xf32> to vector<1x512xf32>
    %mul3A_194 = vector.broadcast %slice3A_193 : vector<1x512xf32> to vector<32x512xf32>
    %mul3A_195 = arith.mulf %mul3A_194, %slice3A_164 : vector<32x512xf32>
    %slice3A_196 = vector.extract_strided_slice %slice3A_165 {offsets = [10, 0], sizes = [1, 512], strides = [1, 1]} : vector<16x512xf32> to vector<1x512xf32>
    %mul3A_197 = vector.broadcast %slice3A_196 : vector<1x512xf32> to vector<32x512xf32>
    %mul3A_198 = arith.mulf %mul3A_197, %slice3A_164 : vector<32x512xf32>
    %slice3A_199 = vector.extract_strided_slice %slice3A_165 {offsets = [11, 0], sizes = [1, 512], strides = [1, 1]} : vector<16x512xf32> to vector<1x512xf32>
    %mul3A_200 = vector.broadcast %slice3A_199 : vector<1x512xf32> to vector<32x512xf32>
    %mul3A_201 = arith.mulf %mul3A_200, %slice3A_164 : vector<32x512xf32>
    %slice3A_202 = vector.extract_strided_slice %slice3A_165 {offsets = [12, 0], sizes = [1, 512], strides = [1, 1]} : vector<16x512xf32> to vector<1x512xf32>
    %mul3A_203 = vector.broadcast %slice3A_202 : vector<1x512xf32> to vector<32x512xf32>
    %mul3A_204 = arith.mulf %mul3A_203, %slice3A_164 : vector<32x512xf32>
    %slice3A_205 = vector.extract_strided_slice %slice3A_165 {offsets = [13, 0], sizes = [1, 512], strides = [1, 1]} : vector<16x512xf32> to vector<1x512xf32>
    %mul3A_206 = vector.broadcast %slice3A_205 : vector<1x512xf32> to vector<32x512xf32>
    %mul3A_207 = arith.mulf %mul3A_206, %slice3A_164 : vector<32x512xf32>
    %slice3A_208 = vector.extract_strided_slice %slice3A_165 {offsets = [14, 0], sizes = [1, 512], strides = [1, 1]} : vector<16x512xf32> to vector<1x512xf32>
    %mul3A_209 = vector.broadcast %slice3A_208 : vector<1x512xf32> to vector<32x512xf32>
    %mul3A_210 = arith.mulf %mul3A_209, %slice3A_164 : vector<32x512xf32>
    %slice3A_211 = vector.extract_strided_slice %slice3A_165 {offsets = [15, 0], sizes = [1, 512], strides = [1, 1]} : vector<16x512xf32> to vector<1x512xf32>
    %mul3A_212 = vector.broadcast %slice3A_211 : vector<1x512xf32> to vector<32x512xf32>
    %mul3A_213 = arith.mulf %mul3A_212, %slice3A_164 : vector<32x512xf32>
    %concatenate3A_214 = tpu.concatenate %mul3A_168, %mul3A_171, %mul3A_174, %mul3A_177, %mul3A_180, %mul3A_183, %mul3A_186, %mul3A_189, %mul3A_192, %mul3A_195, %mul3A_198, %mul3A_201, %mul3A_204, %mul3A_207, %mul3A_210, %mul3A_213, %slice3A_164 in 0 : vector<32x512xf32>, vector<32x512xf32>, vector<32x512xf32>, vector<32x512xf32>, vector<32x512xf32>, vector<32x512xf32>, vector<32x512xf32>, vector<32x512xf32>, vector<32x512xf32>, vector<32x512xf32>, vector<32x512xf32>, vector<32x512xf32>, vector<32x512xf32>, vector<32x512xf32>, vector<32x512xf32>, vector<32x512xf32>, vector<32x512xf32> -> vector<544x512xf32>
    %dot_general3A_215 = arith.constant dense<0.000000e+00> : vector<32x512xf32>
    %dot_general3A_216 = tpu.matmul %get3A_8, %concatenate3A_214, %dot_general3A_215 {dimension_numbers = #tpu.dot_dimension_numbers<[1], [0], [0], [1], [0, 0, 1, 1], [], []>, transpose_lhs_hint = false} : vector<32x544xf32>, vector<544x512xf32>, vector<32x512xf32> -> vector<32x512xf32>
    %concatenate3A_217 = tpu.concatenate %dot_general3A_57, %dot_general3A_110, %dot_general3A_163, %dot_general3A_216 in 0 : vector<32x512xf32>, vector<32x512xf32>, vector<32x512xf32>, vector<32x512xf32> -> vector<128x512xf32>
    %transpose3A_218 = tpu.transpose %concatenate3A_217, [1, 0] : vector<128x512xf32> -> vector<512x128xf32>
    %swap3A = arith.constant 0 : index
    %swap3A_219 = arith.constant 0 : index
    %swap3A_220 = vector.load %arg4[%swap3A, %swap3A_219] : memref<512x128xf32, #tpu.memory_space<vmem>>, vector<512x128xf32>
    tpu.vector_store %arg4[%swap3A, %swap3A_219], %transpose3A_218 {strides = array<i32>} : memref<512x128xf32, #tpu.memory_space<vmem>>, vector<512x128xf32>,
    return
  }
  func.func @transform_0(%arg0: i32) -> (i32, i32) {
    %c0_i32 = arith.constant 0 : i32
    %c0_i32_0 = arith.constant 0 : i32
    return %arg0, %c0_i32 : i32, i32
  }
  func.func @transform_1(%arg0: i32) -> (i32, i32) {
    %c0_i32 = arith.constant 0 : i32
    %c0_i32_0 = arith.constant 0 : i32
    return %arg0, %c0_i32 : i32, i32
  }
  func.func @transform_2(%arg0: i32) -> (i32, i32) {
    %c0_i32 = arith.constant 0 : i32
    %c0_i32_0 = arith.constant 0 : i32
    %c0_i32_1 = arith.constant 0 : i32
    return %c0_i32, %c0_i32_0 : i32, i32
  }
  func.func @transform_3(%arg0: i32) -> (i32, i32) {
    %c0_i32 = arith.constant 0 : i32
    %c0_i32_0 = arith.constant 0 : i32
    return %arg0, %c0_i32 : i32, i32
  }
}

module attributes {stable_mosaic.version = 14 : i64} {
  func.func @_combine_body(%arg0: memref<2x1120x128xf32, #tpu.memory_space<vmem>>, %arg1: memref<1120x128xf32, #tpu.memory_space<vmem>>) attributes {dimension_semantics = [], scalar_prefetch = 0 : i64, scratch_operands = 0 : i64, tpu.core_type = #tpu.core_type<tc>} {
    %get3A = arith.constant 0 : index
    %get3A_0 = arith.constant 0 : index
    %get3A_1 = arith.constant 0 : index
    %get3A_2 = vector.load %arg0[%get3A, %get3A_0, %get3A_1] : memref<2x1120x128xf32, #tpu.memory_space<vmem>>, vector<1x1120x128xf32>
    %get3A_3 = vector.shape_cast %get3A_2 : vector<1x1120x128xf32> to vector<1120x128xf32>
    %get3A_4 = arith.constant 1 : index
    %get3A_5 = arith.constant 0 : index
    %get3A_6 = arith.constant 0 : index
    %get3A_7 = vector.load %arg0[%get3A_4, %get3A_5, %get3A_6] : memref<2x1120x128xf32, #tpu.memory_space<vmem>>, vector<1x1120x128xf32>
    %get3A_8 = vector.shape_cast %get3A_7 : vector<1x1120x128xf32> to vector<1120x128xf32>
    %add3A = arith.addf %get3A_3, %get3A_8 : vector<1120x128xf32>
    %swap3A = arith.constant 0 : index
    %swap3A_9 = arith.constant 0 : index
    %swap3A_10 = vector.load %arg1[%swap3A, %swap3A_9] : memref<1120x128xf32, #tpu.memory_space<vmem>>, vector<1120x128xf32>
    tpu.vector_store %arg1[%swap3A, %swap3A_9], %add3A {strides = array<i32>} : memref<1120x128xf32, #tpu.memory_space<vmem>>, vector<1120x128xf32>,
    return
  }
}

</mosaic_0001>

<sc_bundles>
// kernel: kernel.10.cloned.1.call-start
scs
__scs_entry_jumppad:
0x0: {  	(pc) =	sbr.rel $0x88, $3  }
0x1: {  	(tag) =	ssettag $0x0;
	lr =	simm.s32 $0x1  }
0x2: {  	[smem:$0x3F9C] =	sst lr;
	_ =	strace $0xD0000000  }
0x3: {  	_ = 	snop  }
0x4: {  	_ = 	snop  }
0x5: {  	_ = 	snop  }
0x6: {  	_ = 	snop  }
0x7: {  	_ = 	snop  }
__scs_overlays_trampoline_lowered:
0x8: {  	[smem:$0x3FAB] =	sst s0  }
0x9: {  	[smem:$0x3FAC] =	sst s1  }
0xa: {  	[smem:$0x3FAD] =	sst s2  }
0xb: {  	[smem:$0x3FAE] =	sst s3  }
0xc: {  	[smem:$0x3FAF] =	sst s4  }
0xd: {  	[smem:$0x3FB0] =	sst s5  }
0xe: {  	[smem:$0x3FB1] =	sst s6  }
0xf: {  	[smem:$0x3FB2] =	sst s7  }
0x10: {  	[smem:$0x3FB3] =	sst s8  }
0x11: {  	[smem:$0x3FB4] =	sst s9;
	s0 =	simm.s32 @!p0 $0x0  }
0x12: {  	s1 =	sld [smem:$0x3F9A];
	s0 =	simm.s32 @p0 $0x1  }
0x13: {  	[smem:$0x3FB5] =	sst s0;
	s0 =	simm.s32 @!p1 $0x0  }
0x14: {  	s2 =	sld [smem:$0x3F99];
	s0 =	simm.s32 @p1 $0x1  }
0x15: {  	[smem:$0x3FB6] =	sst s0;
	s0 =	simm.s32 @!p2 $0x0  }
0x16: {  	s3 =	sld [smem:$0x3FDB];
	s0 =	simm.s32 @p2 $0x1  }
0x17: {  	s4 =	simm.s32 $0x1BF5;
	[smem:$0x3FB8] =	sst s0  }
0x18: {  	s0 =	sld [smem:$0x3F9B];
	_ =	swait.ge [sflag:s4], $0x0  }
0x19: {  	s7 =	sld [smem:$0x3F9C]  }
0x1a: {  	s8 =	sadd.s32 $0xFFFFE003, lr  }
0x1b: {  	s9 =	sadd.s32 $0xFFFFFEF7, lr;
	s5 =	simm.s32 $0xFFFFFFFF;
	p2 =	slt.u32 s8, $0xFFFFF086  }
0x1c: {  	p1 =	slt.u32 s9, $0xF7A;
	s5 =	simm.s32 @!p2 $0x0  }
0x1d: {  	s5 =	simm.s32 @p1 $0x1;
	p0 =	seq.s32 s7, s2  }
0x1e: {  	s7 =	smul.u32 @!p0 $0xF7A, s2;
	p2 =	seq.s32 @!p0 s5, $0x0  }
0x1f: {  	s9 =	smul.u32 $0xF7A, s1;
	s8 =	simm.s32 @!p0 $0x1BF5;
	p2 =	por !p2, p0  }
0x20: {  	[sflag:s8] =	ssyncset.s32 @!p0 $0xFFFFF086;
	s6 =	sadd.s32 @!p0 s3, s7;
	s7 =	simm.s32 @!p0 $0x108  }
0x21: {  	s3 =	sadd.s32 s3, s9;
	s6 =	sadd.s32 @!p0 $0x88, s6;
	s7 =	simm.s32 @p2 $0x1082  }
0x22: {  	[simem:s7], [sflag:s8] =	dma.local @!p0 [hbm:s6], $0xF7A  }
0x23: {  	s9 =	sor.u32 $0xD0000000, s2;
	s6 =	simm.s32 $0x108;
	_ =	swait.ge @!p0 [sflag:s8], $0x0  }
0x24: {  	s3 =	sadd.s32 $0x88, s3;
	s6 =	simm.s32 @!p1 $0x1082;
	[sflag:s4] =	ssyncset.s32 $0xFFFFF086  }
0x25: {  	[simem:s6], [sflag:s4] =	dma.local [hbm:s3], $0xF7A  }
0x26: {  	[smem:$0x3F9C] =	sst s1;
	(tag) =	ssettag s2;
	_ =	strace s9  }
0x27: {  	s1 =	sld [smem:$0x3FAC]  }
0x28: {  	s2 =	sld [smem:$0x3FAD]  }
0x29: {  	s4 =	sld [smem:$0x3FAF]  }
0x2a: {  	p0 =	seq.s32 s5, $0x0;
	s5 =	sld [smem:$0x3FB0]  }
0x2b: {  	s6 =	sld [smem:$0x3FB1]  }
0x2c: {  	s7 =	sld [smem:$0x3FB2]  }
0x2d: {  	s3 =	simm.s32 $0x108;
	s8 =	sld [smem:$0x3FB3]  }
0x2e: {  	s3 =	simm.s32 @!p0 $0x1082;
	s9 =	sld [smem:$0x3FB4]  }
0x2f: {  	lr =	sadd.s32 s0, s3;
	s0 =	sld [smem:$0x3FAB]  }
0x30: {  	s3 =	sld [smem:$0x3FAE]  }
0x31: {  	[smem:$0x3FB7] =	sst s10  }
0x32: {  	s10 =	sld [smem:$0x3FB5];
	_ =	sdelay $0x3  }
0x33: {  	p0 =	seq.s32 s10, $0x1;
	s10 =	sld [smem:$0x3FB7];
	_ =	sdelay $0x3  }
0x34: {  	[smem:$0x3FB7] =	sst s10  }
0x35: {  	s10 =	sld [smem:$0x3FB6];
	_ =	sdelay $0x3  }
0x36: {  	p1 =	seq.s32 s10, $0x1;
	s10 =	sld [smem:$0x3FB7];
	_ =	sdelay $0x3  }
0x37: {  	[smem:$0x3FB7] =	sst s10  }
0x38: {  	s10 =	sld [smem:$0x3FB8]  }
0x39: {  	_ = 	snop;
	(pc) =	sbr.ind lr, $3  }
0x3a: {  	_ = 	snop  }
0x3b: {  	_ = 	snop  }
0x3c: {  	p2 =	seq.s32 s10, $0x1;
	s10 =	sld [smem:$0x3FB7]  }
0x3d: {  	_ =	shalt  }
0x3e: {  	_ =	shalt  }
0x3f: {  	_ =	shalt  }
0x40: {  	_ =	shalt  }
0x41: {  	_ =	shalt  }
0x42: {  	_ =	shalt  }
0x43: {  	_ =	shalt  }
0x44: {  	_ =	shalt  }
0x45: {  	_ =	shalt  }
0x46: {  	_ =	shalt  }
0x47: {  	_ =	shalt  }
0x48: {  	_ =	shalt  }
0x49: {  	_ =	shalt  }
0x4a: {  	_ =	shalt  }
0x4b: {  	_ =	shalt  }
0x4c: {  	_ =	shalt  }
0x4d: {  	_ =	shalt  }
0x4e: {  	_ =	shalt  }
0x4f: {  	_ =	shalt  }
0x50: {  	_ =	shalt  }
0x51: {  	_ =	shalt  }
0x52: {  	_ =	shalt  }
0x53: {  	_ =	shalt  }
0x54: {  	_ =	shalt  }
0x55: {  	_ =	shalt  }
0x56: {  	_ =	shalt  }
0x57: {  	_ =	shalt  }
0x58: {  	_ =	shalt  }
0x59: {  	_ =	shalt  }
0x5a: {  	_ =	shalt  }
0x5b: {  	_ =	shalt  }
0x5c: {  	_ =	shalt  }
0x5d: {  	_ =	shalt  }
0x5e: {  	_ =	shalt  }
0x5f: {  	_ =	shalt  }
0x60: {  	_ =	shalt  }
0x61: {  	_ =	shalt  }
0x62: {  	_ =	shalt  }
0x63: {  	_ =	shalt  }
0x64: {  	_ =	shalt  }
0x65: {  	_ =	shalt  }
0x66: {  	_ =	shalt  }
0x67: {  	_ =	shalt  }
0x68: {  	_ =	shalt  }
0x69: {  	_ =	shalt  }
0x6a: {  	_ =	shalt  }
0x6b: {  	_ =	shalt  }
0x6c: {  	_ =	shalt  }
0x6d: {  	_ =	shalt  }
0x6e: {  	_ =	shalt  }
0x6f: {  	_ =	shalt  }
0x70: {  	_ =	shalt  }
0x71: {  	_ =	shalt  }
0x72: {  	_ =	shalt  }
0x73: {  	_ =	shalt  }
0x74: {  	_ =	shalt  }
0x75: {  	_ =	shalt  }
0x76: {  	_ =	shalt  }
0x77: {  	_ =	shalt  }
0x78: {  	_ =	shalt  }
0x79: {  	_ =	shalt  }
0x7a: {  	_ =	shalt  }
0x7b: {  	_ =	shalt  }
0x7c: {  	_ =	shalt  }
0x7d: {  	_ =	shalt  }
0x7e: {  	_ =	shalt  }
0x7f: {  	_ =	shalt  }
0x80: {  	_ =	shalt  }
0x81: {  	_ =	shalt  }
0x82: {  	_ =	shalt  }
0x83: {  	_ =	shalt  }
0x84: {  	_ =	shalt  }
0x85: {  	_ =	shalt  }
0x86: {  	_ =	shalt  }
0x87: {  	_ =	shalt  }
.Lfunc_end0:
.L_simem_size_0:
called_computation.1_lowered:
.L_overlay_start_0:
0x88: {  	s2 =	sld [smem:$0x3FD9]  }
0x89: {  	s3 =	sld [smem:$0x3FFE];
	_ =	sdelay $0x1  }
0x8a: {  	s1 =	srdreg.scid  }
0x8b: {  	s0 =	sand.u32 $0x1, s1  }
0x8c: {  	s17 =	sshll.u32 s0, $0xA;
	s2 =	sadd.s32 s3, s2  }
0x8d: {  	s2 =	sadd.s32 s2, s17  }
0x8e: {  	[smem:$0x3FC3] =	sst s2  }
0x8f: {  	_ = 	snop  }
0x90: {  	s2 =	sld [smem:$0x3FD0];
	(tm) =	ssettm $0x1  }
0x91: {  	s18 =	sld [smem:$0x3FFB];
	_ =	sdelay $0x3  }
0x92: {  	_ =	strace s18  }
0x93: {  	s3 =	sld [smem:$0x3FFC];
	_ =	sdelay $0x3  }
0x94: {  	_ =	strace s3  }
0x95: {  	s3 =	sld [smem:$0x3FFD];
	_ =	sdelay $0x3  }
0x96: {  	_ =	strace s3  }
0x97: {  	_ =	strace $0x8FFFFFFF  }
0x98: {  	s19 =	sld [smem:$0x3FDB];
	_ =	sdelay $0x1  }
0x99: {  	s4 =	simm.s32 $_scs_section_size  }
0x9a: {  	s5 =	simm.s32 $_size__tile_overlayer_lowered;
	s6 =	simm.s32 $_tile_overlayer_lowered  }
0x9b: {  	s22 =	simm.s32 $0x1BFF;
	s21 =	sshll.u32 s6, $0x1;
	s3 =	sadd.s32 s4, s19  }
0x9c: {  	s7 =	simm.s32 $0x0;
	s20 =	sshll.u32 s5, $0x1;
	s5 =	sadd.s32 s21, s3  }
0x9d: {  	[timem:s7], [sflag:s22] =	dma.local [hbm:s5], s20  }
0x9e: {  	_ =	swait.ge [sflag:s22], s20  }
0x9f: {  	s4 =	ssub.s32 $0x0, s20;
	[sflag:s22] =	ssyncset.done $0x0  }
0xa0: {  	[sflag:s22] =	ssyncadd.s32 s4;
	_ =	sdelay $0x1  }
0xa1: {  	s23 =	simm.s32 $0x1B8B  }
0xa2: {  	_ =	swait.ge [sflag:s23], $0x1  }
0xa3: {  	[sflag:s23] =	ssyncset.done $0x0  }
0xa4: {  	s25 =	simm.s32 $0x1B8E;
	s24 =	sld [smem:$0x3FFE];
	[sflag:s23] =	ssyncadd.s32 $0xFFFFFFFF  }
0xa5: {  	s26 =	simm.s32 $execute0_lowered;
	[smem:$0x3FD2] =	sst s25  }
0xa6: {  	s5 =	sshll.u32 s26, $0x1;
	_ =	strace $0x80000049;
	[dreg:$0x1] =	wrdreg $0xFFFFFFFF  }
0xa7: {  	s28 =	simm.s32 $_size_execute0_lowered;
	s3 =	sadd.s32 s3, s5;
	[dreg:$0x0] =	wrdreg $0x0  }
0xa8: {  	s5 =	sshll.u32 s28, $0x1;
	[dreg:$0x2] =	wrdreg s3  }
0xa9: {  	[dreg:$0x3] =	wrdreg s5  }
0xaa: {  	[dreg:$0x4] =	wrdreg $0xC0  }
0xab: {  	_ =	task [dreg:s7], $0x5FFFF  }
0xac: {  	[dreg:$0x1] =	wrdreg $0xFFFFFFFF  }
0xad: {  	[dreg:$0x0] =	wrdreg $0x60  }
0xae: {  	[dreg:$0x2] =	wrdreg s24  }
0xaf: {  	[dreg:$0x3] =	wrdreg s2  }
0xb0: {  	[dreg:$0x4] =	wrdreg $0x120C00  }
0xb1: {  	[dreg:$0x5] =	wrdreg $0x9  }
0xb2: {  	_ =	task.clear_ibuf [dreg:s7], $0x6FFFF;
	_ =	strace $0x90000049  }
0xb3: {  	s29 =	simm.s32 $0x9;
	_ =	strace $0x8000004B  }
0xb4: {  	_ =	swait.ge [sflag:s29], $0x1  }
0xb5: {  	[sflag:s29] =	ssyncadd.s32 $0xFFFFFFFF  }
0xb6: {  	_ =	strace $0x9000004B  }
0xb7: {  	_ =	sfence  }
0xb8: {  	s30 =	sld [smem:$0x0];
	_ =	sdelay $0x2  }
0xb9: {  	s31 =	sshll.u32 s1, $0xD;
	s1 =	sshrl.u32 s1, $0x2  }
0xba: {  	s3 =	sand.u32 $0x4000, s31;
	s1 =	sadd.s32 s1, s30  }
0xbb: {  	s0 =	sor.u32 s3, s0;
	s1 =	sshll.u32 s1, $0x11  }
0xbc: {  	s0 =	sor.u32 s1, s0  }
0xbd: {  	s0 =	sadd.s32 $0x8F2B, s0  }
0xbe: {  	[sflag:s0] =	ssyncadd.remote.s32 $0x1  }
0xbf: {  	_ =	sfence.sel $0xFFFF  }
0xc0: {  	[dreg:$0x0] =	wrdreg $0xFFFFFFFF;
	(pc) =	sbr.abs _section_cstart, $3  }
0xc1: {  	[dreg:$0x1] =	wrdreg $0xFFFFFFFF  }
0xc2: {  	_ =	task.clear_ibuf [dreg:s7], $0x2FFFF;
	_ =	strace $0x9FFFFFFF  }
0xc3: {  	(tm) =	ssettm $0x7FFFFFFF  }
tec
execute0_lowered:
.L_overlay_start_1:
0x0: {  	(tag) =	ssettag $0x1  }
0x1: {  	s1 =	srdreg.scid;
	s0 =	stileid.u32  }
0x2: {  	s4 =	rddreg [dreg:$0x0];
	s1 =	sand.u32 $0x1, s1;
	s2 =	sshll.u32 s0, $0x1  }
0x3: {  	s5 =	rddreg [dreg:$0x1];
	s8 =	smul.u32 $0x2300, s0;
	s3 =	sor.u32 s1, s2  }
0x4: {  	s2 =	rddreg [dreg:$0x2];
	s6 =	smul.u32 $0x2300, s3  }
0x5: {  	s7 =	smul.u32 $0x118, s3;
	s3 =	simm.s32 $0x0;
	s10 =	sshrl.u32 s8, $0x3  }
0x6: {  	[smem:$0x7FF] =	sst s3;
	s5 =	sadd.s32 s5, s10  }
0x7: {  	s10 =	simm.s32 $0x16C0;
	_ =	strace $0x8000004A;
	[dreg:$0x4] =	wrdreg s5  }
0x8: {  	s11 =	simm.s32 $0xE0;
	[dreg:$0x8] =	wrdreg s10  }
0x9: {  	s12 =	simm.s32 $0x24C0;
	[dreg:$0x9] =	wrdreg s11  }
0xa: {  	s13 =	simm.s32 $0x150;
	[dreg:$0xa] =	wrdreg s12  }
0xb: {  	s14 =	simm.s32 $0x32C0;
	[dreg:$0xb] =	wrdreg s13  }
0xc: {  	s15 =	simm.s32 $0x1C0;
	[dreg:$0xc] =	wrdreg s14  }
0xd: {  	s16 =	simm.s32 $0x40C0;
	[dreg:$0xd] =	wrdreg s15  }
0xe: {  	s17 =	simm.s32 $0x230;
	[dreg:$0xe] =	wrdreg s16  }
0xf: {  	s18 =	simm.s32 $0x4EC0;
	[dreg:$0xf] =	wrdreg s17  }
0x10: {  	s19 =	simm.s32 $0x2A0;
	[dreg:$0x10] =	wrdreg s18  }
0x11: {  	s20 =	simm.s32 $0x5CC0;
	[dreg:$0x11] =	wrdreg s19  }
0x12: {  	s21 =	simm.s32 $0x310;
	s22 =	simm.s32 $0x6AC0;
	[dreg:$0x12] =	wrdreg s20  }
0x13: {  	s25 =	simm.s32 $0x380;
	s9 =	smul.u32 $0x23000, s1;
	[dreg:$0x13] =	wrdreg s21  }
0x14: {  	s24 =	sshll.u32 s0, $0x6;
	s0 =	simm.s32 $0x78C0;
	[dreg:$0x14] =	wrdreg s22  }
0x15: {  	s23 =	sadd.s32 s8, s2;
	s9 =	sadd.s32 s8, s9;
	[dreg:$0x15] =	wrdreg s25  }
0x16: {  	s6 =	sadd.s32 s6, s4;
	s7 =	sadd.s32 s7, s4;
	[dreg:$0x16] =	wrdreg s0  }
0x17: {  	s9 =	sshrl.u32 s9, $0x3;
	s7 =	sadd.s32 $0x3E00, s7;
	s26 =	rddreg [dreg:$0x4]  }
0x18: {  	s4 =	sadd.s32 s9, s4;
	s9 =	sadd.s32 $0x6200, s6;
	[dreg:$0x5] =	wrdreg s7  }
0x19: {  	s5 =	simm.s32 $0x1;
	[dreg:$0x6] =	wrdreg s9;
	s4 =	sadd.s32 $0x4C200, s4  }
0x1a: {  	s6 =	sshrl.u32 s23, $0x3;
	[dreg:$0x7] =	wrdreg s4;
	s4 =	sor.u32 $0x1C01, s24  }
0x1b: {  	[spmem:s6], [sflag:s4] =	dma.local [hbm:s26], $0x460  }
0x1c: {  	_ =	swait.ge [sflag:s5], $0x460  }
0x1d: {  	[sflag:s5] =	ssyncset.done $0x0  }
0x1e: {  	s8 =	rddreg [dreg:$0x5];
	[sflag:s5] =	ssyncadd.s32 $0xFFFFFBA0  }
0x1f: {  	[tilespmem:s3], [sflag:$0x1] =	stream.linear.gather [hbm4b:s8+s3], $0x8C0, $0x38;
	[tilespmem:$0x143C0] =	vst v63  }
0x20: {  	_ =	swait.ge [sflag:s5], $0x8C0  }
0x21: {  	[sflag:s5] =	ssyncset.done $0x0  }
0x22: {  	s7 =	simm.s32 $0x8C0;
	s9 =	rddreg [dreg:$0x6];
	[sflag:s5] =	ssyncadd.s32 $0xFFFFF740  }
0x23: {  	[tilespmem:s7], [sflag:$0x1] =	stream.linear.gather [hbm4b:s9+s3], $0x11800, $0x38;
	[tilespmem:$0x143C0] =	vst v63  }
0x24: {  	_ =	swait.ge [sflag:s5], $0x11800  }
0x25: {  	[sflag:s5] =	ssyncset.done $0x0  }
0x26: {  	[sflag:s5] =	ssyncadd.s32 $0xFFFEE800  }
0x27: {  	s8 =	simm.s32 $0x70;
	[bflag:$0x0] =	sbarrier.arrive $0xFFFF  }
0x28: {  	[spmem:s2] =	stream.indirect.scatter.add.f32 [tilespmem:s7], [sflag:$0x1], $0x20, s3, s8, $0xb8;
	[tilespmem:$0x143C0] =	vst v63  }
0x29: {  	_ =	swait.ge [sflag:s5], $0xE00  }
0x2a: {  	[sflag:s5] =	ssyncset.done $0x0  }
0x2b: {  	s10 =	rddreg [dreg:$0x8];
	[sflag:s5] =	ssyncadd.s32 $0xFFFFF200  }
0x2c: {  	[spmem:s2] =	stream.indirect.scatter.add.f32 [tilespmem:s10], [sflag:$0x1], $0x20, s8, s8, $0xb8;
	[tilespmem:$0x143C0] =	vst v63  }
0x2d: {  	_ =	swait.ge [sflag:s5], $0xE00  }
0x2e: {  	s11 =	rddreg [dreg:$0x9];
	[sflag:s5] =	ssyncset.done $0x0  }
0x2f: {  	s12 =	rddreg [dreg:$0xa];
	[sflag:s5] =	ssyncadd.s32 $0xFFFFF200  }
0x30: {  	[spmem:s2] =	stream.indirect.scatter.add.f32 [tilespmem:s12], [sflag:$0x1], $0x20, s11, s8, $0xb8;
	[tilespmem:$0x143C0] =	vst v63  }
0x31: {  	_ =	swait.ge [sflag:s5], $0xE00  }
0x32: {  	s13 =	rddreg [dreg:$0xb];
	[sflag:s5] =	ssyncset.done $0x0  }
0x33: {  	s14 =	rddreg [dreg:$0xc];
	[sflag:s5] =	ssyncadd.s32 $0xFFFFF200  }
0x34: {  	[spmem:s2] =	stream.indirect.scatter.add.f32 [tilespmem:s14], [sflag:$0x1], $0x20, s13, s8, $0xb8;
	[tilespmem:$0x143C0] =	vst v63  }
0x35: {  	_ =	swait.ge [sflag:s5], $0xE00  }
0x36: {  	s15 =	rddreg [dreg:$0xd];
	[sflag:s5] =	ssyncset.done $0x0  }
0x37: {  	s16 =	rddreg [dreg:$0xe];
	[sflag:s5] =	ssyncadd.s32 $0xFFFFF200  }
0x38: {  	[spmem:s2] =	stream.indirect.scatter.add.f32 [tilespmem:s16], [sflag:$0x1], $0x20, s15, s8, $0xb8;
	[tilespmem:$0x143C0] =	vst v63  }
0x39: {  	_ =	swait.ge [sflag:s5], $0xE00  }
0x3a: {  	s17 =	rddreg [dreg:$0xf];
	[sflag:s5] =	ssyncset.done $0x0  }
0x3b: {  	s18 =	rddreg [dreg:$0x10];
	[sflag:s5] =	ssyncadd.s32 $0xFFFFF200  }
0x3c: {  	[spmem:s2] =	stream.indirect.scatter.add.f32 [tilespmem:s18], [sflag:$0x1], $0x20, s17, s8, $0xb8;
	[tilespmem:$0x143C0] =	vst v63  }
0x3d: {  	_ =	swait.ge [sflag:s5], $0xE00  }
0x3e: {  	s19 =	rddreg [dreg:$0x11];
	[sflag:s5] =	ssyncset.done $0x0  }
0x3f: {  	s20 =	rddreg [dreg:$0x12];
	[sflag:s5] =	ssyncadd.s32 $0xFFFFF200  }
0x40: {  	[spmem:s2] =	stream.indirect.scatter.add.f32 [tilespmem:s20], [sflag:$0x1], $0x20, s19, s8, $0xb8;
	[tilespmem:$0x143C0] =	vst v63  }
0x41: {  	_ =	swait.ge [sflag:s5], $0xE00  }
0x42: {  	s21 =	rddreg [dreg:$0x13];
	[sflag:s5] =	ssyncset.done $0x0  }
0x43: {  	s22 =	rddreg [dreg:$0x14];
	[sflag:s5] =	ssyncadd.s32 $0xFFFFF200  }
0x44: {  	[spmem:s2] =	stream.indirect.scatter.add.f32 [tilespmem:s22], [sflag:$0x1], $0x20, s21, s8, $0xb8;
	[tilespmem:$0x143C0] =	vst v63  }
0x45: {  	_ =	swait.ge [sflag:s5], $0xE00  }
0x46: {  	s23 =	rddreg [dreg:$0x15];
	[sflag:s5] =	ssyncset.done $0x0  }
0x47: {  	s24 =	rddreg [dreg:$0x16];
	[sflag:s5] =	ssyncadd.s32 $0xFFFFF200  }
0x48: {  	[spmem:s2] =	stream.indirect.scatter.add.f32 [tilespmem:s24], [sflag:$0x1], $0x20, s23, s8, $0xb8;
	[tilespmem:$0x143C0] =	vst v63  }
0x49: {  	_ =	swait.ge [sflag:s5], $0xE00  }
0x4a: {  	[sflag:s5] =	ssyncset.done $0x0  }
0x4b: {  	s25 =	simm.s32 $0x3F0;
	s26 =	simm.s32 $0x86C0;
	[sflag:s5] =	ssyncadd.s32 $0xFFFFF200  }
0x4c: {  	[spmem:s2] =	stream.indirect.scatter.add.f32 [tilespmem:s26], [sflag:$0x1], $0x20, s25, s8, $0xb8;
	[tilespmem:$0x143C0] =	vst v63  }
0x4d: {  	_ =	swait.ge [sflag:s5], $0xE00  }
0x4e: {  	[sflag:s5] =	ssyncset.done $0x0  }
0x4f: {  	s11 =	simm.s32 $0x460;
	s12 =	simm.s32 $0x94C0;
	[sflag:s5] =	ssyncadd.s32 $0xFFFFF200  }
0x50: {  	[spmem:s2] =	stream.indirect.scatter.add.f32 [tilespmem:s12], [sflag:$0x1], $0x20, s11, s8, $0xb8;
	[tilespmem:$0x143C0] =	vst v63  }
0x51: {  	_ =	swait.ge [sflag:s5], $0xE00  }
0x52: {  	[sflag:s5] =	ssyncset.done $0x0  }
0x53: {  	s13 =	simm.s32 $0x4D0;
	s14 =	simm.s32 $0xA2C0;
	[sflag:s5] =	ssyncadd.s32 $0xFFFFF200  }
0x54: {  	[spmem:s2] =	stream.indirect.scatter.add.f32 [tilespmem:s14], [sflag:$0x1], $0x20, s13, s8, $0xb8;
	[tilespmem:$0x143C0] =	vst v63  }
0x55: {  	_ =	swait.ge [sflag:s5], $0xE00  }
0x56: {  	[sflag:s5] =	ssyncset.done $0x0  }
0x57: {  	s15 =	simm.s32 $0x540;
	s16 =	simm.s32 $0xB0C0;
	[sflag:s5] =	ssyncadd.s32 $0xFFFFF200  }
0x58: {  	[spmem:s2] =	stream.indirect.scatter.add.f32 [tilespmem:s16], [sflag:$0x1], $0x20, s15, s8, $0xb8;
	[tilespmem:$0x143C0] =	vst v63  }
0x59: {  	_ =	swait.ge [sflag:s5], $0xE00  }
0x5a: {  	[sflag:s5] =	ssyncset.done $0x0  }
0x5b: {  	s17 =	simm.s32 $0x5B0;
	s18 =	simm.s32 $0xBEC0;
	[sflag:s5] =	ssyncadd.s32 $0xFFFFF200  }
0x5c: {  	[spmem:s2] =	stream.indirect.scatter.add.f32 [tilespmem:s18], [sflag:$0x1], $0x20, s17, s8, $0xb8;
	[tilespmem:$0x143C0] =	vst v63  }
0x5d: {  	_ =	swait.ge [sflag:s5], $0xE00  }
0x5e: {  	[sflag:s5] =	ssyncset.done $0x0  }
0x5f: {  	s19 =	simm.s32 $0x620;
	s20 =	simm.s32 $0xCCC0;
	[sflag:s5] =	ssyncadd.s32 $0xFFFFF200  }
0x60: {  	[spmem:s2] =	stream.indirect.scatter.add.f32 [tilespmem:s20], [sflag:$0x1], $0x20, s19, s8, $0xb8;
	[tilespmem:$0x143C0] =	vst v63  }
0x61: {  	_ =	swait.ge [sflag:s5], $0xE00  }
0x62: {  	[sflag:s5] =	ssyncset.done $0x0  }
0x63: {  	s21 =	simm.s32 $0x690;
	s22 =	simm.s32 $0xDAC0;
	[sflag:s5] =	ssyncadd.s32 $0xFFFFF200  }
0x64: {  	[spmem:s2] =	stream.indirect.scatter.add.f32 [tilespmem:s22], [sflag:$0x1], $0x20, s21, s8, $0xb8;
	[tilespmem:$0x143C0] =	vst v63  }
0x65: {  	_ =	swait.ge [sflag:s5], $0xE00  }
0x66: {  	[sflag:s5] =	ssyncset.done $0x0  }
0x67: {  	s23 =	simm.s32 $0x700;
	s24 =	simm.s32 $0xE8C0;
	[sflag:s5] =	ssyncadd.s32 $0xFFFFF200  }
0x68: {  	[spmem:s2] =	stream.indirect.scatter.add.f32 [tilespmem:s24], [sflag:$0x1], $0x20, s23, s8, $0xb8;
	[tilespmem:$0x143C0] =	vst v63  }
0x69: {  	_ =	swait.ge [sflag:s5], $0xE00  }
0x6a: {  	[sflag:s5] =	ssyncset.done $0x0  }
0x6b: {  	s25 =	simm.s32 $0x770;
	s26 =	simm.s32 $0xF6C0;
	[sflag:s5] =	ssyncadd.s32 $0xFFFFF200  }
0x6c: {  	[spmem:s2] =	stream.indirect.scatter.add.f32 [tilespmem:s26], [sflag:$0x1], $0x20, s25, s8, $0xb8;
	[tilespmem:$0x143C0] =	vst v63  }
0x6d: {  	s1 =	ssub.s32 $0x2, s1;
	_ =	swait.ge [sflag:s5], $0xE00  }
0x6e: {  	s28 =	simm.s32 $0x7E0;
	s30 =	sshrl.u32 s1, $0x1;
	[sflag:s5] =	ssyncset.done $0x0  }
0x6f: {  	s29 =	simm.s32 $0x104C0;
	s1 =	ssub.s32 s1, s30;
	[sflag:s5] =	ssyncadd.s32 $0xFFFFF200  }
0x70: {  	[spmem:s2] =	stream.indirect.scatter.add.f32 [tilespmem:s29], [sflag:$0x1], $0x20, s28, s8, $0xb8;
	[tilespmem:$0x143C0] =	vst v63  }
0x71: {  	s1 =	smax.u32 s1, $0x1;
	_ =	swait.ge [sflag:s5], $0xE00  }
0x72: {  	s31 =	simm.s32 $0x112C0;
	p0 =	sne.s32 s1, $0x1;
	[sflag:s5] =	ssyncset.done $0x0  }
.Ltmp0:
0x73: {  	s30 =	simm.s32 $0x850;
	[sflag:s5] =	ssyncadd.s32 $0xFFFFF200;
	(pc) =	sbr.rel @!p0 .LBB2_2-.Ltmp0, $4  }
0x74: {  	[spmem:s2] =	stream.indirect.scatter.add.f32 [tilespmem:s31], [sflag:$0x1], $0x20, s30, s8, $0xb8;
	[tilespmem:$0x143C0] =	vst v63  }
0x75: {  	_ =	swait.ge [sflag:s5], $0xE00  }
0x76: {  	[sflag:s5] =	ssyncset.done $0x0  }
0x77: {  	s1 =	sadd.s32 $0xFFFFFFFF, s1;
	s10 =	simm.s32 $0x86C0;
	[sflag:s5] =	ssyncadd.s32 $0xFFFFF200  }
.LBB2_1:
0x78: {  	[bflag:$0x0] =	sbarrier.arrive $0xFFFF  }
0x79: {  	s0 =	rddreg [dreg:$0x7]  }
0x7a: {  	[hbm:s0], [sflag:s4] =	dma.local [spmem:s6], $0x460  }
0x7b: {  	_ =	swait.ge [sflag:s5], $0x460  }
0x7c: {  	[sflag:s5] =	ssyncset.done $0x0  }
0x7d: {  	s9 =	rddreg [dreg:$0x4];
	[sflag:s5] =	ssyncadd.s32 $0xFFFFFBA0  }
0x7e: {  	[spmem:s6], [sflag:s4] =	dma.local [hbm:s9], $0x460  }
0x7f: {  	_ =	swait.ge [sflag:s5], $0x460  }
0x80: {  	[sflag:s5] =	ssyncset.done $0x0  }
0x81: {  	s9 =	rddreg [dreg:$0x5];
	[sflag:s5] =	ssyncadd.s32 $0xFFFFFBA0  }
0x82: {  	[tilespmem:s3], [sflag:$0x1] =	stream.linear.gather [hbm4b:s9+s3], $0x8C0, $0x38;
	[tilespmem:$0x143C0] =	vst v63  }
0x83: {  	_ =	swait.ge [sflag:s5], $0x8C0  }
0x84: {  	[sflag:s5] =	ssyncset.done $0x0  }
0x85: {  	s9 =	rddreg [dreg:$0x6];
	[sflag:s5] =	ssyncadd.s32 $0xFFFFF740  }
0x86: {  	[tilespmem:s7], [sflag:$0x1] =	stream.linear.gather [hbm4b:s9+s3], $0x11800, $0x38;
	[tilespmem:$0x143C0] =	vst v63  }
0x87: {  	_ =	swait.ge [sflag:s5], $0x11800  }
0x88: {  	[sflag:s5] =	ssyncset.done $0x0  }
0x89: {  	[sflag:s5] =	ssyncadd.s32 $0xFFFEE800  }
0x8a: {  	[bflag:$0x0] =	sbarrier.arrive $0xFFFF  }
0x8b: {  	[spmem:s2] =	stream.indirect.scatter.add.f32 [tilespmem:s7], [sflag:$0x1], $0x20, s3, s8, $0xb8;
	[tilespmem:$0x143C0] =	vst v63  }
0x8c: {  	_ =	swait.ge [sflag:s5], $0xE00  }
0x8d: {  	[sflag:s5] =	ssyncset.done $0x0  }
0x8e: {  	s9 =	rddreg [dreg:$0x8];
	[sflag:s5] =	ssyncadd.s32 $0xFFFFF200  }
0x8f: {  	[spmem:s2] =	stream.indirect.scatter.add.f32 [tilespmem:s9], [sflag:$0x1], $0x20, s8, s8, $0xb8;
	[tilespmem:$0x143C0] =	vst v63  }
0x90: {  	_ =	swait.ge [sflag:s5], $0xE00  }
0x91: {  	s0 =	rddreg [dreg:$0x9];
	[sflag:s5] =	ssyncset.done $0x0  }
0x92: {  	s9 =	rddreg [dreg:$0xa];
	[sflag:s5] =	ssyncadd.s32 $0xFFFFF200  }
0x93: {  	[spmem:s2] =	stream.indirect.scatter.add.f32 [tilespmem:s9], [sflag:$0x1], $0x20, s0, s8, $0xb8;
	[tilespmem:$0x143C0] =	vst v63  }
0x94: {  	_ =	swait.ge [sflag:s5], $0xE00  }
0x95: {  	[sflag:s5] =	ssyncset.done $0x0;
	s0 =	rddreg [dreg:$0xb]  }
0x96: {  	s9 =	rddreg [dreg:$0xc];
	[sflag:s5] =	ssyncadd.s32 $0xFFFFF200  }
0x97: {  	[spmem:s2] =	stream.indirect.scatter.add.f32 [tilespmem:s9], [sflag:$0x1], $0x20, s0, s8, $0xb8;
	[tilespmem:$0x143C0] =	vst v63  }
0x98: {  	_ =	swait.ge [sflag:s5], $0xE00  }
0x99: {  	[sflag:s5] =	ssyncset.done $0x0;
	s0 =	rddreg [dreg:$0xd]  }
0x9a: {  	s9 =	rddreg [dreg:$0xe];
	[sflag:s5] =	ssyncadd.s32 $0xFFFFF200  }
0x9b: {  	[spmem:s2] =	stream.indirect.scatter.add.f32 [tilespmem:s9], [sflag:$0x1], $0x20, s0, s8, $0xb8;
	[tilespmem:$0x143C0] =	vst v63  }
0x9c: {  	_ =	swait.ge [sflag:s5], $0xE00  }
0x9d: {  	[sflag:s5] =	ssyncset.done $0x0;
	s0 =	rddreg [dreg:$0xf]  }
0x9e: {  	s9 =	rddreg [dreg:$0x10];
	[sflag:s5] =	ssyncadd.s32 $0xFFFFF200  }
0x9f: {  	[spmem:s2] =	stream.indirect.scatter.add.f32 [tilespmem:s9], [sflag:$0x1], $0x20, s0, s8, $0xb8;
	[tilespmem:$0x143C0] =	vst v63  }
0xa0: {  	_ =	swait.ge [sflag:s5], $0xE00  }
0xa1: {  	[sflag:s5] =	ssyncset.done $0x0;
	s0 =	rddreg [dreg:$0x11]  }
0xa2: {  	s9 =	rddreg [dreg:$0x12];
	[sflag:s5] =	ssyncadd.s32 $0xFFFFF200  }
0xa3: {  	[spmem:s2] =	stream.indirect.scatter.add.f32 [tilespmem:s9], [sflag:$0x1], $0x20, s0, s8, $0xb8;
	[tilespmem:$0x143C0] =	vst v63  }
0xa4: {  	_ =	swait.ge [sflag:s5], $0xE00  }
0xa5: {  	[sflag:s5] =	ssyncset.done $0x0;
	s0 =	rddreg [dreg:$0x13]  }
0xa6: {  	s9 =	rddreg [dreg:$0x14];
	[sflag:s5] =	ssyncadd.s32 $0xFFFFF200  }
0xa7: {  	[spmem:s2] =	stream.indirect.scatter.add.f32 [tilespmem:s9], [sflag:$0x1], $0x20, s0, s8, $0xb8;
	[tilespmem:$0x143C0] =	vst v63  }
0xa8: {  	_ =	swait.ge [sflag:s5], $0xE00  }
0xa9: {  	[sflag:s5] =	ssyncset.done $0x0;
	s0 =	rddreg [dreg:$0x15]  }
0xaa: {  	s9 =	rddreg [dreg:$0x16];
	[sflag:s5] =	ssyncadd.s32 $0xFFFFF200  }
0xab: {  	[spmem:s2] =	stream.indirect.scatter.add.f32 [tilespmem:s9], [sflag:$0x1], $0x20, s0, s8, $0xb8;
	[tilespmem:$0x143C0] =	vst v63  }
0xac: {  	_ =	swait.ge [sflag:s5], $0xE00  }
0xad: {  	[sflag:s5] =	ssyncset.done $0x0  }
0xae: {  	s9 =	simm.s32 $0x3F0;
	[sflag:s5] =	ssyncadd.s32 $0xFFFFF200  }
0xaf: {  	[spmem:s2] =	stream.indirect.scatter.add.f32 [tilespmem:s10], [sflag:$0x1], $0x20, s9, s8, $0xb8;
	[tilespmem:$0x143C0] =	vst v63  }
0xb0: {  	_ =	swait.ge [sflag:s5], $0xE00  }
0xb1: {  	[sflag:s5] =	ssyncset.done $0x0  }
0xb2: {  	[sflag:s5] =	ssyncadd.s32 $0xFFFFF200  }
0xb3: {  	[spmem:s2] =	stream.indirect.scatter.add.f32 [tilespmem:s12], [sflag:$0x1], $0x20, s11, s8, $0xb8;
	[tilespmem:$0x143C0] =	vst v63  }
0xb4: {  	_ =	swait.ge [sflag:s5], $0xE00  }
0xb5: {  	[sflag:s5] =	ssyncset.done $0x0  }
0xb6: {  	[sflag:s5] =	ssyncadd.s32 $0xFFFFF200  }
0xb7: {  	[spmem:s2] =	stream.indirect.scatter.add.f32 [tilespmem:s14], [sflag:$0x1], $0x20, s13, s8, $0xb8;
	[tilespmem:$0x143C0] =	vst v63  }
0xb8: {  	_ =	swait.ge [sflag:s5], $0xE00  }
0xb9: {  	[sflag:s5] =	ssyncset.done $0x0  }
0xba: {  	[sflag:s5] =	ssyncadd.s32 $0xFFFFF200  }
0xbb: {  	[spmem:s2] =	stream.indirect.scatter.add.f32 [tilespmem:s16], [sflag:$0x1], $0x20, s15, s8, $0xb8;
	[tilespmem:$0x143C0] =	vst v63  }
0xbc: {  	_ =	swait.ge [sflag:s5], $0xE00  }
0xbd: {  	[sflag:s5] =	ssyncset.done $0x0  }
0xbe: {  	[sflag:s5] =	ssyncadd.s32 $0xFFFFF200  }
0xbf: {  	[spmem:s2] =	stream.indirect.scatter.add.f32 [tilespmem:s18], [sflag:$0x1], $0x20, s17, s8, $0xb8;
	[tilespmem:$0x143C0] =	vst v63  }
0xc0: {  	_ =	swait.ge [sflag:s5], $0xE00  }
0xc1: {  	[sflag:s5] =	ssyncset.done $0x0  }
0xc2: {  	[sflag:s5] =	ssyncadd.s32 $0xFFFFF200  }
0xc3: {  	[spmem:s2] =	stream.indirect.scatter.add.f32 [tilespmem:s20], [sflag:$0x1], $0x20, s19, s8, $0xb8;
	[tilespmem:$0x143C0] =	vst v63  }
0xc4: {  	_ =	swait.ge [sflag:s5], $0xE00  }
0xc5: {  	[sflag:s5] =	ssyncset.done $0x0  }
0xc6: {  	[sflag:s5] =	ssyncadd.s32 $0xFFFFF200  }
0xc7: {  	[spmem:s2] =	stream.indirect.scatter.add.f32 [tilespmem:s22], [sflag:$0x1], $0x20, s21, s8, $0xb8;
	[tilespmem:$0x143C0] =	vst v63  }
0xc8: {  	_ =	swait.ge [sflag:s5], $0xE00  }
0xc9: {  	[sflag:s5] =	ssyncset.done $0x0  }
0xca: {  	[sflag:s5] =	ssyncadd.s32 $0xFFFFF200  }
0xcb: {  	[spmem:s2] =	stream.indirect.scatter.add.f32 [tilespmem:s24], [sflag:$0x1], $0x20, s23, s8, $0xb8;
	[tilespmem:$0x143C0] =	vst v63  }
0xcc: {  	_ =	swait.ge [sflag:s5], $0xE00  }
0xcd: {  	[sflag:s5] =	ssyncset.done $0x0  }
0xce: {  	[sflag:s5] =	ssyncadd.s32 $0xFFFFF200  }
0xcf: {  	[spmem:s2] =	stream.indirect.scatter.add.f32 [tilespmem:s26], [sflag:$0x1], $0x20, s25, s8, $0xb8;
	[tilespmem:$0x143C0] =	vst v63  }
0xd0: {  	_ =	swait.ge [sflag:s5], $0xE00  }
0xd1: {  	[sflag:s5] =	ssyncset.done $0x0  }
0xd2: {  	[sflag:s5] =	ssyncadd.s32 $0xFFFFF200  }
0xd3: {  	[spmem:s2] =	stream.indirect.scatter.add.f32 [tilespmem:s29], [sflag:$0x1], $0x20, s28, s8, $0xb8;
	[tilespmem:$0x143C0] =	vst v63  }
0xd4: {  	_ =	swait.ge [sflag:s5], $0xE00  }
0xd5: {  	p0 =	sne.s32 s1, $0x1;
	[sflag:s5] =	ssyncset.done $0x0  }
.Ltmp1:
0xd6: {  	[sflag:s5] =	ssyncadd.s32 $0xFFFFF200;
	(pc) =	sbr.rel @p0 .LBB2_1-.Ltmp1, $4  }
0xd7: {  	[spmem:s2] =	stream.indirect.scatter.add.f32 [tilespmem:s31], [sflag:$0x1], $0x20, s30, s8, $0xb8;
	[tilespmem:$0x143C0] =	vst v63  }
0xd8: {  	_ =	swait.ge [sflag:s5], $0xE00  }
0xd9: {  	[sflag:s5] =	ssyncset.done $0x0  }
0xda: {  	s1 =	sadd.s32 $0xFFFFFFFF, s1;
	[sflag:s5] =	ssyncadd.s32 $0xFFFFF200  }
.LBB2_2:
0xdb: {  	[bflag:$0x0] =	sbarrier.arrive $0xFFFF  }
0xdc: {  	s0 =	rddreg [dreg:$0x7]  }
0xdd: {  	[hbm:s0], [sflag:s4] =	dma.local [spmem:s6], $0x460  }
0xde: {  	_ =	swait.ge [sflag:s5], $0x460  }
0xdf: {  	[sflag:s5] =	ssyncset.done $0x0  }
0xe0: {  	[sflag:s5] =	ssyncadd.s32 $0xFFFFFBA0  }
0xe1: {  	_ =	sfence.sel $0x180000  }
0xe2: {  	[bflag:$0x0] =	sbarrier.arrive $0xFFFF  }
0xe3: {  	_ =	strace $0x9000004A  }
0xe4: {  	s31 =	stileid.u32;
	[bflag:$0x2] =	sbarrier.arrive $0xFFFF  }
0xe5: {  	p0 =	sne.s32 s31, $0x0;
	s0 =	rddreg [dreg:$0x3]  }
0xe6: {  	s0 =	sadd.s32 @!p0 $0x100000, s0  }
0xe7: {  	[sflag:s0] =	ssyncadd.tile.s32 @!p0 $0x1;
	_ =	shalt  }
.Lfunc_end2:
_tile_overlayer_lowered:
.L_overlay_start_2:
0xe8: {  	(tag) =	ssettag $0x2  }
0xe9: {  	s0 =	rddreg [dreg:$0x0];
	s2 =	stileid.u32  }
0xea: {  	s1 =	rddreg [dreg:$0x1];
	p0 =	sne.s32 s2, $0x0  }
0xeb: {  	s3 =	rddreg [dreg:$0x2];
	[bflag:$0x3] =	sbarrier.arrive $0xFFFF;
	s2 =	simm.s32 @!p0 $0x1C01  }
0xec: {  	[timem:s3], [sflag:s2] =	dma.local @!p0 [hbm:s0], s1  }
0xed: {  	s0 =	simm.s32 @!p0 $0x1  }
0xee: {  	_ =	swait.ge @!p0 [sflag:s0], s1  }
0xef: {  	s1 =	ssub.s32 @!p0 $0x0, s1;
	[sflag:s0] =	ssyncset.done @!p0 $0x0  }
0xf0: {  	[sflag:s0] =	ssyncadd.s32 @!p0 s1  }
0xf1: {  	[bflag:$0x3] =	sbarrier.arrive $0xFFFF  }
0xf2: {  	_ =	shalt  }

// kernel: kernel.7.cloned.1.call-start
scs
__scs_entry_jumppad:
0x0: {  	(pc) =	sbr.rel $0x88, $3  }
0x1: {  	(tag) =	ssettag $0x0;
	lr =	simm.s32 $0x1  }
0x2: {  	[smem:$0x3F9C] =	sst lr;
	_ =	strace $0xD0000000  }
0x3: {  	_ = 	snop  }
0x4: {  	_ = 	snop  }
0x5: {  	_ = 	snop  }
0x6: {  	_ = 	snop  }
0x7: {  	_ = 	snop  }
__scs_overlays_trampoline_lowered:
0x8: {  	[smem:$0x3FAB] =	sst s0  }
0x9: {  	[smem:$0x3FAC] =	sst s1  }
0xa: {  	[smem:$0x3FAD] =	sst s2  }
0xb: {  	[smem:$0x3FAE] =	sst s3  }
0xc: {  	[smem:$0x3FAF] =	sst s4  }
0xd: {  	[smem:$0x3FB0] =	sst s5  }
0xe: {  	[smem:$0x3FB1] =	sst s6  }
0xf: {  	[smem:$0x3FB2] =	sst s7  }
0x10: {  	[smem:$0x3FB3] =	sst s8  }
0x11: {  	[smem:$0x3FB4] =	sst s9;
	s0 =	simm.s32 @!p0 $0x0  }
0x12: {  	s1 =	sld [smem:$0x3F9A];
	s0 =	simm.s32 @p0 $0x1  }
0x13: {  	[smem:$0x3FB5] =	sst s0;
	s0 =	simm.s32 @!p1 $0x0  }
0x14: {  	s2 =	sld [smem:$0x3F99];
	s0 =	simm.s32 @p1 $0x1  }
0x15: {  	[smem:$0x3FB6] =	sst s0;
	s0 =	simm.s32 @!p2 $0x0  }
0x16: {  	s3 =	sld [smem:$0x3FDB];
	s0 =	simm.s32 @p2 $0x1  }
0x17: {  	s4 =	simm.s32 $0x1BF5;
	[smem:$0x3FB8] =	sst s0  }
0x18: {  	s0 =	sld [smem:$0x3F9B];
	_ =	swait.ge [sflag:s4], $0x0  }
0x19: {  	s7 =	sld [smem:$0x3F9C]  }
0x1a: {  	s8 =	sadd.s32 $0xFFFFE003, lr  }
0x1b: {  	s9 =	sadd.s32 $0xFFFFFEF7, lr;
	s5 =	simm.s32 $0xFFFFFFFF;
	p2 =	slt.u32 s8, $0xFFFFF086  }
0x1c: {  	p1 =	slt.u32 s9, $0xF7A;
	s5 =	simm.s32 @!p2 $0x0  }
0x1d: {  	s5 =	simm.s32 @p1 $0x1;
	p0 =	seq.s32 s7, s2  }
0x1e: {  	s7 =	smul.u32 @!p0 $0xF7A, s2;
	p2 =	seq.s32 @!p0 s5, $0x0  }
0x1f: {  	s9 =	smul.u32 $0xF7A, s1;
	s8 =	simm.s32 @!p0 $0x1BF5;
	p2 =	por !p2, p0  }
0x20: {  	[sflag:s8] =	ssyncset.s32 @!p0 $0xFFFFF086;
	s6 =	sadd.s32 @!p0 s3, s7;
	s7 =	simm.s32 @!p0 $0x108  }
0x21: {  	s3 =	sadd.s32 s3, s9;
	s6 =	sadd.s32 @!p0 $0x88, s6;
	s7 =	simm.s32 @p2 $0x1082  }
0x22: {  	[simem:s7], [sflag:s8] =	dma.local @!p0 [hbm:s6], $0xF7A  }
0x23: {  	s9 =	sor.u32 $0xD0000000, s2;
	s6 =	simm.s32 $0x108;
	_ =	swait.ge @!p0 [sflag:s8], $0x0  }
0x24: {  	s3 =	sadd.s32 $0x88, s3;
	s6 =	simm.s32 @!p1 $0x1082;
	[sflag:s4] =	ssyncset.s32 $0xFFFFF086  }
0x25: {  	[simem:s6], [sflag:s4] =	dma.local [hbm:s3], $0xF7A  }
0x26: {  	[smem:$0x3F9C] =	sst s1;
	(tag) =	ssettag s2;
	_ =	strace s9  }
0x27: {  	s1 =	sld [smem:$0x3FAC]  }
0x28: {  	s2 =	sld [smem:$0x3FAD]  }
0x29: {  	s4 =	sld [smem:$0x3FAF]  }
0x2a: {  	p0 =	seq.s32 s5, $0x0;
	s5 =	sld [smem:$0x3FB0]  }
0x2b: {  	s6 =	sld [smem:$0x3FB1]  }
0x2c: {  	s7 =	sld [smem:$0x3FB2]  }
0x2d: {  	s3 =	simm.s32 $0x108;
	s8 =	sld [smem:$0x3FB3]  }
0x2e: {  	s3 =	simm.s32 @!p0 $0x1082;
	s9 =	sld [smem:$0x3FB4]  }
0x2f: {  	lr =	sadd.s32 s0, s3;
	s0 =	sld [smem:$0x3FAB]  }
0x30: {  	s3 =	sld [smem:$0x3FAE]  }
0x31: {  	[smem:$0x3FB7] =	sst s10  }
0x32: {  	s10 =	sld [smem:$0x3FB5];
	_ =	sdelay $0x3  }
0x33: {  	p0 =	seq.s32 s10, $0x1;
	s10 =	sld [smem:$0x3FB7];
	_ =	sdelay $0x3  }
0x34: {  	[smem:$0x3FB7] =	sst s10  }
0x35: {  	s10 =	sld [smem:$0x3FB6];
	_ =	sdelay $0x3  }
0x36: {  	p1 =	seq.s32 s10, $0x1;
	s10 =	sld [smem:$0x3FB7];
	_ =	sdelay $0x3  }
0x37: {  	[smem:$0x3FB7] =	sst s10  }
0x38: {  	s10 =	sld [smem:$0x3FB8]  }
0x39: {  	_ = 	snop;
	(pc) =	sbr.ind lr, $3  }
0x3a: {  	_ = 	snop  }
0x3b: {  	_ = 	snop  }
0x3c: {  	p2 =	seq.s32 s10, $0x1;
	s10 =	sld [smem:$0x3FB7]  }
0x3d: {  	_ =	shalt  }
0x3e: {  	_ =	shalt  }
0x3f: {  	_ =	shalt  }
0x40: {  	_ =	shalt  }
0x41: {  	_ =	shalt  }
0x42: {  	_ =	shalt  }
0x43: {  	_ =	shalt  }
0x44: {  	_ =	shalt  }
0x45: {  	_ =	shalt  }
0x46: {  	_ =	shalt  }
0x47: {  	_ =	shalt  }
0x48: {  	_ =	shalt  }
0x49: {  	_ =	shalt  }
0x4a: {  	_ =	shalt  }
0x4b: {  	_ =	shalt  }
0x4c: {  	_ =	shalt  }
0x4d: {  	_ =	shalt  }
0x4e: {  	_ =	shalt  }
0x4f: {  	_ =	shalt  }
0x50: {  	_ =	shalt  }
0x51: {  	_ =	shalt  }
0x52: {  	_ =	shalt  }
0x53: {  	_ =	shalt  }
0x54: {  	_ =	shalt  }
0x55: {  	_ =	shalt  }
0x56: {  	_ =	shalt  }
0x57: {  	_ =	shalt  }
0x58: {  	_ =	shalt  }
0x59: {  	_ =	shalt  }
0x5a: {  	_ =	shalt  }
0x5b: {  	_ =	shalt  }
0x5c: {  	_ =	shalt  }
0x5d: {  	_ =	shalt  }
0x5e: {  	_ =	shalt  }
0x5f: {  	_ =	shalt  }
0x60: {  	_ =	shalt  }
0x61: {  	_ =	shalt  }
0x62: {  	_ =	shalt  }
0x63: {  	_ =	shalt  }
0x64: {  	_ =	shalt  }
0x65: {  	_ =	shalt  }
0x66: {  	_ =	shalt  }
0x67: {  	_ =	shalt  }
0x68: {  	_ =	shalt  }
0x69: {  	_ =	shalt  }
0x6a: {  	_ =	shalt  }
0x6b: {  	_ =	shalt  }
0x6c: {  	_ =	shalt  }
0x6d: {  	_ =	shalt  }
0x6e: {  	_ =	shalt  }
0x6f: {  	_ =	shalt  }
0x70: {  	_ =	shalt  }
0x71: {  	_ =	shalt  }
0x72: {  	_ =	shalt  }
0x73: {  	_ =	shalt  }
0x74: {  	_ =	shalt  }
0x75: {  	_ =	shalt  }
0x76: {  	_ =	shalt  }
0x77: {  	_ =	shalt  }
0x78: {  	_ =	shalt  }
0x79: {  	_ =	shalt  }
0x7a: {  	_ =	shalt  }
0x7b: {  	_ =	shalt  }
0x7c: {  	_ =	shalt  }
0x7d: {  	_ =	shalt  }
0x7e: {  	_ =	shalt  }
0x7f: {  	_ =	shalt  }
0x80: {  	_ =	shalt  }
0x81: {  	_ =	shalt  }
0x82: {  	_ =	shalt  }
0x83: {  	_ =	shalt  }
0x84: {  	_ =	shalt  }
0x85: {  	_ =	shalt  }
0x86: {  	_ =	shalt  }
0x87: {  	_ =	shalt  }
.Lfunc_end0:
.L_simem_size_0:
called_computation_lowered:
.L_overlay_start_0:
0x88: {  	s2 =	sld [smem:$0x3FD9]  }
0x89: {  	s3 =	sld [smem:$0x3FFE];
	_ =	sdelay $0x1  }
0x8a: {  	s1 =	srdreg.scid  }
0x8b: {  	s0 =	sand.u32 $0x1, s1  }
0x8c: {  	s17 =	sshll.u32 s0, $0xA;
	s2 =	sadd.s32 s3, s2  }
0x8d: {  	s2 =	sadd.s32 s2, s17  }
0x8e: {  	[smem:$0x3FC3] =	sst s2  }
0x8f: {  	_ = 	snop  }
0x90: {  	s2 =	sld [smem:$0x3FD0];
	(tm) =	ssettm $0x1  }
0x91: {  	s18 =	sld [smem:$0x3FFB];
	_ =	sdelay $0x3  }
0x92: {  	_ =	strace s18  }
0x93: {  	s3 =	sld [smem:$0x3FFC];
	_ =	sdelay $0x3  }
0x94: {  	_ =	strace s3  }
0x95: {  	s3 =	sld [smem:$0x3FFD];
	_ =	sdelay $0x3  }
0x96: {  	_ =	strace s3  }
0x97: {  	_ =	strace $0x8FFFFFFF  }
0x98: {  	s19 =	sld [smem:$0x3FDB];
	_ =	sdelay $0x1  }
0x99: {  	s4 =	simm.s32 $_scs_section_size  }
0x9a: {  	s5 =	simm.s32 $_size__tile_overlayer_lowered;
	s6 =	simm.s32 $_tile_overlayer_lowered  }
0x9b: {  	s22 =	simm.s32 $0x1BFF;
	s21 =	sshll.u32 s6, $0x1;
	s3 =	sadd.s32 s4, s19  }
0x9c: {  	s7 =	simm.s32 $0x0;
	s20 =	sshll.u32 s5, $0x1;
	s5 =	sadd.s32 s21, s3  }
0x9d: {  	[timem:s7], [sflag:s22] =	dma.local [hbm:s5], s20  }
0x9e: {  	_ =	swait.ge [sflag:s22], s20  }
0x9f: {  	s4 =	ssub.s32 $0x0, s20;
	[sflag:s22] =	ssyncset.done $0x0  }
0xa0: {  	[sflag:s22] =	ssyncadd.s32 s4;
	_ =	sdelay $0x1  }
0xa1: {  	s23 =	simm.s32 $0x1B8B  }
0xa2: {  	_ =	swait.ge [sflag:s23], $0x1  }
0xa3: {  	[sflag:s23] =	ssyncset.done $0x0  }
0xa4: {  	s25 =	simm.s32 $0x1B8E;
	s24 =	sld [smem:$0x3FFE];
	[sflag:s23] =	ssyncadd.s32 $0xFFFFFFFF  }
0xa5: {  	s26 =	simm.s32 $execute0_lowered;
	[smem:$0x3FD2] =	sst s25  }
0xa6: {  	s5 =	sshll.u32 s26, $0x1;
	_ =	strace $0x80000046;
	[dreg:$0x1] =	wrdreg $0xFFFFFFFF  }
0xa7: {  	s28 =	simm.s32 $_size_execute0_lowered;
	s3 =	sadd.s32 s3, s5;
	[dreg:$0x0] =	wrdreg $0x0  }
0xa8: {  	s5 =	sshll.u32 s28, $0x1;
	[dreg:$0x2] =	wrdreg s3  }
0xa9: {  	[dreg:$0x3] =	wrdreg s5  }
0xaa: {  	[dreg:$0x4] =	wrdreg $0xC0  }
0xab: {  	_ =	task [dreg:s7], $0x5FFFF  }
0xac: {  	[dreg:$0x1] =	wrdreg $0xFFFFFFFF  }
0xad: {  	[dreg:$0x0] =	wrdreg $0x60  }
0xae: {  	[dreg:$0x2] =	wrdreg s2  }
0xaf: {  	[dreg:$0x3] =	wrdreg s24  }
0xb0: {  	[dreg:$0x4] =	wrdreg $0x9  }
0xb1: {  	_ =	task.clear_ibuf [dreg:s7], $0x5FFFF;
	_ =	strace $0x90000046  }
0xb2: {  	s29 =	simm.s32 $0x9;
	_ =	strace $0x80000048  }
0xb3: {  	_ =	swait.ge [sflag:s29], $0x1  }
0xb4: {  	[sflag:s29] =	ssyncadd.s32 $0xFFFFFFFF  }
0xb5: {  	_ =	strace $0x90000048  }
0xb6: {  	_ =	sfence  }
0xb7: {  	s30 =	sld [smem:$0x0];
	_ =	sdelay $0x2  }
0xb8: {  	s31 =	sshll.u32 s1, $0xD;
	s1 =	sshrl.u32 s1, $0x2  }
0xb9: {  	s3 =	sand.u32 $0x4000, s31;
	s1 =	sadd.s32 s1, s30  }
0xba: {  	s0 =	sor.u32 s3, s0;
	s1 =	sshll.u32 s1, $0x11  }
0xbb: {  	s0 =	sor.u32 s1, s0  }
0xbc: {  	s0 =	sadd.s32 $0x8F2B, s0  }
0xbd: {  	[sflag:s0] =	ssyncadd.remote.s32 $0x1  }
0xbe: {  	_ =	sfence.sel $0xFFFF  }
0xbf: {  	[dreg:$0x0] =	wrdreg $0xFFFFFFFF;
	(pc) =	sbr.abs _section_cstart, $3  }
0xc0: {  	[dreg:$0x1] =	wrdreg $0xFFFFFFFF  }
0xc1: {  	_ =	task.clear_ibuf [dreg:s7], $0x2FFFF;
	_ =	strace $0x9FFFFFFF  }
0xc2: {  	(tm) =	ssettm $0x7FFFFFFF  }
0xc3: {  	_ =	shalt  }
tec
execute0_lowered:
.L_overlay_start_1:
0x0: {  	(tag) =	ssettag $0x1  }
0x1: {  	s1 =	srdreg.scid;
	s0 =	stileid.u32  }
0x2: {  	s2 =	rddreg [dreg:$0x0];
	s1 =	sand.u32 $0x1, s1;
	s3 =	sshll.u32 s0, $0x1  }
0x3: {  	s5 =	rddreg [dreg:$0x1];
	s4 =	sor.u32 s1, s3;
	s3 =	simm.s32 $0x0  }
0x4: {  	s7 =	simm.s32 $0xE0;
	[smem:$0x7FF] =	sst s3  }
0x5: {  	s8 =	simm.s32 $0x24C0;
	_ =	strace $0x80000047;
	[dreg:$0x6] =	wrdreg s7  }
0x6: {  	s9 =	simm.s32 $0x150;
	[dreg:$0x7] =	wrdreg s8  }
0x7: {  	s10 =	simm.s32 $0x32C0;
	[dreg:$0x8] =	wrdreg s9  }
0x8: {  	s11 =	simm.s32 $0x1C0;
	[dreg:$0x9] =	wrdreg s10  }
0x9: {  	s12 =	simm.s32 $0x40C0;
	[dreg:$0xa] =	wrdreg s11  }
0xa: {  	s13 =	simm.s32 $0x230;
	[dreg:$0xb] =	wrdreg s12  }
0xb: {  	s14 =	simm.s32 $0x4EC0;
	[dreg:$0xc] =	wrdreg s13  }
0xc: {  	s15 =	simm.s32 $0x2A0;
	[dreg:$0xd] =	wrdreg s14  }
0xd: {  	s16 =	simm.s32 $0x5CC0;
	[dreg:$0xe] =	wrdreg s15  }
0xe: {  	s17 =	simm.s32 $0x310;
	s6 =	smul.u32 $0x118, s4;
	[dreg:$0xf] =	wrdreg s16  }
0xf: {  	s18 =	simm.s32 $0x6AC0;
	s4 =	smul.u32 $0x2300, s4;
	[dreg:$0x10] =	wrdreg s17  }
0x10: {  	s19 =	simm.s32 $0x380;
	[dreg:$0x11] =	wrdreg s18;
	s6 =	sadd.s32 s6, s5  }
0x11: {  	[dreg:$0x12] =	wrdreg s19;
	s4 =	sadd.s32 s4, s5;
	s0 =	sadd.s32 $0x1A00, s6  }
0x12: {  	s4 =	sadd.s32 $0x6200, s4;
	[dreg:$0x3] =	wrdreg s0  }
0x13: {  	s6 =	simm.s32 $0x16C0;
	[dreg:$0x4] =	wrdreg s4  }
0x14: {  	[dreg:$0x5] =	wrdreg s6  }
0x15: {  	s4 =	simm.s32 $0x2;
	s5 =	rddreg [dreg:$0x3]  }
0x16: {  	[tilespmem:s3], [sflag:$0x2] =	stream.linear.gather [hbm4b:s5+s3], $0x8C0, $0x38;
	[tilespmem:$0x120C0] =	vst v63  }
0x17: {  	_ =	swait.ge [sflag:s4], $0x8C0  }
0x18: {  	s7 =	rddreg [dreg:$0x11]  }
0x19: {  	s8 =	rddreg [dreg:$0xf]  }
0x1a: {  	s9 =	rddreg [dreg:$0xd]  }
0x1b: {  	s10 =	rddreg [dreg:$0xb]  }
0x1c: {  	s6 =	simm.s32 $0x70;
	s11 =	rddreg [dreg:$0x6];
	[sflag:s4] =	ssyncset.done $0x0  }
0x1d: {  	s5 =	simm.s32 $0x8C0;
	s12 =	rddreg [dreg:$0x5];
	[sflag:s4] =	ssyncadd.s32 $0xFFFFF740  }
0x1e: {  	[tilespmem:s5], [sflag:$0x1] =	stream.indirect.gather [hbm4b:s2+s6], $0x20, s3, s6, $0xb8;
	[tilespmem:$0x120C0] =	vst v63  }
0x1f: {  	s13 =	rddreg [dreg:$0x7]  }
0x20: {  	[tilespmem:s12], [sflag:$0x1] =	stream.indirect.gather [hbm4b:s2+s6], $0x20, s6, s6, $0xb8;
	[tilespmem:$0x120C0] =	vst v63  }
0x21: {  	s14 =	rddreg [dreg:$0x9]  }
0x22: {  	[tilespmem:s13], [sflag:$0x1] =	stream.indirect.gather [hbm4b:s2+s6], $0x20, s11, s6, $0xb8;
	[tilespmem:$0x120C0] =	vst v63  }
0x23: {  	s20 =	rddreg [dreg:$0x8]  }
0x24: {  	[tilespmem:s14], [sflag:$0x1] =	stream.indirect.gather [hbm4b:s2+s6], $0x20, s20, s6, $0xb8;
	[tilespmem:$0x120C0] =	vst v63  }
0x25: {  	s21 =	rddreg [dreg:$0xa]  }
0x26: {  	[tilespmem:s10], [sflag:$0x1] =	stream.indirect.gather [hbm4b:s2+s6], $0x20, s21, s6, $0xb8;
	[tilespmem:$0x120C0] =	vst v63  }
0x27: {  	s22 =	rddreg [dreg:$0xc]  }
0x28: {  	[tilespmem:s9], [sflag:$0x1] =	stream.indirect.gather [hbm4b:s2+s6], $0x20, s22, s6, $0xb8;
	[tilespmem:$0x120C0] =	vst v63  }
0x29: {  	s23 =	rddreg [dreg:$0xe]  }
0x2a: {  	[tilespmem:s8], [sflag:$0x1] =	stream.indirect.gather [hbm4b:s2+s6], $0x20, s23, s6, $0xb8;
	[tilespmem:$0x120C0] =	vst v63  }
0x2b: {  	s24 =	rddreg [dreg:$0x10]  }
0x2c: {  	[tilespmem:s7], [sflag:$0x1] =	stream.indirect.gather [hbm4b:s2+s6], $0x20, s24, s6, $0xb8;
	[tilespmem:$0x120C0] =	vst v63  }
0x2d: {  	s26 =	simm.s32 $0x78C0;
	s25 =	rddreg [dreg:$0x12]  }
0x2e: {  	[tilespmem:s26], [sflag:$0x1] =	stream.indirect.gather [hbm4b:s2+s6], $0x20, s25, s6, $0xb8;
	[tilespmem:$0x120C0] =	vst v63  }
0x2f: {  	s8 =	simm.s32 $0x86C0;
	s7 =	simm.s32 $0x3F0  }
0x30: {  	[tilespmem:s8], [sflag:$0x1] =	stream.indirect.gather [hbm4b:s2+s6], $0x20, s7, s6, $0xb8;
	[tilespmem:$0x120C0] =	vst v63  }
0x31: {  	s10 =	simm.s32 $0x94C0;
	s9 =	simm.s32 $0x460  }
0x32: {  	[tilespmem:s10], [sflag:$0x1] =	stream.indirect.gather [hbm4b:s2+s6], $0x20, s9, s6, $0xb8;
	[tilespmem:$0x120C0] =	vst v63  }
0x33: {  	s12 =	simm.s32 $0xA2C0;
	s11 =	simm.s32 $0x4D0  }
0x34: {  	[tilespmem:s12], [sflag:$0x1] =	stream.indirect.gather [hbm4b:s2+s6], $0x20, s11, s6, $0xb8;
	[tilespmem:$0x120C0] =	vst v63  }
0x35: {  	s15 =	simm.s32 $0xB0C0;
	s14 =	simm.s32 $0x540  }
0x36: {  	[tilespmem:s15], [sflag:$0x1] =	stream.indirect.gather [hbm4b:s2+s6], $0x20, s14, s6, $0xb8;
	[tilespmem:$0x120C0] =	vst v63  }
0x37: {  	s16 =	simm.s32 $0x5B0;
	s17 =	simm.s32 $0xBEC0  }
0x38: {  	[tilespmem:s17], [sflag:$0x1] =	stream.indirect.gather [hbm4b:s2+s6], $0x20, s16, s6, $0xb8;
	[tilespmem:$0x120C0] =	vst v63  }
0x39: {  	s18 =	simm.s32 $0x620;
	s19 =	simm.s32 $0xCCC0  }
0x3a: {  	[tilespmem:s19], [sflag:$0x1] =	stream.indirect.gather [hbm4b:s2+s6], $0x20, s18, s6, $0xb8;
	[tilespmem:$0x120C0] =	vst v63  }
0x3b: {  	s20 =	simm.s32 $0x690;
	s21 =	simm.s32 $0xDAC0  }
0x3c: {  	[tilespmem:s21], [sflag:$0x1] =	stream.indirect.gather [hbm4b:s2+s6], $0x20, s20, s6, $0xb8;
	[tilespmem:$0x120C0] =	vst v63  }
0x3d: {  	s22 =	simm.s32 $0x700;
	s23 =	simm.s32 $0xE8C0  }
0x3e: {  	[tilespmem:s23], [sflag:$0x1] =	stream.indirect.gather [hbm4b:s2+s6], $0x20, s22, s6, $0xb8;
	[tilespmem:$0x120C0] =	vst v63  }
0x3f: {  	s24 =	simm.s32 $0x770;
	s25 =	simm.s32 $0xF6C0  }
0x40: {  	[tilespmem:s25], [sflag:$0x1] =	stream.indirect.gather [hbm4b:s2+s6], $0x20, s24, s6, $0xb8;
	[tilespmem:$0x120C0] =	vst v63  }
0x41: {  	s28 =	simm.s32 $0x104C0;
	s26 =	simm.s32 $0x7E0  }
0x42: {  	[tilespmem:s28], [sflag:$0x1] =	stream.indirect.gather [hbm4b:s2+s6], $0x20, s26, s6, $0xb8;
	[tilespmem:$0x120C0] =	vst v63  }
0x43: {  	s30 =	simm.s32 $0x850;
	s31 =	simm.s32 $0x112C0;
	s29 =	simm.s32 $0x1  }
0x44: {  	[tilespmem:s31], [sflag:$0x1] =	stream.indirect.gather [hbm4b:s2+s6], $0x20, s30, s6, $0xb8;
	[tilespmem:$0x120C0] =	vst v63  }
0x45: {  	_ =	swait.ge [sflag:s29], $0xE00  }
0x46: {  	[sflag:s29] =	ssyncset.done $0x0  }
0x47: {  	[sflag:s29] =	ssyncadd.s32 $0xFFFFF200  }
0x48: {  	_ =	swait.ge [sflag:s29], $0xE00  }
0x49: {  	[sflag:s29] =	ssyncset.done $0x0  }
0x4a: {  	[sflag:s29] =	ssyncadd.s32 $0xFFFFF200  }
0x4b: {  	_ =	swait.ge [sflag:s29], $0xE00  }
0x4c: {  	[sflag:s29] =	ssyncset.done $0x0  }
0x4d: {  	[sflag:s29] =	ssyncadd.s32 $0xFFFFF200  }
0x4e: {  	_ =	swait.ge [sflag:s29], $0xE00  }
0x4f: {  	[sflag:s29] =	ssyncset.done $0x0  }
0x50: {  	[sflag:s29] =	ssyncadd.s32 $0xFFFFF200  }
0x51: {  	_ =	swait.ge [sflag:s29], $0xE00  }
0x52: {  	[sflag:s29] =	ssyncset.done $0x0  }
0x53: {  	[sflag:s29] =	ssyncadd.s32 $0xFFFFF200  }
0x54: {  	_ =	swait.ge [sflag:s29], $0xE00  }
0x55: {  	[sflag:s29] =	ssyncset.done $0x0  }
0x56: {  	[sflag:s29] =	ssyncadd.s32 $0xFFFFF200  }
0x57: {  	_ =	swait.ge [sflag:s29], $0xE00  }
0x58: {  	[sflag:s29] =	ssyncset.done $0x0  }
0x59: {  	[sflag:s29] =	ssyncadd.s32 $0xFFFFF200  }
0x5a: {  	_ =	swait.ge [sflag:s29], $0xE00  }
0x5b: {  	[sflag:s29] =	ssyncset.done $0x0  }
0x5c: {  	[sflag:s29] =	ssyncadd.s32 $0xFFFFF200  }
0x5d: {  	_ =	swait.ge [sflag:s29], $0xE00  }
0x5e: {  	[sflag:s29] =	ssyncset.done $0x0  }
0x5f: {  	[sflag:s29] =	ssyncadd.s32 $0xFFFFF200  }
0x60: {  	_ =	swait.ge [sflag:s29], $0xE00  }
0x61: {  	[sflag:s29] =	ssyncset.done $0x0  }
0x62: {  	[sflag:s29] =	ssyncadd.s32 $0xFFFFF200  }
0x63: {  	_ =	swait.ge [sflag:s29], $0xE00  }
0x64: {  	[sflag:s29] =	ssyncset.done $0x0  }
0x65: {  	[sflag:s29] =	ssyncadd.s32 $0xFFFFF200  }
0x66: {  	_ =	swait.ge [sflag:s29], $0xE00  }
0x67: {  	[sflag:s29] =	ssyncset.done $0x0  }
0x68: {  	[sflag:s29] =	ssyncadd.s32 $0xFFFFF200  }
0x69: {  	_ =	swait.ge [sflag:s29], $0xE00  }
0x6a: {  	[sflag:s29] =	ssyncset.done $0x0  }
0x6b: {  	[sflag:s29] =	ssyncadd.s32 $0xFFFFF200  }
0x6c: {  	_ =	swait.ge [sflag:s29], $0xE00  }
0x6d: {  	[sflag:s29] =	ssyncset.done $0x0  }
0x6e: {  	[sflag:s29] =	ssyncadd.s32 $0xFFFFF200  }
0x6f: {  	_ =	swait.ge [sflag:s29], $0xE00  }
0x70: {  	[sflag:s29] =	ssyncset.done $0x0  }
0x71: {  	[sflag:s29] =	ssyncadd.s32 $0xFFFFF200  }
0x72: {  	_ =	swait.ge [sflag:s29], $0xE00  }
0x73: {  	[sflag:s29] =	ssyncset.done $0x0  }
0x74: {  	[sflag:s29] =	ssyncadd.s32 $0xFFFFF200  }
0x75: {  	s1 =	ssub.s32 $0x2, s1;
	_ =	swait.ge [sflag:s29], $0xE00  }
0x76: {  	s13 =	sshrl.u32 s1, $0x1;
	[sflag:s29] =	ssyncset.done $0x0  }
0x77: {  	s0 =	ssub.s32 s1, s13;
	[sflag:s29] =	ssyncadd.s32 $0xFFFFF200  }
0x78: {  	s0 =	smax.u32 s0, $0x1;
	_ =	swait.ge [sflag:s29], $0xE00  }
0x79: {  	p0 =	sne.s32 s0, $0x1;
	[sflag:s29] =	ssyncset.done $0x0  }
.Ltmp0:
0x7a: {  	[sflag:s29] =	ssyncadd.s32 $0xFFFFF200;
	(pc) =	sbr.rel @!p0 .LBB2_2-.Ltmp0, $4  }
0x7b: {  	_ =	swait.ge [sflag:s29], $0xE00  }
0x7c: {  	[sflag:s29] =	ssyncset.done $0x0  }
0x7d: {  	[sflag:s29] =	ssyncadd.s32 $0xFFFFF200  }
0x7e: {  	s1 =	sadd.s32 $0xFFFFFFFF, s0;
	_ =	swait.ge [sflag:s29], $0xE00  }
.LBB2_1:
0x7f: {  	[sflag:s29] =	ssyncset.done $0x0  }
0x80: {  	s0 =	rddreg [dreg:$0x4];
	[sflag:s29] =	ssyncadd.s32 $0xFFFFF200  }
0x81: {  	[hbm4b:s0+s3] =	stream.linear.scatter [tilespmem:s5], [sflag:$0x2], $0x11800, $0x38;
	[tilespmem:$0x120C0] =	vst v63  }
0x82: {  	_ =	swait.ge [sflag:s4], $0x11800  }
0x83: {  	[sflag:s4] =	ssyncset.done $0x0  }
0x84: {  	s11 =	rddreg [dreg:$0x3];
	[sflag:s4] =	ssyncadd.s32 $0xFFFEE800  }
0x85: {  	[tilespmem:s3], [sflag:$0x2] =	stream.linear.gather [hbm4b:s11+s3], $0x8C0, $0x38;
	[tilespmem:$0x120C0] =	vst v63  }
0x86: {  	_ =	swait.ge [sflag:s4], $0x8C0  }
0x87: {  	s0 =	rddreg [dreg:$0x11]  }
0x88: {  	s7 =	rddreg [dreg:$0xf]  }
0x89: {  	s8 =	rddreg [dreg:$0xd]  }
0x8a: {  	s9 =	rddreg [dreg:$0xb]  }
0x8b: {  	s10 =	rddreg [dreg:$0x6];
	[sflag:s4] =	ssyncset.done $0x0  }
0x8c: {  	s11 =	rddreg [dreg:$0x5];
	[sflag:s4] =	ssyncadd.s32 $0xFFFFF740  }
0x8d: {  	[tilespmem:s5], [sflag:$0x1] =	stream.indirect.gather [hbm4b:s2+s6], $0x20, s3, s6, $0xb8;
	[tilespmem:$0x120C0] =	vst v63  }
0x8e: {  	s12 =	rddreg [dreg:$0x7]  }
0x8f: {  	[tilespmem:s11], [sflag:$0x1] =	stream.indirect.gather [hbm4b:s2+s6], $0x20, s6, s6, $0xb8;
	[tilespmem:$0x120C0] =	vst v63  }
0x90: {  	s13 =	rddreg [dreg:$0x9]  }
0x91: {  	[tilespmem:s12], [sflag:$0x1] =	stream.indirect.gather [hbm4b:s2+s6], $0x20, s10, s6, $0xb8;
	[tilespmem:$0x120C0] =	vst v63  }
0x92: {  	s11 =	rddreg [dreg:$0x8]  }
0x93: {  	[tilespmem:s13], [sflag:$0x1] =	stream.indirect.gather [hbm4b:s2+s6], $0x20, s11, s6, $0xb8;
	[tilespmem:$0x120C0] =	vst v63  }
0x94: {  	s12 =	rddreg [dreg:$0xa]  }
0x95: {  	[tilespmem:s9], [sflag:$0x1] =	stream.indirect.gather [hbm4b:s2+s6], $0x20, s12, s6, $0xb8;
	[tilespmem:$0x120C0] =	vst v63  }
0x96: {  	s13 =	rddreg [dreg:$0xc]  }
0x97: {  	[tilespmem:s8], [sflag:$0x1] =	stream.indirect.gather [hbm4b:s2+s6], $0x20, s13, s6, $0xb8;
	[tilespmem:$0x120C0] =	vst v63  }
0x98: {  	s10 =	rddreg [dreg:$0xe]  }
0x99: {  	[tilespmem:s7], [sflag:$0x1] =	stream.indirect.gather [hbm4b:s2+s6], $0x20, s10, s6, $0xb8;
	[tilespmem:$0x120C0] =	vst v63  }
0x9a: {  	s11 =	rddreg [dreg:$0x10]  }
0x9b: {  	[tilespmem:s0], [sflag:$0x1] =	stream.indirect.gather [hbm4b:s2+s6], $0x20, s11, s6, $0xb8;
	[tilespmem:$0x120C0] =	vst v63  }
0x9c: {  	s12 =	rddreg [dreg:$0x12];
	s13 =	simm.s32 $0x78C0  }
0x9d: {  	[tilespmem:s13], [sflag:$0x1] =	stream.indirect.gather [hbm4b:s2+s6], $0x20, s12, s6, $0xb8;
	[tilespmem:$0x120C0] =	vst v63  }
0x9e: {  	s9 =	simm.s32 $0x86C0;
	s8 =	simm.s32 $0x3F0  }
0x9f: {  	[tilespmem:s9], [sflag:$0x1] =	stream.indirect.gather [hbm4b:s2+s6], $0x20, s8, s6, $0xb8;
	[tilespmem:$0x120C0] =	vst v63  }
0xa0: {  	s10 =	simm.s32 $0x460;
	s11 =	simm.s32 $0x94C0  }
0xa1: {  	[tilespmem:s11], [sflag:$0x1] =	stream.indirect.gather [hbm4b:s2+s6], $0x20, s10, s6, $0xb8;
	[tilespmem:$0x120C0] =	vst v63  }
0xa2: {  	s12 =	simm.s32 $0x4D0;
	s13 =	simm.s32 $0xA2C0  }
0xa3: {  	[tilespmem:s13], [sflag:$0x1] =	stream.indirect.gather [hbm4b:s2+s6], $0x20, s12, s6, $0xb8;
	[tilespmem:$0x120C0] =	vst v63  }
0xa4: {  	_ = 	snop  }
0xa5: {  	[tilespmem:s15], [sflag:$0x1] =	stream.indirect.gather [hbm4b:s2+s6], $0x20, s14, s6, $0xb8;
	[tilespmem:$0x120C0] =	vst v63  }
0xa6: {  	_ = 	snop  }
0xa7: {  	[tilespmem:s17], [sflag:$0x1] =	stream.indirect.gather [hbm4b:s2+s6], $0x20, s16, s6, $0xb8;
	[tilespmem:$0x120C0] =	vst v63  }
0xa8: {  	_ = 	snop  }
0xa9: {  	[tilespmem:s19], [sflag:$0x1] =	stream.indirect.gather [hbm4b:s2+s6], $0x20, s18, s6, $0xb8;
	[tilespmem:$0x120C0] =	vst v63  }
0xaa: {  	_ = 	snop  }
0xab: {  	[tilespmem:s21], [sflag:$0x1] =	stream.indirect.gather [hbm4b:s2+s6], $0x20, s20, s6, $0xb8;
	[tilespmem:$0x120C0] =	vst v63  }
0xac: {  	_ = 	snop  }
0xad: {  	[tilespmem:s23], [sflag:$0x1] =	stream.indirect.gather [hbm4b:s2+s6], $0x20, s22, s6, $0xb8;
	[tilespmem:$0x120C0] =	vst v63  }
0xae: {  	_ = 	snop  }
0xaf: {  	[tilespmem:s25], [sflag:$0x1] =	stream.indirect.gather [hbm4b:s2+s6], $0x20, s24, s6, $0xb8;
	[tilespmem:$0x120C0] =	vst v63  }
0xb0: {  	_ = 	snop  }
0xb1: {  	[tilespmem:s28], [sflag:$0x1] =	stream.indirect.gather [hbm4b:s2+s6], $0x20, s26, s6, $0xb8;
	[tilespmem:$0x120C0] =	vst v63  }
0xb2: {  	_ = 	snop  }
0xb3: {  	[tilespmem:s31], [sflag:$0x1] =	stream.indirect.gather [hbm4b:s2+s6], $0x20, s30, s6, $0xb8;
	[tilespmem:$0x120C0] =	vst v63  }
0xb4: {  	_ =	swait.ge [sflag:s29], $0xE00  }
0xb5: {  	[sflag:s29] =	ssyncset.done $0x0  }
0xb6: {  	[sflag:s29] =	ssyncadd.s32 $0xFFFFF200  }
0xb7: {  	_ =	swait.ge [sflag:s29], $0xE00  }
0xb8: {  	[sflag:s29] =	ssyncset.done $0x0  }
0xb9: {  	[sflag:s29] =	ssyncadd.s32 $0xFFFFF200  }
0xba: {  	_ =	swait.ge [sflag:s29], $0xE00  }
0xbb: {  	[sflag:s29] =	ssyncset.done $0x0  }
0xbc: {  	[sflag:s29] =	ssyncadd.s32 $0xFFFFF200  }
0xbd: {  	_ =	swait.ge [sflag:s29], $0xE00  }
0xbe: {  	[sflag:s29] =	ssyncset.done $0x0  }
0xbf: {  	[sflag:s29] =	ssyncadd.s32 $0xFFFFF200  }
0xc0: {  	_ =	swait.ge [sflag:s29], $0xE00  }
0xc1: {  	[sflag:s29] =	ssyncset.done $0x0  }
0xc2: {  	[sflag:s29] =	ssyncadd.s32 $0xFFFFF200  }
0xc3: {  	_ =	swait.ge [sflag:s29], $0xE00  }
0xc4: {  	[sflag:s29] =	ssyncset.done $0x0  }
0xc5: {  	[sflag:s29] =	ssyncadd.s32 $0xFFFFF200  }
0xc6: {  	_ =	swait.ge [sflag:s29], $0xE00  }
0xc7: {  	[sflag:s29] =	ssyncset.done $0x0  }
0xc8: {  	[sflag:s29] =	ssyncadd.s32 $0xFFFFF200  }
0xc9: {  	_ =	swait.ge [sflag:s29], $0xE00  }
0xca: {  	[sflag:s29] =	ssyncset.done $0x0  }
0xcb: {  	[sflag:s29] =	ssyncadd.s32 $0xFFFFF200  }
0xcc: {  	_ =	swait.ge [sflag:s29], $0xE00  }
0xcd: {  	[sflag:s29] =	ssyncset.done $0x0  }
0xce: {  	[sflag:s29] =	ssyncadd.s32 $0xFFFFF200  }
0xcf: {  	_ =	swait.ge [sflag:s29], $0xE00  }
0xd0: {  	[sflag:s29] =	ssyncset.done $0x0  }
0xd1: {  	[sflag:s29] =	ssyncadd.s32 $0xFFFFF200  }
0xd2: {  	_ =	swait.ge [sflag:s29], $0xE00  }
0xd3: {  	[sflag:s29] =	ssyncset.done $0x0  }
0xd4: {  	[sflag:s29] =	ssyncadd.s32 $0xFFFFF200  }
0xd5: {  	_ =	swait.ge [sflag:s29], $0xE00  }
0xd6: {  	[sflag:s29] =	ssyncset.done $0x0  }
0xd7: {  	[sflag:s29] =	ssyncadd.s32 $0xFFFFF200  }
0xd8: {  	_ =	swait.ge [sflag:s29], $0xE00  }
0xd9: {  	[sflag:s29] =	ssyncset.done $0x0  }
0xda: {  	[sflag:s29] =	ssyncadd.s32 $0xFFFFF200  }
0xdb: {  	_ =	swait.ge [sflag:s29], $0xE00  }
0xdc: {  	[sflag:s29] =	ssyncset.done $0x0  }
0xdd: {  	[sflag:s29] =	ssyncadd.s32 $0xFFFFF200  }
0xde: {  	_ =	swait.ge [sflag:s29], $0xE00  }
0xdf: {  	[sflag:s29] =	ssyncset.done $0x0  }
0xe0: {  	[sflag:s29] =	ssyncadd.s32 $0xFFFFF200  }
0xe1: {  	_ =	swait.ge [sflag:s29], $0xE00  }
0xe2: {  	[sflag:s29] =	ssyncset.done $0x0  }
0xe3: {  	[sflag:s29] =	ssyncadd.s32 $0xFFFFF200  }
0xe4: {  	_ =	swait.ge [sflag:s29], $0xE00  }
0xe5: {  	[sflag:s29] =	ssyncset.done $0x0  }
0xe6: {  	[sflag:s29] =	ssyncadd.s32 $0xFFFFF200  }
0xe7: {  	_ =	swait.ge [sflag:s29], $0xE00  }
0xe8: {  	p0 =	sne.s32 s1, $0x1;
	[sflag:s29] =	ssyncset.done $0x0  }
.Ltmp1:
0xe9: {  	[sflag:s29] =	ssyncadd.s32 $0xFFFFF200;
	(pc) =	sbr.rel @p0 .LBB2_1-.Ltmp1, $4  }
0xea: {  	_ =	swait.ge [sflag:s29], $0xE00  }
0xeb: {  	[sflag:s29] =	ssyncset.done $0x0  }
0xec: {  	[sflag:s29] =	ssyncadd.s32 $0xFFFFF200  }
0xed: {  	s1 =	sadd.s32 $0xFFFFFFFF, s1;
	_ =	swait.ge [sflag:s29], $0xE00  }
.LBB2_2:
0xee: {  	[sflag:s29] =	ssyncset.done $0x0  }
0xef: {  	s0 =	rddreg [dreg:$0x4];
	[sflag:s29] =	ssyncadd.s32 $0xFFFFF200  }
0xf0: {  	[hbm4b:s0+s3] =	stream.linear.scatter [tilespmem:s5], [sflag:$0x2], $0x11800, $0x38;
	[tilespmem:$0x120C0] =	vst v63  }
0xf1: {  	_ =	swait.ge [sflag:s4], $0x11800  }
0xf2: {  	[sflag:s4] =	ssyncset.done $0x0  }
0xf3: {  	[sflag:s4] =	ssyncadd.s32 $0xFFFEE800  }
0xf4: {  	_ =	sfence.sel $0x180000  }
0xf5: {  	[bflag:$0x0] =	sbarrier.arrive $0xFFFF  }
0xf6: {  	_ =	strace $0x90000047  }
0xf7: {  	s31 =	stileid.u32;
	[bflag:$0x2] =	sbarrier.arrive $0xFFFF  }
0xf8: {  	p0 =	sne.s32 s31, $0x0;
	s0 =	rddreg [dreg:$0x2]  }
0xf9: {  	s0 =	sadd.s32 @!p0 $0x100000, s0  }
0xfa: {  	[sflag:s0] =	ssyncadd.tile.s32 @!p0 $0x1;
	_ =	shalt  }
.Lfunc_end2:
_tile_overlayer_lowered:
.L_overlay_start_2:
0xfb: {  	(tag) =	ssettag $0x2  }
0xfc: {  	s0 =	rddreg [dreg:$0x0];
	s2 =	stileid.u32  }
0xfd: {  	s1 =	rddreg [dreg:$0x1];
	p0 =	sne.s32 s2, $0x0  }
0xfe: {  	s3 =	rddreg [dreg:$0x2];
	[bflag:$0x3] =	sbarrier.arrive $0xFFFF;
	s2 =	simm.s32 @!p0 $0x1C02  }
0xff: {  	[timem:s3], [sflag:s2] =	dma.local @!p0 [hbm:s0], s1  }
0x100: {  	s0 =	simm.s32 @!p0 $0x2  }
0x101: {  	_ =	swait.ge @!p0 [sflag:s0], s1  }
0x102: {  	s1 =	ssub.s32 @!p0 $0x0, s1;
	[sflag:s0] =	ssyncset.done @!p0 $0x0  }
0x103: {  	[sflag:s0] =	ssyncadd.s32 @!p0 s1  }
0x104: {  	[bflag:$0x3] =	sbarrier.arrive $0xFFFF  }
0x105: {  	_ =	shalt  }

</sc_bundles>
